<compile_context>
chip_gen: v7x
topology: tpu7x:2x2x1
jax: 0.10.2.dev20260603
libtpu: 0.0.44.dev20260713+nightly
codegen_flags: <defaults>
</compile_context>

<pallas_src>
import functools

import jax
import jax.numpy as jnp
from jax import lax
from jax.experimental import pallas as pl
from jax.experimental.pallas import tpu as pltpu
from jax.experimental.pallas import tpu_sc as plsc

_N = 10000
_E = 160000
_INC = 256
_OUTC = 256
_K = 27
_EPS = 1e-5

_HALF = 128
_HCOLS = _K * _HALF
_NS = 16
_EPT = _E // _NS
_CH = 16
_G = 25
_NSUP = _EPT // (_G * _CH)
_NBUF = 5
_NPAD = 10240
_RPT = _NPAD // _NS


def _mm_body(x_ref, w_ref, o_ref):
    for kk in range(o_ref.shape[0]):
        o_ref[kk, :, :] = jnp.dot(x_ref[...], w_ref[kk],
                                  preferred_element_type=jnp.float32)


def _matmul_half(xb, wb, half):
    BN, KB = 1000, 9
    return pl.pallas_call(
        _mm_body,
        grid=(_N // BN, _K // KB),
        in_specs=[pl.BlockSpec((BN, _INC), lambda i, j: (i, 0)),
                  pl.BlockSpec((KB, _INC, _HALF),
                               lambda i, j: (j, 0, half))],
        out_specs=pl.BlockSpec((KB, BN, _HALF), lambda i, j: (j, i, 0)),
        out_shape=jax.ShapeDtypeStruct((_K, _N, _HALF), jnp.float32),
    )(xb, wb)


_sc_mesh = plsc.VectorSubcoreMesh(core_axis_name="c", subcore_axis_name="s")


@functools.partial(
    pl.kernel,
    out_type=(jax.ShapeDtypeStruct((_NPAD, _HALF), jnp.float32),
              jax.ShapeDtypeStruct((_NPAD, _HALF), jnp.float32)),
    mesh=_sc_mesh,
    scratch_types=[
        pltpu.VMEM((2, _G, _CH), jnp.int32),
        pltpu.VMEM((_NBUF * _CH, _HALF), jnp.float32),
        pltpu.VMEM_SHARED((_NPAD, _HALF), jnp.float32),
        [pltpu.SemaphoreType.DMA] * _NBUF,
        [pltpu.SemaphoreType.DMA] * _NBUF,
    ],
)
def _sc_scatter(addr_hbm, dst_hbm, hlo_hbm, hhi_hbm,
                outlo_hbm, outhi_hbm,
                ipack_v, rows_v, acc, gsems, ssems):
    c = lax.axis_index("c")
    s = lax.axis_index("s")

    def zrow(r, _):
        for j in range(_HALF // 16):
            rows_v[r, pl.ds(16 * j, 16)] = jnp.zeros((16,), jnp.float32)
        return 0

    lax.fori_loop(0, _NBUF * _CH, zrow, 0)
    for m in range(_RPT // (_NBUF * _CH)):
        pltpu.sync_copy(
            rows_v, acc.at[pl.ds(s * _RPT + m * (_NBUF * _CH), _NBUF * _CH)])
    plsc.subcore_barrier()

    def run(table_hbm, out_hbm):
        def sup_body(si, _):
            pltpu.sync_copy(addr_hbm.at[s, si], ipack_v.at[0])
            pltpu.sync_copy(dst_hbm.at[s, si], ipack_v.at[1])

            def grp_body(k, _):
                base = k * _NBUF
                gs = []
                for b in range(_NBUF):
                    rv = rows_v.at[pl.ds(b * _CH, _CH)]

                    @pl.when(k > 0)
                    def _(b=b, rv=rv):
                        pltpu.make_async_copy(
                            rv, acc.at[ipack_v.at[1, base + b]],
                            ssems[b]).wait()
                    gs.append(pltpu.async_copy(
                        table_hbm.at[ipack_v.at[0, base + b]],
                        rv, gsems[b]))
                for b in range(_NBUF):
                    gs[b].wait()
                    pltpu.async_copy(rows_v.at[pl.ds(b * _CH, _CH)],
                                     acc.at[ipack_v.at[1, base + b]],
                                     ssems[b], add=True)
                return 0

            lax.fori_loop(0, _G // _NBUF, grp_body, 0)
            last = (_G // _NBUF - 1) * _NBUF
            for b in range(_NBUF):
                pltpu.make_async_copy(rows_v.at[pl.ds(b * _CH, _CH)],
                                      acc.at[ipack_v.at[1, last + b]],
                                      ssems[b]).wait()
            return 0

        lax.fori_loop(0, _NSUP, sup_body, 0)
        plsc.subcore_barrier()
        pltpu.sync_copy(acc.at[pl.ds(s * _RPT, _RPT)],
                        out_hbm.at[pl.ds(s * _RPT, _RPT)])

    @pl.when(c == 0)
    def _():
        run(hlo_hbm, outlo_hbm)

    @pl.when(c == 1)
    def _():
        run(hhi_hbm, outhi_hbm)


def _stats_body(lo_ref, hi_ref, sum_ref, sq_ref, acc_s, acc_q):
    i = pl.program_id(0)

    @pl.when(i == 0)
    def _():
        acc_s[...] = jnp.zeros_like(acc_s)
        acc_q[...] = jnp.zeros_like(acc_q)

    v = jnp.concatenate([lo_ref[...], hi_ref[...]], axis=1)
    acc_s[...] += jnp.sum(v, axis=0, keepdims=True)
    acc_q[...] += jnp.sum(v * v, axis=0, keepdims=True)

    @pl.when(i == pl.num_programs(0) - 1)
    def _():
        sum_ref[...] = acc_s[...]
        sq_ref[...] = acc_q[...]


def _apply_body(lo_ref, hi_ref, sum_ref, sq_ref, g_ref, b_ref, o_ref):
    mu = sum_ref[...] / _N
    var = sq_ref[...] / _N - mu * mu
    scale = g_ref[...] * lax.rsqrt(var + _EPS)
    shift = b_ref[...] - mu * scale
    ylo = lo_ref[...] * scale[:, :_HALF] + shift[:, :_HALF]
    yhi = hi_ref[...] * scale[:, _HALF:] + shift[:, _HALF:]
    o_ref[:, :_HALF] = jnp.maximum(ylo, 0.0)
    o_ref[:, _HALF:] = jnp.maximum(yhi, 0.0)


def _batchnorm_relu(out_lo, out_hi, gamma, beta):
    BS = 2000
    g2 = gamma.reshape(1, _OUTC)
    b2 = beta.reshape(1, _OUTC)
    sums, sqs = pl.pallas_call(
        _stats_body,
        grid=(_N // BS,),
        in_specs=[pl.BlockSpec((BS, _HALF), lambda i: (i, 0)),
                  pl.BlockSpec((BS, _HALF), lambda i: (i, 0))],
        out_specs=[pl.BlockSpec((1, _OUTC), lambda i: (0, 0)),
                   pl.BlockSpec((1, _OUTC), lambda i: (0, 0))],
        out_shape=[jax.ShapeDtypeStruct((1, _OUTC), jnp.float32),
                   jax.ShapeDtypeStruct((1, _OUTC), jnp.float32)],
        scratch_shapes=[pltpu.VMEM((1, _OUTC), jnp.float32),
                        pltpu.VMEM((1, _OUTC), jnp.float32)],
    )(out_lo, out_hi)
    return pl.pallas_call(
        _apply_body,
        grid=(_N // BS,),
        in_specs=[pl.BlockSpec((BS, _HALF), lambda i: (i, 0)),
                  pl.BlockSpec((BS, _HALF), lambda i: (i, 0)),
                  pl.BlockSpec((1, _OUTC), lambda i: (0, 0)),
                  pl.BlockSpec((1, _OUTC), lambda i: (0, 0)),
                  pl.BlockSpec((1, _OUTC), lambda i: (0, 0)),
                  pl.BlockSpec((1, _OUTC), lambda i: (0, 0))],
        out_specs=pl.BlockSpec((BS, _OUTC), lambda i: (i, 0)),
        out_shape=jax.ShapeDtypeStruct((_N, _OUTC), jnp.float32),
    )(out_lo, out_hi, sums, sqs, g2, b2)


def kernel(x, W, gamma, beta, edge_index, kernel_idx):
    addr = kernel_idx * _N + edge_index[0]
    addr4 = addr.reshape(_NS, _NSUP, _G, _CH)
    dst4 = edge_index[1].reshape(_NS, _NSUP, _G, _CH)
    wb = W.astype(jnp.bfloat16)
    xb = x.astype(jnp.bfloat16)
    h_lo = _matmul_half(xb, wb, 0).reshape(_K * _N, _HALF)
    h_hi = _matmul_half(xb, wb, 1).reshape(_K * _N, _HALF)
    out_lo, out_hi = _sc_scatter(addr4, dst4, h_lo, h_hi)
    return _batchnorm_relu(out_lo, out_hi, gamma, beta)

# --- scband reference (transcript-rebuilt; emitter-appended) ---
"""Pipeline reference for scband-basic-convolution-block4d-4063039062841 (READ-ONLY COPY).

The authoritative reference and input builder live on the scoring server;
editing this copy changes nothing except your own understanding.
"""

import jax, jax.numpy as jnp
import numpy as np

N = 10000
E = 160000
INC = 256
OUTC = 256
K = 27  # kernel volume for (3,3,3,1) hypercube, dimension=3 spatial x 1 temporal
EPS = 1e-5


def setup_inputs(seed: int = 0) -> dict:
    key = jax.random.key(seed)
    k1, k2, k3, k4 = jax.random.split(key, 4)
    x = jax.random.normal(k1, (N, INC), dtype=jnp.float32)
    edge_index = jax.random.randint(k2, (2, E), 0, N, dtype=jnp.int32)
    kernel_idx = jax.random.randint(k3, (E,), 0, K, dtype=jnp.int32)
    # MinkowskiConvolution weights: one [inc, outc] matrix per kernel offset
    W = jax.random.normal(k4, (K, INC, OUTC), dtype=jnp.float32) * (1.0 / np.sqrt(INC * K))
    # MinkowskiBatchNorm params, initialized per the module: weight=1, bias=0
    gamma = jnp.ones((OUTC,), dtype=jnp.float32)
    beta = jnp.zeros((OUTC,), dtype=jnp.float32)
    return {"x": x, "W": W, "gamma": gamma, "beta": beta,
            "edge_index": edge_index, "kernel_idx": kernel_idx}


def reference(x, W, gamma, beta, edge_index, kernel_idx):
    # Sparse convolution (Minkowski gather-matmul-scatter), stride=1 so
    # output coords == input coords (N_out = N_in).
    src = edge_index[0]
    dst = edge_index[1]
    # Transform every point feature by every kernel-offset weight matrix,
    # then gather the (src, kernel_offset) contribution per neighbor-map entry.
    h = jnp.einsum('nd,kdo->nko', x, W)            # [N, K, OUTC]
    msgs = h[src, kernel_idx]                      # [E, OUTC] gather
    out = jnp.zeros((x.shape[0], W.shape[2]), dtype=x.dtype).at[dst].add(msgs)  # scatter-add
    # MinkowskiBatchNorm (training-mode batch statistics over points)
    mean = jnp.mean(out, axis=0)
    var = jnp.var(out, axis=0)
    xn = (out - mean) / jnp.sqrt(var + EPS)
    y = gamma * xn + beta
    # MinkowskiReLU
    return jax.nn.relu(y)

if __name__ == "__main__":
    import jax
    _d = setup_inputs()
    print(jax.jit(kernel)(*tuple(_d.values())))

</pallas_src>

<mosaic_0001>
#map = affine_map<(d0, d1) -> (0, 0, 0, 0)>
#map1 = affine_map<(d0, d1) -> (0, 0)>
module attributes {stable_mosaic.version = 14 : i64} {
  func.func @_sc_scatter(%arg0: i32, %arg1: i32, %arg2: memref<16x25x25x16xi32, #tpu.memory_space<hbm>>, %arg3: memref<16x25x25x16xi32, #tpu.memory_space<hbm>>, %arg4: memref<270000x128xf32, #tpu.memory_space<hbm>>, %arg5: memref<270000x128xf32, #tpu.memory_space<hbm>>, %arg6: memref<10240x128xf32, #tpu.memory_space<hbm>>, %arg7: memref<10240x128xf32, #tpu.memory_space<hbm>>, %arg8: memref<2x25x16xi32, #tpu.memory_space<vmem>>, %arg9: memref<80x128xf32, #tpu.memory_space<vmem>>, %arg10: memref<10240x128xf32, #tpu.memory_space<vmem_shared>>, %arg11: memref<!tpu.dma_semaphore, #tpu.memory_space<semaphore_mem>>, %arg12: memref<!tpu.dma_semaphore, #tpu.memory_space<semaphore_mem>>, %arg13: memref<!tpu.dma_semaphore, #tpu.memory_space<semaphore_mem>>, %arg14: memref<!tpu.dma_semaphore, #tpu.memory_space<semaphore_mem>>, %arg15: memref<!tpu.dma_semaphore, #tpu.memory_space<semaphore_mem>>, %arg16: memref<!tpu.dma_semaphore, #tpu.memory_space<semaphore_mem>>, %arg17: memref<!tpu.dma_semaphore, #tpu.memory_space<semaphore_mem>>, %arg18: memref<!tpu.dma_semaphore, #tpu.memory_space<semaphore_mem>>, %arg19: memref<!tpu.dma_semaphore, #tpu.memory_space<semaphore_mem>>, %arg20: memref<!tpu.dma_semaphore, #tpu.memory_space<semaphore_mem>>) attributes {dimension_semantics = [#tpu.dimension_semantics<core_parallel>, #tpu.dimension_semantics<subcore_parallel>], iteration_bounds = array<i64: 2, 16>, scalar_prefetch = 0 : i64, scratch_operands = 13 : i64, tpu.core_type = #tpu.core_type<sc_vector_subcore>, window_params = [{transform_indices = #map}, {transform_indices = #map}, {transform_indices = #map1}, {transform_indices = #map1}, {transform_indices = #map1}, {transform_indices = #map1}]} {
    %scan3A = arith.constant 0 : i32
    %scan3A_0 = arith.constant 0 : i32
    %scan3A_1 = arith.constant 80 : i32
    %scan3A_2 = arith.addi %scan3A_0, %scan3A_1 : i32
    %scan3A_3 = arith.constant 1 : i32
    %scan3A_4 = scf.for %scan3A_43 = %scan3A_0 to %scan3A_2 step %scan3A_3 iter_args(%scan3A_44 = %scan3A) -> (i32)  : i32 {
      %broadcast_in_dim3A = arith.constant 0.000000e+00 : f32
      %broadcast_in_dim3A_45 = vector.broadcast %broadcast_in_dim3A : f32 to vector<16xf32>
      %swap3A = arith.index_cast %scan3A_43 : i32 to index
      %swap3A_46 = arith.constant 0 : index
      %swap3A_47 = tpu.vector_load %arg9[%swap3A, %swap3A_46] {strides = array<i32>} : memref<80x128xf32, #tpu.memory_space<vmem>>, vector<1x16xf32>,
      %swap3A_48 = vector.shape_cast %swap3A_47 : vector<1x16xf32> to vector<16xf32>
      %swap3A_49 = vector.shape_cast %broadcast_in_dim3A_45 : vector<16xf32> to vector<1x16xf32>
      tpu.vector_store %arg9[%swap3A, %swap3A_46], %swap3A_49 {strides = array<i32>} : memref<80x128xf32, #tpu.memory_space<vmem>>, vector<1x16xf32>,
      %broadcast_in_dim3A_50 = arith.constant 0.000000e+00 : f32
      %broadcast_in_dim3A_51 = vector.broadcast %broadcast_in_dim3A_50 : f32 to vector<16xf32>
      %swap3A_52 = arith.index_cast %scan3A_43 : i32 to index
      %swap3A_53 = arith.constant 16 : index
      %swap3A_54 = tpu.vector_load %arg9[%swap3A_52, %swap3A_53] {strides = array<i32>} : memref<80x128xf32, #tpu.memory_space<vmem>>, vector<1x16xf32>,
      %swap3A_55 = vector.shape_cast %swap3A_54 : vector<1x16xf32> to vector<16xf32>
      %swap3A_56 = vector.shape_cast %broadcast_in_dim3A_51 : vector<16xf32> to vector<1x16xf32>
      tpu.vector_store %arg9[%swap3A_52, %swap3A_53], %swap3A_56 {strides = array<i32>} : memref<80x128xf32, #tpu.memory_space<vmem>>, vector<1x16xf32>,
      %broadcast_in_dim3A_57 = arith.constant 0.000000e+00 : f32
      %broadcast_in_dim3A_58 = vector.broadcast %broadcast_in_dim3A_57 : f32 to vector<16xf32>
      %swap3A_59 = arith.index_cast %scan3A_43 : i32 to index
      %swap3A_60 = arith.constant 32 : index
      %swap3A_61 = tpu.vector_load %arg9[%swap3A_59, %swap3A_60] {strides = array<i32>} : memref<80x128xf32, #tpu.memory_space<vmem>>, vector<1x16xf32>,
      %swap3A_62 = vector.shape_cast %swap3A_61 : vector<1x16xf32> to vector<16xf32>
      %swap3A_63 = vector.shape_cast %broadcast_in_dim3A_58 : vector<16xf32> to vector<1x16xf32>
      tpu.vector_store %arg9[%swap3A_59, %swap3A_60], %swap3A_63 {strides = array<i32>} : memref<80x128xf32, #tpu.memory_space<vmem>>, vector<1x16xf32>,
      %broadcast_in_dim3A_64 = arith.constant 0.000000e+00 : f32
      %broadcast_in_dim3A_65 = vector.broadcast %broadcast_in_dim3A_64 : f32 to vector<16xf32>
      %swap3A_66 = arith.index_cast %scan3A_43 : i32 to index
      %swap3A_67 = arith.constant 48 : index
      %swap3A_68 = tpu.vector_load %arg9[%swap3A_66, %swap3A_67] {strides = array<i32>} : memref<80x128xf32, #tpu.memory_space<vmem>>, vector<1x16xf32>,
      %swap3A_69 = vector.shape_cast %swap3A_68 : vector<1x16xf32> to vector<16xf32>
      %swap3A_70 = vector.shape_cast %broadcast_in_dim3A_65 : vector<16xf32> to vector<1x16xf32>
      tpu.vector_store %arg9[%swap3A_66, %swap3A_67], %swap3A_70 {strides = array<i32>} : memref<80x128xf32, #tpu.memory_space<vmem>>, vector<1x16xf32>,
      %broadcast_in_dim3A_71 = arith.constant 0.000000e+00 : f32
      %broadcast_in_dim3A_72 = vector.broadcast %broadcast_in_dim3A_71 : f32 to vector<16xf32>
      %swap3A_73 = arith.index_cast %scan3A_43 : i32 to index
      %swap3A_74 = arith.constant 64 : index
      %swap3A_75 = tpu.vector_load %arg9[%swap3A_73, %swap3A_74] {strides = array<i32>} : memref<80x128xf32, #tpu.memory_space<vmem>>, vector<1x16xf32>,
      %swap3A_76 = vector.shape_cast %swap3A_75 : vector<1x16xf32> to vector<16xf32>
      %swap3A_77 = vector.shape_cast %broadcast_in_dim3A_72 : vector<16xf32> to vector<1x16xf32>
      tpu.vector_store %arg9[%swap3A_73, %swap3A_74], %swap3A_77 {strides = array<i32>} : memref<80x128xf32, #tpu.memory_space<vmem>>, vector<1x16xf32>,
      %broadcast_in_dim3A_78 = arith.constant 0.000000e+00 : f32
      %broadcast_in_dim3A_79 = vector.broadcast %broadcast_in_dim3A_78 : f32 to vector<16xf32>
      %swap3A_80 = arith.index_cast %scan3A_43 : i32 to index
      %swap3A_81 = arith.constant 80 : index
      %swap3A_82 = tpu.vector_load %arg9[%swap3A_80, %swap3A_81] {strides = array<i32>} : memref<80x128xf32, #tpu.memory_space<vmem>>, vector<1x16xf32>,
      %swap3A_83 = vector.shape_cast %swap3A_82 : vector<1x16xf32> to vector<16xf32>
      %swap3A_84 = vector.shape_cast %broadcast_in_dim3A_79 : vector<16xf32> to vector<1x16xf32>
      tpu.vector_store %arg9[%swap3A_80, %swap3A_81], %swap3A_84 {strides = array<i32>} : memref<80x128xf32, #tpu.memory_space<vmem>>, vector<1x16xf32>,
      %broadcast_in_dim3A_85 = arith.constant 0.000000e+00 : f32
      %broadcast_in_dim3A_86 = vector.broadcast %broadcast_in_dim3A_85 : f32 to vector<16xf32>
      %swap3A_87 = arith.index_cast %scan3A_43 : i32 to index
      %swap3A_88 = arith.constant 96 : index
      %swap3A_89 = tpu.vector_load %arg9[%swap3A_87, %swap3A_88] {strides = array<i32>} : memref<80x128xf32, #tpu.memory_space<vmem>>, vector<1x16xf32>,
      %swap3A_90 = vector.shape_cast %swap3A_89 : vector<1x16xf32> to vector<16xf32>
      %swap3A_91 = vector.shape_cast %broadcast_in_dim3A_86 : vector<16xf32> to vector<1x16xf32>
      tpu.vector_store %arg9[%swap3A_87, %swap3A_88], %swap3A_91 {strides = array<i32>} : memref<80x128xf32, #tpu.memory_space<vmem>>, vector<1x16xf32>,
      %broadcast_in_dim3A_92 = arith.constant 0.000000e+00 : f32
      %broadcast_in_dim3A_93 = vector.broadcast %broadcast_in_dim3A_92 : f32 to vector<16xf32>
      %swap3A_94 = arith.index_cast %scan3A_43 : i32 to index
      %swap3A_95 = arith.constant 112 : index
      %swap3A_96 = tpu.vector_load %arg9[%swap3A_94, %swap3A_95] {strides = array<i32>} : memref<80x128xf32, #tpu.memory_space<vmem>>, vector<1x16xf32>,
      %swap3A_97 = vector.shape_cast %swap3A_96 : vector<1x16xf32> to vector<16xf32>
      %swap3A_98 = vector.shape_cast %broadcast_in_dim3A_93 : vector<16xf32> to vector<1x16xf32>
      tpu.vector_store %arg9[%swap3A_94, %swap3A_95], %swap3A_98 {strides = array<i32>} : memref<80x128xf32, #tpu.memory_space<vmem>>, vector<1x16xf32>,
      %scan3A_99 = arith.constant 0 : i32
      scf.yield %scan3A_99 : i32
    }
    %scan3A_5 = arith.constant 80 : i32
    %mul3A = arith.constant 640 : i32
    %mul3A_6 = arith.muli %arg1, %mul3A : i32
    %add3A = arith.constant 0 : i32
    %add3A_7 = arith.addi %mul3A_6, %add3A : i32
    "tpu.region"() ({
      %run_scoped3A = tpu.sem_alloc : memref<!tpu.dma_semaphore, #tpu.memory_space<semaphore_mem>>
      %dma_start3A = arith.constant 0 : i32
      %dma_start3A_43 = tpu.memref_slice %arg10[%add3A_7, %dma_start3A] : memref<10240x128xf32, #tpu.memory_space<vmem_shared>> -> memref<80x128xf32, #tpu.memory_space<vmem_shared>>
      %dma_start3A_44 = arith.constant 0 : i32
      %dma_start3A_45 = tpu.memref_slice %arg10[%add3A_7, %dma_start3A_44] : memref<10240x128xf32, #tpu.memory_space<vmem_shared>> -> memref<80x128xf32, #tpu.memory_space<vmem_shared>>
      tpu.enqueue_dma source(%arg9 : memref<80x128xf32, #tpu.memory_space<vmem>>) target(%dma_start3A_45 : memref<80x128xf32, #tpu.memory_space<vmem_shared>>) target_semaphore(%run_scoped3A : memref<!tpu.dma_semaphore, #tpu.memory_space<semaphore_mem>>)
      %dma_wait3A = arith.constant 0 : i32
      %dma_wait3A_46 = tpu.memref_slice %arg10[%add3A_7, %dma_wait3A] : memref<10240x128xf32, #tpu.memory_space<vmem_shared>> -> memref<80x128xf32, #tpu.memory_space<vmem_shared>>
      %dma_wait3A_47 = arith.constant 0 : i32
      %dma_wait3A_48 = tpu.memref_slice %arg10[%add3A_7, %dma_wait3A_47] : memref<10240x128xf32, #tpu.memory_space<vmem_shared>> -> memref<80x128xf32, #tpu.memory_space<vmem_shared>>
      tpu.wait_dma2 semaphore(%run_scoped3A : memref<!tpu.dma_semaphore, #tpu.memory_space<semaphore_mem>>) src(%arg9 : memref<80x128xf32, #tpu.memory_space<vmem>>) dst(%dma_wait3A_48 : memref<80x128xf32, #tpu.memory_space<vmem_shared>>)
      tpu.yield
    }) : () -> ()
    %mul3A_8 = arith.constant 640 : i32
    %mul3A_9 = arith.muli %arg1, %mul3A_8 : i32
    %add3A_10 = arith.constant 80 : i32
    %add3A_11 = arith.addi %mul3A_9, %add3A_10 : i32
    "tpu.region"() ({
      %run_scoped3A = tpu.sem_alloc : memref<!tpu.dma_semaphore, #tpu.memory_space<semaphore_mem>>
      %dma_start3A = arith.constant 0 : i32
      %dma_start3A_43 = tpu.memref_slice %arg10[%add3A_11, %dma_start3A] : memref<10240x128xf32, #tpu.memory_space<vmem_shared>> -> memref<80x128xf32, #tpu.memory_space<vmem_shared>>
      %dma_start3A_44 = arith.constant 0 : i32
      %dma_start3A_45 = tpu.memref_slice %arg10[%add3A_11, %dma_start3A_44] : memref<10240x128xf32, #tpu.memory_space<vmem_shared>> -> memref<80x128xf32, #tpu.memory_space<vmem_shared>>
      tpu.enqueue_dma source(%arg9 : memref<80x128xf32, #tpu.memory_space<vmem>>) target(%dma_start3A_45 : memref<80x128xf32, #tpu.memory_space<vmem_shared>>) target_semaphore(%run_scoped3A : memref<!tpu.dma_semaphore, #tpu.memory_space<semaphore_mem>>)
      %dma_wait3A = arith.constant 0 : i32
      %dma_wait3A_46 = tpu.memref_slice %arg10[%add3A_11, %dma_wait3A] : memref<10240x128xf32, #tpu.memory_space<vmem_shared>> -> memref<80x128xf32, #tpu.memory_space<vmem_shared>>
      %dma_wait3A_47 = arith.constant 0 : i32
      %dma_wait3A_48 = tpu.memref_slice %arg10[%add3A_11, %dma_wait3A_47] : memref<10240x128xf32, #tpu.memory_space<vmem_shared>> -> memref<80x128xf32, #tpu.memory_space<vmem_shared>>
      tpu.wait_dma2 semaphore(%run_scoped3A : memref<!tpu.dma_semaphore, #tpu.memory_space<semaphore_mem>>) src(%arg9 : memref<80x128xf32, #tpu.memory_space<vmem>>) dst(%dma_wait3A_48 : memref<80x128xf32, #tpu.memory_space<vmem_shared>>)
      tpu.yield
    }) : () -> ()
    %mul3A_12 = arith.constant 640 : i32
    %mul3A_13 = arith.muli %arg1, %mul3A_12 : i32
    %add3A_14 = arith.constant 160 : i32
    %add3A_15 = arith.addi %mul3A_13, %add3A_14 : i32
    "tpu.region"() ({
      %run_scoped3A = tpu.sem_alloc : memref<!tpu.dma_semaphore, #tpu.memory_space<semaphore_mem>>
      %dma_start3A = arith.constant 0 : i32
      %dma_start3A_43 = tpu.memref_slice %arg10[%add3A_15, %dma_start3A] : memref<10240x128xf32, #tpu.memory_space<vmem_shared>> -> memref<80x128xf32, #tpu.memory_space<vmem_shared>>
      %dma_start3A_44 = arith.constant 0 : i32
      %dma_start3A_45 = tpu.memref_slice %arg10[%add3A_15, %dma_start3A_44] : memref<10240x128xf32, #tpu.memory_space<vmem_shared>> -> memref<80x128xf32, #tpu.memory_space<vmem_shared>>
      tpu.enqueue_dma source(%arg9 : memref<80x128xf32, #tpu.memory_space<vmem>>) target(%dma_start3A_45 : memref<80x128xf32, #tpu.memory_space<vmem_shared>>) target_semaphore(%run_scoped3A : memref<!tpu.dma_semaphore, #tpu.memory_space<semaphore_mem>>)
      %dma_wait3A = arith.constant 0 : i32
      %dma_wait3A_46 = tpu.memref_slice %arg10[%add3A_15, %dma_wait3A] : memref<10240x128xf32, #tpu.memory_space<vmem_shared>> -> memref<80x128xf32, #tpu.memory_space<vmem_shared>>
      %dma_wait3A_47 = arith.constant 0 : i32
      %dma_wait3A_48 = tpu.memref_slice %arg10[%add3A_15, %dma_wait3A_47] : memref<10240x128xf32, #tpu.memory_space<vmem_shared>> -> memref<80x128xf32, #tpu.memory_space<vmem_shared>>
      tpu.wait_dma2 semaphore(%run_scoped3A : memref<!tpu.dma_semaphore, #tpu.memory_space<semaphore_mem>>) src(%arg9 : memref<80x128xf32, #tpu.memory_space<vmem>>) dst(%dma_wait3A_48 : memref<80x128xf32, #tpu.memory_space<vmem_shared>>)
      tpu.yield
    }) : () -> ()
    %mul3A_16 = arith.constant 640 : i32
    %mul3A_17 = arith.muli %arg1, %mul3A_16 : i32
    %add3A_18 = arith.constant 240 : i32
    %add3A_19 = arith.addi %mul3A_17, %add3A_18 : i32
    "tpu.region"() ({
      %run_scoped3A = tpu.sem_alloc : memref<!tpu.dma_semaphore, #tpu.memory_space<semaphore_mem>>
      %dma_start3A = arith.constant 0 : i32
      %dma_start3A_43 = tpu.memref_slice %arg10[%add3A_19, %dma_start3A] : memref<10240x128xf32, #tpu.memory_space<vmem_shared>> -> memref<80x128xf32, #tpu.memory_space<vmem_shared>>
      %dma_start3A_44 = arith.constant 0 : i32
      %dma_start3A_45 = tpu.memref_slice %arg10[%add3A_19, %dma_start3A_44] : memref<10240x128xf32, #tpu.memory_space<vmem_shared>> -> memref<80x128xf32, #tpu.memory_space<vmem_shared>>
      tpu.enqueue_dma source(%arg9 : memref<80x128xf32, #tpu.memory_space<vmem>>) target(%dma_start3A_45 : memref<80x128xf32, #tpu.memory_space<vmem_shared>>) target_semaphore(%run_scoped3A : memref<!tpu.dma_semaphore, #tpu.memory_space<semaphore_mem>>)
      %dma_wait3A = arith.constant 0 : i32
      %dma_wait3A_46 = tpu.memref_slice %arg10[%add3A_19, %dma_wait3A] : memref<10240x128xf32, #tpu.memory_space<vmem_shared>> -> memref<80x128xf32, #tpu.memory_space<vmem_shared>>
      %dma_wait3A_47 = arith.constant 0 : i32
      %dma_wait3A_48 = tpu.memref_slice %arg10[%add3A_19, %dma_wait3A_47] : memref<10240x128xf32, #tpu.memory_space<vmem_shared>> -> memref<80x128xf32, #tpu.memory_space<vmem_shared>>
      tpu.wait_dma2 semaphore(%run_scoped3A : memref<!tpu.dma_semaphore, #tpu.memory_space<semaphore_mem>>) src(%arg9 : memref<80x128xf32, #tpu.memory_space<vmem>>) dst(%dma_wait3A_48 : memref<80x128xf32, #tpu.memory_space<vmem_shared>>)
      tpu.yield
    }) : () -> ()
    %mul3A_20 = arith.constant 640 : i32
    %mul3A_21 = arith.muli %arg1, %mul3A_20 : i32
    %add3A_22 = arith.constant 320 : i32
    %add3A_23 = arith.addi %mul3A_21, %add3A_22 : i32
    "tpu.region"() ({
      %run_scoped3A = tpu.sem_alloc : memref<!tpu.dma_semaphore, #tpu.memory_space<semaphore_mem>>
      %dma_start3A = arith.constant 0 : i32
      %dma_start3A_43 = tpu.memref_slice %arg10[%add3A_23, %dma_start3A] : memref<10240x128xf32, #tpu.memory_space<vmem_shared>> -> memref<80x128xf32, #tpu.memory_space<vmem_shared>>
      %dma_start3A_44 = arith.constant 0 : i32
      %dma_start3A_45 = tpu.memref_slice %arg10[%add3A_23, %dma_start3A_44] : memref<10240x128xf32, #tpu.memory_space<vmem_shared>> -> memref<80x128xf32, #tpu.memory_space<vmem_shared>>
      tpu.enqueue_dma source(%arg9 : memref<80x128xf32, #tpu.memory_space<vmem>>) target(%dma_start3A_45 : memref<80x128xf32, #tpu.memory_space<vmem_shared>>) target_semaphore(%run_scoped3A : memref<!tpu.dma_semaphore, #tpu.memory_space<semaphore_mem>>)
      %dma_wait3A = arith.constant 0 : i32
      %dma_wait3A_46 = tpu.memref_slice %arg10[%add3A_23, %dma_wait3A] : memref<10240x128xf32, #tpu.memory_space<vmem_shared>> -> memref<80x128xf32, #tpu.memory_space<vmem_shared>>
      %dma_wait3A_47 = arith.constant 0 : i32
      %dma_wait3A_48 = tpu.memref_slice %arg10[%add3A_23, %dma_wait3A_47] : memref<10240x128xf32, #tpu.memory_space<vmem_shared>> -> memref<80x128xf32, #tpu.memory_space<vmem_shared>>
      tpu.wait_dma2 semaphore(%run_scoped3A : memref<!tpu.dma_semaphore, #tpu.memory_space<semaphore_mem>>) src(%arg9 : memref<80x128xf32, #tpu.memory_space<vmem>>) dst(%dma_wait3A_48 : memref<80x128xf32, #tpu.memory_space<vmem_shared>>)
      tpu.yield
    }) : () -> ()
    %mul3A_24 = arith.constant 640 : i32
    %mul3A_25 = arith.muli %arg1, %mul3A_24 : i32
    %add3A_26 = arith.constant 400 : i32
    %add3A_27 = arith.addi %mul3A_25, %add3A_26 : i32
    "tpu.region"() ({
      %run_scoped3A = tpu.sem_alloc : memref<!tpu.dma_semaphore, #tpu.memory_space<semaphore_mem>>
      %dma_start3A = arith.constant 0 : i32
      %dma_start3A_43 = tpu.memref_slice %arg10[%add3A_27, %dma_start3A] : memref<10240x128xf32, #tpu.memory_space<vmem_shared>> -> memref<80x128xf32, #tpu.memory_space<vmem_shared>>
      %dma_start3A_44 = arith.constant 0 : i32
      %dma_start3A_45 = tpu.memref_slice %arg10[%add3A_27, %dma_start3A_44] : memref<10240x128xf32, #tpu.memory_space<vmem_shared>> -> memref<80x128xf32, #tpu.memory_space<vmem_shared>>
      tpu.enqueue_dma source(%arg9 : memref<80x128xf32, #tpu.memory_space<vmem>>) target(%dma_start3A_45 : memref<80x128xf32, #tpu.memory_space<vmem_shared>>) target_semaphore(%run_scoped3A : memref<!tpu.dma_semaphore, #tpu.memory_space<semaphore_mem>>)
      %dma_wait3A = arith.constant 0 : i32
      %dma_wait3A_46 = tpu.memref_slice %arg10[%add3A_27, %dma_wait3A] : memref<10240x128xf32, #tpu.memory_space<vmem_shared>> -> memref<80x128xf32, #tpu.memory_space<vmem_shared>>
      %dma_wait3A_47 = arith.constant 0 : i32
      %dma_wait3A_48 = tpu.memref_slice %arg10[%add3A_27, %dma_wait3A_47] : memref<10240x128xf32, #tpu.memory_space<vmem_shared>> -> memref<80x128xf32, #tpu.memory_space<vmem_shared>>
      tpu.wait_dma2 semaphore(%run_scoped3A : memref<!tpu.dma_semaphore, #tpu.memory_space<semaphore_mem>>) src(%arg9 : memref<80x128xf32, #tpu.memory_space<vmem>>) dst(%dma_wait3A_48 : memref<80x128xf32, #tpu.memory_space<vmem_shared>>)
      tpu.yield
    }) : () -> ()
    %mul3A_28 = arith.constant 640 : i32
    %mul3A_29 = arith.muli %arg1, %mul3A_28 : i32
    %add3A_30 = arith.constant 480 : i32
    %add3A_31 = arith.addi %mul3A_29, %add3A_30 : i32
    "tpu.region"() ({
      %run_scoped3A = tpu.sem_alloc : memref<!tpu.dma_semaphore, #tpu.memory_space<semaphore_mem>>
      %dma_start3A = arith.constant 0 : i32
      %dma_start3A_43 = tpu.memref_slice %arg10[%add3A_31, %dma_start3A] : memref<10240x128xf32, #tpu.memory_space<vmem_shared>> -> memref<80x128xf32, #tpu.memory_space<vmem_shared>>
      %dma_start3A_44 = arith.constant 0 : i32
      %dma_start3A_45 = tpu.memref_slice %arg10[%add3A_31, %dma_start3A_44] : memref<10240x128xf32, #tpu.memory_space<vmem_shared>> -> memref<80x128xf32, #tpu.memory_space<vmem_shared>>
      tpu.enqueue_dma source(%arg9 : memref<80x128xf32, #tpu.memory_space<vmem>>) target(%dma_start3A_45 : memref<80x128xf32, #tpu.memory_space<vmem_shared>>) target_semaphore(%run_scoped3A : memref<!tpu.dma_semaphore, #tpu.memory_space<semaphore_mem>>)
      %dma_wait3A = arith.constant 0 : i32
      %dma_wait3A_46 = tpu.memref_slice %arg10[%add3A_31, %dma_wait3A] : memref<10240x128xf32, #tpu.memory_space<vmem_shared>> -> memref<80x128xf32, #tpu.memory_space<vmem_shared>>
      %dma_wait3A_47 = arith.constant 0 : i32
      %dma_wait3A_48 = tpu.memref_slice %arg10[%add3A_31, %dma_wait3A_47] : memref<10240x128xf32, #tpu.memory_space<vmem_shared>> -> memref<80x128xf32, #tpu.memory_space<vmem_shared>>
      tpu.wait_dma2 semaphore(%run_scoped3A : memref<!tpu.dma_semaphore, #tpu.memory_space<semaphore_mem>>) src(%arg9 : memref<80x128xf32, #tpu.memory_space<vmem>>) dst(%dma_wait3A_48 : memref<80x128xf32, #tpu.memory_space<vmem_shared>>)
      tpu.yield
    }) : () -> ()
    %mul3A_32 = arith.constant 640 : i32
    %mul3A_33 = arith.muli %arg1, %mul3A_32 : i32
    %add3A_34 = arith.constant 560 : i32
    %add3A_35 = arith.addi %mul3A_33, %add3A_34 : i32
    "tpu.region"() ({
      %run_scoped3A = tpu.sem_alloc : memref<!tpu.dma_semaphore, #tpu.memory_space<semaphore_mem>>
      %dma_start3A = arith.constant 0 : i32
      %dma_start3A_43 = tpu.memref_slice %arg10[%add3A_35, %dma_start3A] : memref<10240x128xf32, #tpu.memory_space<vmem_shared>> -> memref<80x128xf32, #tpu.memory_space<vmem_shared>>
      %dma_start3A_44 = arith.constant 0 : i32
      %dma_start3A_45 = tpu.memref_slice %arg10[%add3A_35, %dma_start3A_44] : memref<10240x128xf32, #tpu.memory_space<vmem_shared>> -> memref<80x128xf32, #tpu.memory_space<vmem_shared>>
      tpu.enqueue_dma source(%arg9 : memref<80x128xf32, #tpu.memory_space<vmem>>) target(%dma_start3A_45 : memref<80x128xf32, #tpu.memory_space<vmem_shared>>) target_semaphore(%run_scoped3A : memref<!tpu.dma_semaphore, #tpu.memory_space<semaphore_mem>>)
      %dma_wait3A = arith.constant 0 : i32
      %dma_wait3A_46 = tpu.memref_slice %arg10[%add3A_35, %dma_wait3A] : memref<10240x128xf32, #tpu.memory_space<vmem_shared>> -> memref<80x128xf32, #tpu.memory_space<vmem_shared>>
      %dma_wait3A_47 = arith.constant 0 : i32
      %dma_wait3A_48 = tpu.memref_slice %arg10[%add3A_35, %dma_wait3A_47] : memref<10240x128xf32, #tpu.memory_space<vmem_shared>> -> memref<80x128xf32, #tpu.memory_space<vmem_shared>>
      tpu.wait_dma2 semaphore(%run_scoped3A : memref<!tpu.dma_semaphore, #tpu.memory_space<semaphore_mem>>) src(%arg9 : memref<80x128xf32, #tpu.memory_space<vmem>>) dst(%dma_wait3A_48 : memref<80x128xf32, #tpu.memory_space<vmem_shared>>)
      tpu.yield
    }) : () -> ()
    %barrier3A = arith.constant 0 : index
    tpu.barrier barrier_id(%barrier3A)
    %eq3A = arith.constant 0 : i32
    %eq3A_36 = arith.cmpi eq, %arg0, %eq3A : i32
    %convert_element_type3A = arith.extui %eq3A_36 : i1 to i32
    %cond3A = arith.constant 0 : i32
    %cond3A_37 = arith.cmpi ne, %convert_element_type3A, %cond3A : i32
    scf.if %cond3A_37 {
      %scan3A_43 = arith.constant 0 : i32
      %scan3A_44 = arith.constant 0 : i32
      %scan3A_45 = arith.constant 25 : i32
      %scan3A_46 = arith.addi %scan3A_44, %scan3A_45 : i32
      %scan3A_47 = arith.constant 1 : i32
      %scan3A_48 = scf.for %scan3A_55 = %scan3A_44 to %scan3A_46 step %scan3A_47 iter_args(%scan3A_56 = %scan3A_43) -> (i32)  : i32 {
        %run_scoped3A = arith.constant 0 : i32
        "tpu.region"() ({
          %run_scoped3A_120 = tpu.sem_alloc : memref<!tpu.dma_semaphore, #tpu.memory_space<semaphore_mem>>
          %dma_start3A = arith.constant 0 : i32
          %dma_start3A_121 = arith.constant 0 : i32
          %dma_start3A_122 = tpu.memref_slice %arg8[%run_scoped3A, %dma_start3A, %dma_start3A_121] : memref<2x25x16xi32, #tpu.memory_space<vmem>> -> memref<1x25x16xi32, #tpu.memory_space<vmem>>
          %dma_start3A_123 = tpu.memref_squeeze %dma_start3A_122 : memref<1x25x16xi32, #tpu.memory_space<vmem>> -> memref<25x16xi32, #tpu.memory_space<vmem>>
          %dma_start3A_124 = arith.constant 0 : i32
          %dma_start3A_125 = arith.constant 0 : i32
          %dma_start3A_126 = tpu.memref_slice %arg2[%arg1, %scan3A_55, %dma_start3A_124, %dma_start3A_125] : memref<16x25x25x16xi32, #tpu.memory_space<hbm>> -> memref<1x1x25x16xi32, #tpu.memory_space<hbm>>
          %dma_start3A_127 = tpu.memref_squeeze %dma_start3A_126 : memref<1x1x25x16xi32, #tpu.memory_space<hbm>> -> memref<25x16xi32, #tpu.memory_space<hbm>>
          %dma_start3A_128 = arith.constant 0 : i32
          %dma_start3A_129 = arith.constant 0 : i32
          %dma_start3A_130 = tpu.memref_slice %arg8[%run_scoped3A, %dma_start3A_128, %dma_start3A_129] : memref<2x25x16xi32, #tpu.memory_space<vmem>> -> memref<1x25x16xi32, #tpu.memory_space<vmem>>
          %dma_start3A_131 = tpu.memref_squeeze %dma_start3A_130 : memref<1x25x16xi32, #tpu.memory_space<vmem>> -> memref<25x16xi32, #tpu.memory_space<vmem>>
          %dma_start3A_132 = arith.constant 0 : i32
          %dma_start3A_133 = arith.constant 0 : i32
          %dma_start3A_134 = tpu.memref_slice %arg2[%arg1, %scan3A_55, %dma_start3A_132, %dma_start3A_133] : memref<16x25x25x16xi32, #tpu.memory_space<hbm>> -> memref<1x1x25x16xi32, #tpu.memory_space<hbm>>
          %dma_start3A_135 = tpu.memref_squeeze %dma_start3A_134 : memref<1x1x25x16xi32, #tpu.memory_space<hbm>> -> memref<25x16xi32, #tpu.memory_space<hbm>>
          tpu.enqueue_dma source(%dma_start3A_135 : memref<25x16xi32, #tpu.memory_space<hbm>>) target(%dma_start3A_131 : memref<25x16xi32, #tpu.memory_space<vmem>>) target_semaphore(%run_scoped3A_120 : memref<!tpu.dma_semaphore, #tpu.memory_space<semaphore_mem>>)
          %dma_wait3A_136 = arith.constant 0 : i32
          %dma_wait3A_137 = arith.constant 0 : i32
          %dma_wait3A_138 = tpu.memref_slice %arg8[%run_scoped3A, %dma_wait3A_136, %dma_wait3A_137] : memref<2x25x16xi32, #tpu.memory_space<vmem>> -> memref<1x25x16xi32, #tpu.memory_space<vmem>>
          %dma_wait3A_139 = tpu.memref_squeeze %dma_wait3A_138 : memref<1x25x16xi32, #tpu.memory_space<vmem>> -> memref<25x16xi32, #tpu.memory_space<vmem>>
          %dma_wait3A_140 = arith.constant 0 : i32
          %dma_wait3A_141 = arith.constant 0 : i32
          %dma_wait3A_142 = tpu.memref_slice %arg2[%arg1, %scan3A_55, %dma_wait3A_140, %dma_wait3A_141] : memref<16x25x25x16xi32, #tpu.memory_space<hbm>> -> memref<1x1x25x16xi32, #tpu.memory_space<hbm>>
          %dma_wait3A_143 = tpu.memref_squeeze %dma_wait3A_142 : memref<1x1x25x16xi32, #tpu.memory_space<hbm>> -> memref<25x16xi32, #tpu.memory_space<hbm>>
          %dma_wait3A_144 = arith.constant 0 : i32
          %dma_wait3A_145 = arith.constant 0 : i32
          %dma_wait3A_146 = tpu.memref_slice %arg8[%run_scoped3A, %dma_wait3A_144, %dma_wait3A_145] : memref<2x25x16xi32, #tpu.memory_space<vmem>> -> memref<1x25x16xi32, #tpu.memory_space<vmem>>
          %dma_wait3A_147 = tpu.memref_squeeze %dma_wait3A_146 : memref<1x25x16xi32, #tpu.memory_space<vmem>> -> memref<25x16xi32, #tpu.memory_space<vmem>>
          %dma_wait3A_148 = arith.constant 0 : i32
          %dma_wait3A_149 = arith.constant 0 : i32
          %dma_wait3A_150 = tpu.memref_slice %arg2[%arg1, %scan3A_55, %dma_wait3A_148, %dma_wait3A_149] : memref<16x25x25x16xi32, #tpu.memory_space<hbm>> -> memref<1x1x25x16xi32, #tpu.memory_space<hbm>>
          %dma_wait3A_151 = tpu.memref_squeeze %dma_wait3A_150 : memref<1x1x25x16xi32, #tpu.memory_space<hbm>> -> memref<25x16xi32, #tpu.memory_space<hbm>>
          tpu.wait_dma2 semaphore(%run_scoped3A_120 : memref<!tpu.dma_semaphore, #tpu.memory_space<semaphore_mem>>) src(%dma_wait3A_151 : memref<25x16xi32, #tpu.memory_space<hbm>>) dst(%dma_wait3A_147 : memref<25x16xi32, #tpu.memory_space<vmem>>)
          tpu.yield
        }) : () -> ()
        %run_scoped3A_57 = arith.constant 1 : i32
        "tpu.region"() ({
          %run_scoped3A_120 = tpu.sem_alloc : memref<!tpu.dma_semaphore, #tpu.memory_space<semaphore_mem>>
          %dma_start3A = arith.constant 0 : i32
          %dma_start3A_121 = arith.constant 0 : i32
          %dma_start3A_122 = tpu.memref_slice %arg8[%run_scoped3A_57, %dma_start3A, %dma_start3A_121] : memref<2x25x16xi32, #tpu.memory_space<vmem>> -> memref<1x25x16xi32, #tpu.memory_space<vmem>>
          %dma_start3A_123 = tpu.memref_squeeze %dma_start3A_122 : memref<1x25x16xi32, #tpu.memory_space<vmem>> -> memref<25x16xi32, #tpu.memory_space<vmem>>
          %dma_start3A_124 = arith.constant 0 : i32
          %dma_start3A_125 = arith.constant 0 : i32
          %dma_start3A_126 = tpu.memref_slice %arg3[%arg1, %scan3A_55, %dma_start3A_124, %dma_start3A_125] : memref<16x25x25x16xi32, #tpu.memory_space<hbm>> -> memref<1x1x25x16xi32, #tpu.memory_space<hbm>>
          %dma_start3A_127 = tpu.memref_squeeze %dma_start3A_126 : memref<1x1x25x16xi32, #tpu.memory_space<hbm>> -> memref<25x16xi32, #tpu.memory_space<hbm>>
          %dma_start3A_128 = arith.constant 0 : i32
          %dma_start3A_129 = arith.constant 0 : i32
          %dma_start3A_130 = tpu.memref_slice %arg8[%run_scoped3A_57, %dma_start3A_128, %dma_start3A_129] : memref<2x25x16xi32, #tpu.memory_space<vmem>> -> memref<1x25x16xi32, #tpu.memory_space<vmem>>
          %dma_start3A_131 = tpu.memref_squeeze %dma_start3A_130 : memref<1x25x16xi32, #tpu.memory_space<vmem>> -> memref<25x16xi32, #tpu.memory_space<vmem>>
          %dma_start3A_132 = arith.constant 0 : i32
          %dma_start3A_133 = arith.constant 0 : i32
          %dma_start3A_134 = tpu.memref_slice %arg3[%arg1, %scan3A_55, %dma_start3A_132, %dma_start3A_133] : memref<16x25x25x16xi32, #tpu.memory_space<hbm>> -> memref<1x1x25x16xi32, #tpu.memory_space<hbm>>
          %dma_start3A_135 = tpu.memref_squeeze %dma_start3A_134 : memref<1x1x25x16xi32, #tpu.memory_space<hbm>> -> memref<25x16xi32, #tpu.memory_space<hbm>>
          tpu.enqueue_dma source(%dma_start3A_135 : memref<25x16xi32, #tpu.memory_space<hbm>>) target(%dma_start3A_131 : memref<25x16xi32, #tpu.memory_space<vmem>>) target_semaphore(%run_scoped3A_120 : memref<!tpu.dma_semaphore, #tpu.memory_space<semaphore_mem>>)
          %dma_wait3A_136 = arith.constant 0 : i32
          %dma_wait3A_137 = arith.constant 0 : i32
          %dma_wait3A_138 = tpu.memref_slice %arg8[%run_scoped3A_57, %dma_wait3A_136, %dma_wait3A_137] : memref<2x25x16xi32, #tpu.memory_space<vmem>> -> memref<1x25x16xi32, #tpu.memory_space<vmem>>
          %dma_wait3A_139 = tpu.memref_squeeze %dma_wait3A_138 : memref<1x25x16xi32, #tpu.memory_space<vmem>> -> memref<25x16xi32, #tpu.memory_space<vmem>>
          %dma_wait3A_140 = arith.constant 0 : i32
          %dma_wait3A_141 = arith.constant 0 : i32
          %dma_wait3A_142 = tpu.memref_slice %arg3[%arg1, %scan3A_55, %dma_wait3A_140, %dma_wait3A_141] : memref<16x25x25x16xi32, #tpu.memory_space<hbm>> -> memref<1x1x25x16xi32, #tpu.memory_space<hbm>>
          %dma_wait3A_143 = tpu.memref_squeeze %dma_wait3A_142 : memref<1x1x25x16xi32, #tpu.memory_space<hbm>> -> memref<25x16xi32, #tpu.memory_space<hbm>>
          %dma_wait3A_144 = arith.constant 0 : i32
          %dma_wait3A_145 = arith.constant 0 : i32
          %dma_wait3A_146 = tpu.memref_slice %arg8[%run_scoped3A_57, %dma_wait3A_144, %dma_wait3A_145] : memref<2x25x16xi32, #tpu.memory_space<vmem>> -> memref<1x25x16xi32, #tpu.memory_space<vmem>>
          %dma_wait3A_147 = tpu.memref_squeeze %dma_wait3A_146 : memref<1x25x16xi32, #tpu.memory_space<vmem>> -> memref<25x16xi32, #tpu.memory_space<vmem>>
          %dma_wait3A_148 = arith.constant 0 : i32
          %dma_wait3A_149 = arith.constant 0 : i32
          %dma_wait3A_150 = tpu.memref_slice %arg3[%arg1, %scan3A_55, %dma_wait3A_148, %dma_wait3A_149] : memref<16x25x25x16xi32, #tpu.memory_space<hbm>> -> memref<1x1x25x16xi32, #tpu.memory_space<hbm>>
          %dma_wait3A_151 = tpu.memref_squeeze %dma_wait3A_150 : memref<1x1x25x16xi32, #tpu.memory_space<hbm>> -> memref<25x16xi32, #tpu.memory_space<hbm>>
          tpu.wait_dma2 semaphore(%run_scoped3A_120 : memref<!tpu.dma_semaphore, #tpu.memory_space<semaphore_mem>>) src(%dma_wait3A_151 : memref<25x16xi32, #tpu.memory_space<hbm>>) dst(%dma_wait3A_147 : memref<25x16xi32, #tpu.memory_space<vmem>>)
          tpu.yield
        }) : () -> ()
        %scan3A_58 = arith.constant 0 : i32
        %scan3A_59 = arith.constant 0 : i32
        %scan3A_60 = arith.constant 5 : i32
        %scan3A_61 = arith.addi %scan3A_59, %scan3A_60 : i32
        %scan3A_62 = arith.constant 1 : i32
        %scan3A_63 = scf.for %scan3A_120 = %scan3A_59 to %scan3A_61 step %scan3A_62 iter_args(%scan3A_121 = %scan3A_58) -> (i32)  : i32 {
          %mul3A_122 = arith.constant 5 : i32
          %mul3A_123 = arith.muli %scan3A_120, %mul3A_122 : i32
          %gt3A = arith.constant 0 : i32
          %gt3A_124 = arith.cmpi sgt, %scan3A_120, %gt3A : i32
          %convert_element_type3A_125 = arith.extui %gt3A_124 : i1 to i32
          %cond3A_126 = arith.constant 0 : i32
          %cond3A_127 = arith.cmpi ne, %convert_element_type3A_125, %cond3A_126 : i32
          scf.if %cond3A_127 {
            %add3A_318 = arith.constant 0 : i32
            %add3A_319 = arith.addi %mul3A_123, %add3A_318 : i32
            %dma_wait3A_320 = arith.constant 1 : i32
            %dma_wait3A_321 = arith.constant 0 : i32
            %dma_wait3A_322 = arith.constant 0 : i32
            %dma_wait3A_323 = tpu.memref_slice %arg9[%dma_wait3A_321, %dma_wait3A_322] : memref<80x128xf32, #tpu.memory_space<vmem>> -> memref<16x128xf32, #tpu.memory_space<vmem>>
            %dma_wait3A_324 = arith.constant 0 : i32
            %dma_wait3A_325 = tpu.memref_slice %arg8[%dma_wait3A_320, %add3A_319, %dma_wait3A_324] : memref<2x25x16xi32, #tpu.memory_space<vmem>> -> memref<1x1x16xi32, #tpu.memory_space<vmem>>
            %dma_wait3A_326 = tpu.memref_squeeze %dma_wait3A_325 : memref<1x1x16xi32, #tpu.memory_space<vmem>> -> memref<16xi32, #tpu.memory_space<vmem>>
            %dma_wait3A_327 = arith.constant 0 : i32
            %dma_wait3A_328 = arith.constant 0 : i32
            %dma_wait3A_329 = tpu.memref_slice %arg10[%dma_wait3A_327, %dma_wait3A_328] : memref<10240x128xf32, #tpu.memory_space<vmem_shared>> -> memref<10240x128xf32, #tpu.memory_space<vmem_shared>>
            tpu.wait_indirect_dma semaphore(%arg16 : memref<!tpu.dma_semaphore, #tpu.memory_space<semaphore_mem>>) src(%dma_wait3A_323 : memref<16x128xf32, #tpu.memory_space<vmem>>) dst(%dma_wait3A_329 : memref<10240x128xf32, #tpu.memory_space<vmem_shared>>)
          } else {
          }
          %add3A_128 = arith.constant 0 : i32
          %add3A_129 = arith.addi %mul3A_123, %add3A_128 : i32
          %dma_start3A = arith.constant 0 : i32
          %dma_start3A_130 = arith.constant 0 : i32
          %dma_start3A_131 = arith.constant 0 : i32
          %dma_start3A_132 = tpu.memref_slice %arg9[%dma_start3A_130, %dma_start3A_131] : memref<80x128xf32, #tpu.memory_space<vmem>> -> memref<16x128xf32, #tpu.memory_space<vmem>>
          %dma_start3A_133 = arith.constant 0 : i32
          %dma_start3A_134 = tpu.memref_slice %arg8[%dma_start3A, %add3A_129, %dma_start3A_133] : memref<2x25x16xi32, #tpu.memory_space<vmem>> -> memref<1x1x16xi32, #tpu.memory_space<vmem>>
          %dma_start3A_135 = tpu.memref_squeeze %dma_start3A_134 : memref<1x1x16xi32, #tpu.memory_space<vmem>> -> memref<16xi32, #tpu.memory_space<vmem>>
          %dma_start3A_136 = arith.constant 0 : i32
          %dma_start3A_137 = arith.constant 0 : i32
          %dma_start3A_138 = tpu.memref_slice %arg4[%dma_start3A_136, %dma_start3A_137] : memref<270000x128xf32, #tpu.memory_space<hbm>> -> memref<270000x128xf32, #tpu.memory_space<hbm>>
          tpu.enqueue_indirect_dma source(%dma_start3A_138 : memref<270000x128xf32, #tpu.memory_space<hbm>>) target(%dma_start3A_132 : memref<16x128xf32, #tpu.memory_space<vmem>>) offsets(%dma_start3A_135 : memref<16xi32, #tpu.memory_space<vmem>>) semaphore(%arg11 : memref<!tpu.dma_semaphore, #tpu.memory_space<semaphore_mem>>)
          %gt3A_139 = arith.constant 0 : i32
          %gt3A_140 = arith.cmpi sgt, %scan3A_120, %gt3A_139 : i32
          %convert_element_type3A_141 = arith.extui %gt3A_140 : i1 to i32
          %cond3A_142 = arith.constant 0 : i32
          %cond3A_143 = arith.cmpi ne, %convert_element_type3A_141, %cond3A_142 : i32
          scf.if %cond3A_143 {
            %add3A_318 = arith.constant 1 : i32
            %add3A_319 = arith.addi %mul3A_123, %add3A_318 : i32
            %dma_wait3A_320 = arith.constant 1 : i32
            %dma_wait3A_321 = arith.constant 16 : i32
            %dma_wait3A_322 = arith.constant 0 : i32
            %dma_wait3A_323 = tpu.memref_slice %arg9[%dma_wait3A_321, %dma_wait3A_322] : memref<80x128xf32, #tpu.memory_space<vmem>> -> memref<16x128xf32, #tpu.memory_space<vmem>>
            %dma_wait3A_324 = arith.constant 0 : i32
            %dma_wait3A_325 = tpu.memref_slice %arg8[%dma_wait3A_320, %add3A_319, %dma_wait3A_324] : memref<2x25x16xi32, #tpu.memory_space<vmem>> -> memref<1x1x16xi32, #tpu.memory_space<vmem>>
            %dma_wait3A_326 = tpu.memref_squeeze %dma_wait3A_325 : memref<1x1x16xi32, #tpu.memory_space<vmem>> -> memref<16xi32, #tpu.memory_space<vmem>>
            %dma_wait3A_327 = arith.constant 0 : i32
            %dma_wait3A_328 = arith.constant 0 : i32
            %dma_wait3A_329 = tpu.memref_slice %arg10[%dma_wait3A_327, %dma_wait3A_328] : memref<10240x128xf32, #tpu.memory_space<vmem_shared>> -> memref<10240x128xf32, #tpu.memory_space<vmem_shared>>
            tpu.wait_indirect_dma semaphore(%arg17 : memref<!tpu.dma_semaphore, #tpu.memory_space<semaphore_mem>>) src(%dma_wait3A_323 : memref<16x128xf32, #tpu.memory_space<vmem>>) dst(%dma_wait3A_329 : memref<10240x128xf32, #tpu.memory_space<vmem_shared>>)
          } else {
          }
          %add3A_144 = arith.constant 1 : i32
          %add3A_145 = arith.addi %mul3A_123, %add3A_144 : i32
          %dma_start3A_146 = arith.constant 0 : i32
          %dma_start3A_147 = arith.constant 16 : i32
          %dma_start3A_148 = arith.constant 0 : i32
          %dma_start3A_149 = tpu.memref_slice %arg9[%dma_start3A_147, %dma_start3A_148] : memref<80x128xf32, #tpu.memory_space<vmem>> -> memref<16x128xf32, #tpu.memory_space<vmem>>
          %dma_start3A_150 = arith.constant 0 : i32
          %dma_start3A_151 = tpu.memref_slice %arg8[%dma_start3A_146, %add3A_145, %dma_start3A_150] : memref<2x25x16xi32, #tpu.memory_space<vmem>> -> memref<1x1x16xi32, #tpu.memory_space<vmem>>
          %dma_start3A_152 = tpu.memref_squeeze %dma_start3A_151 : memref<1x1x16xi32, #tpu.memory_space<vmem>> -> memref<16xi32, #tpu.memory_space<vmem>>
          %dma_start3A_153 = arith.constant 0 : i32
          %dma_start3A_154 = arith.constant 0 : i32
          %dma_start3A_155 = tpu.memref_slice %arg4[%dma_start3A_153, %dma_start3A_154] : memref<270000x128xf32, #tpu.memory_space<hbm>> -> memref<270000x128xf32, #tpu.memory_space<hbm>>
          tpu.enqueue_indirect_dma source(%dma_start3A_155 : memref<270000x128xf32, #tpu.memory_space<hbm>>) target(%dma_start3A_149 : memref<16x128xf32, #tpu.memory_space<vmem>>) offsets(%dma_start3A_152 : memref<16xi32, #tpu.memory_space<vmem>>) semaphore(%arg12 : memref<!tpu.dma_semaphore, #tpu.memory_space<semaphore_mem>>)
          %gt3A_156 = arith.constant 0 : i32
          %gt3A_157 = arith.cmpi sgt, %scan3A_120, %gt3A_156 : i32
          %convert_element_type3A_158 = arith.extui %gt3A_157 : i1 to i32
          %cond3A_159 = arith.constant 0 : i32
          %cond3A_160 = arith.cmpi ne, %convert_element_type3A_158, %cond3A_159 : i32
          scf.if %cond3A_160 {
            %add3A_318 = arith.constant 2 : i32
            %add3A_319 = arith.addi %mul3A_123, %add3A_318 : i32
            %dma_wait3A_320 = arith.constant 1 : i32
            %dma_wait3A_321 = arith.constant 32 : i32
            %dma_wait3A_322 = arith.constant 0 : i32
            %dma_wait3A_323 = tpu.memref_slice %arg9[%dma_wait3A_321, %dma_wait3A_322] : memref<80x128xf32, #tpu.memory_space<vmem>> -> memref<16x128xf32, #tpu.memory_space<vmem>>
            %dma_wait3A_324 = arith.constant 0 : i32
            %dma_wait3A_325 = tpu.memref_slice %arg8[%dma_wait3A_320, %add3A_319, %dma_wait3A_324] : memref<2x25x16xi32, #tpu.memory_space<vmem>> -> memref<1x1x16xi32, #tpu.memory_space<vmem>>
            %dma_wait3A_326 = tpu.memref_squeeze %dma_wait3A_325 : memref<1x1x16xi32, #tpu.memory_space<vmem>> -> memref<16xi32, #tpu.memory_space<vmem>>
            %dma_wait3A_327 = arith.constant 0 : i32
            %dma_wait3A_328 = arith.constant 0 : i32
            %dma_wait3A_329 = tpu.memref_slice %arg10[%dma_wait3A_327, %dma_wait3A_328] : memref<10240x128xf32, #tpu.memory_space<vmem_shared>> -> memref<10240x128xf32, #tpu.memory_space<vmem_shared>>
            tpu.wait_indirect_dma semaphore(%arg18 : memref<!tpu.dma_semaphore, #tpu.memory_space<semaphore_mem>>) src(%dma_wait3A_323 : memref<16x128xf32, #tpu.memory_space<vmem>>) dst(%dma_wait3A_329 : memref<10240x128xf32, #tpu.memory_space<vmem_shared>>)
          } else {
          }
          %add3A_161 = arith.constant 2 : i32
          %add3A_162 = arith.addi %mul3A_123, %add3A_161 : i32
          %dma_start3A_163 = arith.constant 0 : i32
          %dma_start3A_164 = arith.constant 32 : i32
          %dma_start3A_165 = arith.constant 0 : i32
          %dma_start3A_166 = tpu.memref_slice %arg9[%dma_start3A_164, %dma_start3A_165] : memref<80x128xf32, #tpu.memory_space<vmem>> -> memref<16x128xf32, #tpu.memory_space<vmem>>
          %dma_start3A_167 = arith.constant 0 : i32
          %dma_start3A_168 = tpu.memref_slice %arg8[%dma_start3A_163, %add3A_162, %dma_start3A_167] : memref<2x25x16xi32, #tpu.memory_space<vmem>> -> memref<1x1x16xi32, #tpu.memory_space<vmem>>
          %dma_start3A_169 = tpu.memref_squeeze %dma_start3A_168 : memref<1x1x16xi32, #tpu.memory_space<vmem>> -> memref<16xi32, #tpu.memory_space<vmem>>
          %dma_start3A_170 = arith.constant 0 : i32
          %dma_start3A_171 = arith.constant 0 : i32
          %dma_start3A_172 = tpu.memref_slice %arg4[%dma_start3A_170, %dma_start3A_171] : memref<270000x128xf32, #tpu.memory_space<hbm>> -> memref<270000x128xf32, #tpu.memory_space<hbm>>
          tpu.enqueue_indirect_dma source(%dma_start3A_172 : memref<270000x128xf32, #tpu.memory_space<hbm>>) target(%dma_start3A_166 : memref<16x128xf32, #tpu.memory_space<vmem>>) offsets(%dma_start3A_169 : memref<16xi32, #tpu.memory_space<vmem>>) semaphore(%arg13 : memref<!tpu.dma_semaphore, #tpu.memory_space<semaphore_mem>>)
          %gt3A_173 = arith.constant 0 : i32
          %gt3A_174 = arith.cmpi sgt, %scan3A_120, %gt3A_173 : i32
          %convert_element_type3A_175 = arith.extui %gt3A_174 : i1 to i32
          %cond3A_176 = arith.constant 0 : i32
          %cond3A_177 = arith.cmpi ne, %convert_element_type3A_175, %cond3A_176 : i32
          scf.if %cond3A_177 {
            %add3A_318 = arith.constant 3 : i32
            %add3A_319 = arith.addi %mul3A_123, %add3A_318 : i32
            %dma_wait3A_320 = arith.constant 1 : i32
            %dma_wait3A_321 = arith.constant 48 : i32
            %dma_wait3A_322 = arith.constant 0 : i32
            %dma_wait3A_323 = tpu.memref_slice %arg9[%dma_wait3A_321, %dma_wait3A_322] : memref<80x128xf32, #tpu.memory_space<vmem>> -> memref<16x128xf32, #tpu.memory_space<vmem>>
            %dma_wait3A_324 = arith.constant 0 : i32
            %dma_wait3A_325 = tpu.memref_slice %arg8[%dma_wait3A_320, %add3A_319, %dma_wait3A_324] : memref<2x25x16xi32, #tpu.memory_space<vmem>> -> memref<1x1x16xi32, #tpu.memory_space<vmem>>
            %dma_wait3A_326 = tpu.memref_squeeze %dma_wait3A_325 : memref<1x1x16xi32, #tpu.memory_space<vmem>> -> memref<16xi32, #tpu.memory_space<vmem>>
            %dma_wait3A_327 = arith.constant 0 : i32
            %dma_wait3A_328 = arith.constant 0 : i32
            %dma_wait3A_329 = tpu.memref_slice %arg10[%dma_wait3A_327, %dma_wait3A_328] : memref<10240x128xf32, #tpu.memory_space<vmem_shared>> -> memref<10240x128xf32, #tpu.memory_space<vmem_shared>>
            tpu.wait_indirect_dma semaphore(%arg19 : memref<!tpu.dma_semaphore, #tpu.memory_space<semaphore_mem>>) src(%dma_wait3A_323 : memref<16x128xf32, #tpu.memory_space<vmem>>) dst(%dma_wait3A_329 : memref<10240x128xf32, #tpu.memory_space<vmem_shared>>)
          } else {
          }
          %add3A_178 = arith.constant 3 : i32
          %add3A_179 = arith.addi %mul3A_123, %add3A_178 : i32
          %dma_start3A_180 = arith.constant 0 : i32
          %dma_start3A_181 = arith.constant 48 : i32
          %dma_start3A_182 = arith.constant 0 : i32
          %dma_start3A_183 = tpu.memref_slice %arg9[%dma_start3A_181, %dma_start3A_182] : memref<80x128xf32, #tpu.memory_space<vmem>> -> memref<16x128xf32, #tpu.memory_space<vmem>>
          %dma_start3A_184 = arith.constant 0 : i32
          %dma_start3A_185 = tpu.memref_slice %arg8[%dma_start3A_180, %add3A_179, %dma_start3A_184] : memref<2x25x16xi32, #tpu.memory_space<vmem>> -> memref<1x1x16xi32, #tpu.memory_space<vmem>>
          %dma_start3A_186 = tpu.memref_squeeze %dma_start3A_185 : memref<1x1x16xi32, #tpu.memory_space<vmem>> -> memref<16xi32, #tpu.memory_space<vmem>>
          %dma_start3A_187 = arith.constant 0 : i32
          %dma_start3A_188 = arith.constant 0 : i32
          %dma_start3A_189 = tpu.memref_slice %arg4[%dma_start3A_187, %dma_start3A_188] : memref<270000x128xf32, #tpu.memory_space<hbm>> -> memref<270000x128xf32, #tpu.memory_space<hbm>>
          tpu.enqueue_indirect_dma source(%dma_start3A_189 : memref<270000x128xf32, #tpu.memory_space<hbm>>) target(%dma_start3A_183 : memref<16x128xf32, #tpu.memory_space<vmem>>) offsets(%dma_start3A_186 : memref<16xi32, #tpu.memory_space<vmem>>) semaphore(%arg14 : memref<!tpu.dma_semaphore, #tpu.memory_space<semaphore_mem>>)
          %gt3A_190 = arith.constant 0 : i32
          %gt3A_191 = arith.cmpi sgt, %scan3A_120, %gt3A_190 : i32
          %convert_element_type3A_192 = arith.extui %gt3A_191 : i1 to i32
          %cond3A_193 = arith.constant 0 : i32
          %cond3A_194 = arith.cmpi ne, %convert_element_type3A_192, %cond3A_193 : i32
          scf.if %cond3A_194 {
            %add3A_318 = arith.constant 4 : i32
            %add3A_319 = arith.addi %mul3A_123, %add3A_318 : i32
            %dma_wait3A_320 = arith.constant 1 : i32
            %dma_wait3A_321 = arith.constant 64 : i32
            %dma_wait3A_322 = arith.constant 0 : i32
            %dma_wait3A_323 = tpu.memref_slice %arg9[%dma_wait3A_321, %dma_wait3A_322] : memref<80x128xf32, #tpu.memory_space<vmem>> -> memref<16x128xf32, #tpu.memory_space<vmem>>
            %dma_wait3A_324 = arith.constant 0 : i32
            %dma_wait3A_325 = tpu.memref_slice %arg8[%dma_wait3A_320, %add3A_319, %dma_wait3A_324] : memref<2x25x16xi32, #tpu.memory_space<vmem>> -> memref<1x1x16xi32, #tpu.memory_space<vmem>>
            %dma_wait3A_326 = tpu.memref_squeeze %dma_wait3A_325 : memref<1x1x16xi32, #tpu.memory_space<vmem>> -> memref<16xi32, #tpu.memory_space<vmem>>
            %dma_wait3A_327 = arith.constant 0 : i32
            %dma_wait3A_328 = arith.constant 0 : i32
            %dma_wait3A_329 = tpu.memref_slice %arg10[%dma_wait3A_327, %dma_wait3A_328] : memref<10240x128xf32, #tpu.memory_space<vmem_shared>> -> memref<10240x128xf32, #tpu.memory_space<vmem_shared>>
            tpu.wait_indirect_dma semaphore(%arg20 : memref<!tpu.dma_semaphore, #tpu.memory_space<semaphore_mem>>) src(%dma_wait3A_323 : memref<16x128xf32, #tpu.memory_space<vmem>>) dst(%dma_wait3A_329 : memref<10240x128xf32, #tpu.memory_space<vmem_shared>>)
          } else {
          }
          %add3A_195 = arith.constant 4 : i32
          %add3A_196 = arith.addi %mul3A_123, %add3A_195 : i32
          %dma_start3A_197 = arith.constant 0 : i32
          %dma_start3A_198 = arith.constant 64 : i32
          %dma_start3A_199 = arith.constant 0 : i32
          %dma_start3A_200 = tpu.memref_slice %arg9[%dma_start3A_198, %dma_start3A_199] : memref<80x128xf32, #tpu.memory_space<vmem>> -> memref<16x128xf32, #tpu.memory_space<vmem>>
          %dma_start3A_201 = arith.constant 0 : i32
          %dma_start3A_202 = tpu.memref_slice %arg8[%dma_start3A_197, %add3A_196, %dma_start3A_201] : memref<2x25x16xi32, #tpu.memory_space<vmem>> -> memref<1x1x16xi32, #tpu.memory_space<vmem>>
          %dma_start3A_203 = tpu.memref_squeeze %dma_start3A_202 : memref<1x1x16xi32, #tpu.memory_space<vmem>> -> memref<16xi32, #tpu.memory_space<vmem>>
          %dma_start3A_204 = arith.constant 0 : i32
          %dma_start3A_205 = arith.constant 0 : i32
          %dma_start3A_206 = tpu.memref_slice %arg4[%dma_start3A_204, %dma_start3A_205] : memref<270000x128xf32, #tpu.memory_space<hbm>> -> memref<270000x128xf32, #tpu.memory_space<hbm>>
          tpu.enqueue_indirect_dma source(%dma_start3A_206 : memref<270000x128xf32, #tpu.memory_space<hbm>>) target(%dma_start3A_200 : memref<16x128xf32, #tpu.memory_space<vmem>>) offsets(%dma_start3A_203 : memref<16xi32, #tpu.memory_space<vmem>>) semaphore(%arg15 : memref<!tpu.dma_semaphore, #tpu.memory_space<semaphore_mem>>)
          %dma_wait3A_207 = arith.constant 0 : i32
          %dma_wait3A_208 = arith.constant 0 : i32
          %dma_wait3A_209 = arith.constant 0 : i32
          %dma_wait3A_210 = tpu.memref_slice %arg9[%dma_wait3A_208, %dma_wait3A_209] : memref<80x128xf32, #tpu.memory_space<vmem>> -> memref<16x128xf32, #tpu.memory_space<vmem>>
          %dma_wait3A_211 = arith.constant 0 : i32
          %dma_wait3A_212 = tpu.memref_slice %arg8[%dma_wait3A_207, %add3A_129, %dma_wait3A_211] : memref<2x25x16xi32, #tpu.memory_space<vmem>> -> memref<1x1x16xi32, #tpu.memory_space<vmem>>
          %dma_wait3A_213 = tpu.memref_squeeze %dma_wait3A_212 : memref<1x1x16xi32, #tpu.memory_space<vmem>> -> memref<16xi32, #tpu.memory_space<vmem>>
          %dma_wait3A_214 = arith.constant 0 : i32
          %dma_wait3A_215 = arith.constant 0 : i32
          %dma_wait3A_216 = tpu.memref_slice %arg4[%dma_wait3A_214, %dma_wait3A_215] : memref<270000x128xf32, #tpu.memory_space<hbm>> -> memref<270000x128xf32, #tpu.memory_space<hbm>>
          tpu.wait_indirect_dma semaphore(%arg11 : memref<!tpu.dma_semaphore, #tpu.memory_space<semaphore_mem>>) src(%dma_wait3A_216 : memref<270000x128xf32, #tpu.memory_space<hbm>>) dst(%dma_wait3A_210 : memref<16x128xf32, #tpu.memory_space<vmem>>)
          %add3A_217 = arith.constant 0 : i32
          %add3A_218 = arith.addi %mul3A_123, %add3A_217 : i32
          %dma_start3A_219 = arith.constant 1 : i32
          %dma_start3A_220 = arith.constant 0 : i32
          %dma_start3A_221 = arith.constant 0 : i32
          %dma_start3A_222 = tpu.memref_slice %arg9[%dma_start3A_220, %dma_start3A_221] : memref<80x128xf32, #tpu.memory_space<vmem>> -> memref<16x128xf32, #tpu.memory_space<vmem>>
          %dma_start3A_223 = arith.constant 0 : i32
          %dma_start3A_224 = tpu.memref_slice %arg8[%dma_start3A_219, %add3A_218, %dma_start3A_223] : memref<2x25x16xi32, #tpu.memory_space<vmem>> -> memref<1x1x16xi32, #tpu.memory_space<vmem>>
          %dma_start3A_225 = tpu.memref_squeeze %dma_start3A_224 : memref<1x1x16xi32, #tpu.memory_space<vmem>> -> memref<16xi32, #tpu.memory_space<vmem>>
          %dma_start3A_226 = arith.constant 0 : i32
          %dma_start3A_227 = arith.constant 0 : i32
          %dma_start3A_228 = tpu.memref_slice %arg10[%dma_start3A_226, %dma_start3A_227] : memref<10240x128xf32, #tpu.memory_space<vmem_shared>> -> memref<10240x128xf32, #tpu.memory_space<vmem_shared>>
          tpu.enqueue_indirect_dma source(%dma_start3A_222 : memref<16x128xf32, #tpu.memory_space<vmem>>) target(%dma_start3A_228 : memref<10240x128xf32, #tpu.memory_space<vmem_shared>>) offsets(%dma_start3A_225 : memref<16xi32, #tpu.memory_space<vmem>>) semaphore(%arg16 : memref<!tpu.dma_semaphore, #tpu.memory_space<semaphore_mem>>) {add = true}
          %dma_wait3A_229 = arith.constant 0 : i32
          %dma_wait3A_230 = arith.constant 16 : i32
          %dma_wait3A_231 = arith.constant 0 : i32
          %dma_wait3A_232 = tpu.memref_slice %arg9[%dma_wait3A_230, %dma_wait3A_231] : memref<80x128xf32, #tpu.memory_space<vmem>> -> memref<16x128xf32, #tpu.memory_space<vmem>>
          %dma_wait3A_233 = arith.constant 0 : i32
          %dma_wait3A_234 = tpu.memref_slice %arg8[%dma_wait3A_229, %add3A_145, %dma_wait3A_233] : memref<2x25x16xi32, #tpu.memory_space<vmem>> -> memref<1x1x16xi32, #tpu.memory_space<vmem>>
          %dma_wait3A_235 = tpu.memref_squeeze %dma_wait3A_234 : memref<1x1x16xi32, #tpu.memory_space<vmem>> -> memref<16xi32, #tpu.memory_space<vmem>>
          %dma_wait3A_236 = arith.constant 0 : i32
          %dma_wait3A_237 = arith.constant 0 : i32
          %dma_wait3A_238 = tpu.memref_slice %arg4[%dma_wait3A_236, %dma_wait3A_237] : memref<270000x128xf32, #tpu.memory_space<hbm>> -> memref<270000x128xf32, #tpu.memory_space<hbm>>
          tpu.wait_indirect_dma semaphore(%arg12 : memref<!tpu.dma_semaphore, #tpu.memory_space<semaphore_mem>>) src(%dma_wait3A_238 : memref<270000x128xf32, #tpu.memory_space<hbm>>) dst(%dma_wait3A_232 : memref<16x128xf32, #tpu.memory_space<vmem>>)
          %add3A_239 = arith.constant 1 : i32
          %add3A_240 = arith.addi %mul3A_123, %add3A_239 : i32
          %dma_start3A_241 = arith.constant 1 : i32
          %dma_start3A_242 = arith.constant 16 : i32
          %dma_start3A_243 = arith.constant 0 : i32
          %dma_start3A_244 = tpu.memref_slice %arg9[%dma_start3A_242, %dma_start3A_243] : memref<80x128xf32, #tpu.memory_space<vmem>> -> memref<16x128xf32, #tpu.memory_space<vmem>>
          %dma_start3A_245 = arith.constant 0 : i32
          %dma_start3A_246 = tpu.memref_slice %arg8[%dma_start3A_241, %add3A_240, %dma_start3A_245] : memref<2x25x16xi32, #tpu.memory_space<vmem>> -> memref<1x1x16xi32, #tpu.memory_space<vmem>>
          %dma_start3A_247 = tpu.memref_squeeze %dma_start3A_246 : memref<1x1x16xi32, #tpu.memory_space<vmem>> -> memref<16xi32, #tpu.memory_space<vmem>>
          %dma_start3A_248 = arith.constant 0 : i32
          %dma_start3A_249 = arith.constant 0 : i32
          %dma_start3A_250 = tpu.memref_slice %arg10[%dma_start3A_248, %dma_start3A_249] : memref<10240x128xf32, #tpu.memory_space<vmem_shared>> -> memref<10240x128xf32, #tpu.memory_space<vmem_shared>>
          tpu.enqueue_indirect_dma source(%dma_start3A_244 : memref<16x128xf32, #tpu.memory_space<vmem>>) target(%dma_start3A_250 : memref<10240x128xf32, #tpu.memory_space<vmem_shared>>) offsets(%dma_start3A_247 : memref<16xi32, #tpu.memory_space<vmem>>) semaphore(%arg17 : memref<!tpu.dma_semaphore, #tpu.memory_space<semaphore_mem>>) {add = true}
          %dma_wait3A_251 = arith.constant 0 : i32
          %dma_wait3A_252 = arith.constant 32 : i32
          %dma_wait3A_253 = arith.constant 0 : i32
          %dma_wait3A_254 = tpu.memref_slice %arg9[%dma_wait3A_252, %dma_wait3A_253] : memref<80x128xf32, #tpu.memory_space<vmem>> -> memref<16x128xf32, #tpu.memory_space<vmem>>
          %dma_wait3A_255 = arith.constant 0 : i32
          %dma_wait3A_256 = tpu.memref_slice %arg8[%dma_wait3A_251, %add3A_162, %dma_wait3A_255] : memref<2x25x16xi32, #tpu.memory_space<vmem>> -> memref<1x1x16xi32, #tpu.memory_space<vmem>>
          %dma_wait3A_257 = tpu.memref_squeeze %dma_wait3A_256 : memref<1x1x16xi32, #tpu.memory_space<vmem>> -> memref<16xi32, #tpu.memory_space<vmem>>
          %dma_wait3A_258 = arith.constant 0 : i32
          %dma_wait3A_259 = arith.constant 0 : i32
          %dma_wait3A_260 = tpu.memref_slice %arg4[%dma_wait3A_258, %dma_wait3A_259] : memref<270000x128xf32, #tpu.memory_space<hbm>> -> memref<270000x128xf32, #tpu.memory_space<hbm>>
          tpu.wait_indirect_dma semaphore(%arg13 : memref<!tpu.dma_semaphore, #tpu.memory_space<semaphore_mem>>) src(%dma_wait3A_260 : memref<270000x128xf32, #tpu.memory_space<hbm>>) dst(%dma_wait3A_254 : memref<16x128xf32, #tpu.memory_space<vmem>>)
          %add3A_261 = arith.constant 2 : i32
          %add3A_262 = arith.addi %mul3A_123, %add3A_261 : i32
          %dma_start3A_263 = arith.constant 1 : i32
          %dma_start3A_264 = arith.constant 32 : i32
          %dma_start3A_265 = arith.constant 0 : i32
          %dma_start3A_266 = tpu.memref_slice %arg9[%dma_start3A_264, %dma_start3A_265] : memref<80x128xf32, #tpu.memory_space<vmem>> -> memref<16x128xf32, #tpu.memory_space<vmem>>
          %dma_start3A_267 = arith.constant 0 : i32
          %dma_start3A_268 = tpu.memref_slice %arg8[%dma_start3A_263, %add3A_262, %dma_start3A_267] : memref<2x25x16xi32, #tpu.memory_space<vmem>> -> memref<1x1x16xi32, #tpu.memory_space<vmem>>
          %dma_start3A_269 = tpu.memref_squeeze %dma_start3A_268 : memref<1x1x16xi32, #tpu.memory_space<vmem>> -> memref<16xi32, #tpu.memory_space<vmem>>
          %dma_start3A_270 = arith.constant 0 : i32
          %dma_start3A_271 = arith.constant 0 : i32
          %dma_start3A_272 = tpu.memref_slice %arg10[%dma_start3A_270, %dma_start3A_271] : memref<10240x128xf32, #tpu.memory_space<vmem_shared>> -> memref<10240x128xf32, #tpu.memory_space<vmem_shared>>
          tpu.enqueue_indirect_dma source(%dma_start3A_266 : memref<16x128xf32, #tpu.memory_space<vmem>>) target(%dma_start3A_272 : memref<10240x128xf32, #tpu.memory_space<vmem_shared>>) offsets(%dma_start3A_269 : memref<16xi32, #tpu.memory_space<vmem>>) semaphore(%arg18 : memref<!tpu.dma_semaphore, #tpu.memory_space<semaphore_mem>>) {add = true}
          %dma_wait3A_273 = arith.constant 0 : i32
          %dma_wait3A_274 = arith.constant 48 : i32
          %dma_wait3A_275 = arith.constant 0 : i32
          %dma_wait3A_276 = tpu.memref_slice %arg9[%dma_wait3A_274, %dma_wait3A_275] : memref<80x128xf32, #tpu.memory_space<vmem>> -> memref<16x128xf32, #tpu.memory_space<vmem>>
          %dma_wait3A_277 = arith.constant 0 : i32
          %dma_wait3A_278 = tpu.memref_slice %arg8[%dma_wait3A_273, %add3A_179, %dma_wait3A_277] : memref<2x25x16xi32, #tpu.memory_space<vmem>> -> memref<1x1x16xi32, #tpu.memory_space<vmem>>
          %dma_wait3A_279 = tpu.memref_squeeze %dma_wait3A_278 : memref<1x1x16xi32, #tpu.memory_space<vmem>> -> memref<16xi32, #tpu.memory_space<vmem>>
          %dma_wait3A_280 = arith.constant 0 : i32
          %dma_wait3A_281 = arith.constant 0 : i32
          %dma_wait3A_282 = tpu.memref_slice %arg4[%dma_wait3A_280, %dma_wait3A_281] : memref<270000x128xf32, #tpu.memory_space<hbm>> -> memref<270000x128xf32, #tpu.memory_space<hbm>>
          tpu.wait_indirect_dma semaphore(%arg14 : memref<!tpu.dma_semaphore, #tpu.memory_space<semaphore_mem>>) src(%dma_wait3A_282 : memref<270000x128xf32, #tpu.memory_space<hbm>>) dst(%dma_wait3A_276 : memref<16x128xf32, #tpu.memory_space<vmem>>)
          %add3A_283 = arith.constant 3 : i32
          %add3A_284 = arith.addi %mul3A_123, %add3A_283 : i32
          %dma_start3A_285 = arith.constant 1 : i32
          %dma_start3A_286 = arith.constant 48 : i32
          %dma_start3A_287 = arith.constant 0 : i32
          %dma_start3A_288 = tpu.memref_slice %arg9[%dma_start3A_286, %dma_start3A_287] : memref<80x128xf32, #tpu.memory_space<vmem>> -> memref<16x128xf32, #tpu.memory_space<vmem>>
          %dma_start3A_289 = arith.constant 0 : i32
          %dma_start3A_290 = tpu.memref_slice %arg8[%dma_start3A_285, %add3A_284, %dma_start3A_289] : memref<2x25x16xi32, #tpu.memory_space<vmem>> -> memref<1x1x16xi32, #tpu.memory_space<vmem>>
          %dma_start3A_291 = tpu.memref_squeeze %dma_start3A_290 : memref<1x1x16xi32, #tpu.memory_space<vmem>> -> memref<16xi32, #tpu.memory_space<vmem>>
          %dma_start3A_292 = arith.constant 0 : i32
          %dma_start3A_293 = arith.constant 0 : i32
          %dma_start3A_294 = tpu.memref_slice %arg10[%dma_start3A_292, %dma_start3A_293] : memref<10240x128xf32, #tpu.memory_space<vmem_shared>> -> memref<10240x128xf32, #tpu.memory_space<vmem_shared>>
          tpu.enqueue_indirect_dma source(%dma_start3A_288 : memref<16x128xf32, #tpu.memory_space<vmem>>) target(%dma_start3A_294 : memref<10240x128xf32, #tpu.memory_space<vmem_shared>>) offsets(%dma_start3A_291 : memref<16xi32, #tpu.memory_space<vmem>>) semaphore(%arg19 : memref<!tpu.dma_semaphore, #tpu.memory_space<semaphore_mem>>) {add = true}
          %dma_wait3A_295 = arith.constant 0 : i32
          %dma_wait3A_296 = arith.constant 64 : i32
          %dma_wait3A_297 = arith.constant 0 : i32
          %dma_wait3A_298 = tpu.memref_slice %arg9[%dma_wait3A_296, %dma_wait3A_297] : memref<80x128xf32, #tpu.memory_space<vmem>> -> memref<16x128xf32, #tpu.memory_space<vmem>>
          %dma_wait3A_299 = arith.constant 0 : i32
          %dma_wait3A_300 = tpu.memref_slice %arg8[%dma_wait3A_295, %add3A_196, %dma_wait3A_299] : memref<2x25x16xi32, #tpu.memory_space<vmem>> -> memref<1x1x16xi32, #tpu.memory_space<vmem>>
          %dma_wait3A_301 = tpu.memref_squeeze %dma_wait3A_300 : memref<1x1x16xi32, #tpu.memory_space<vmem>> -> memref<16xi32, #tpu.memory_space<vmem>>
          %dma_wait3A_302 = arith.constant 0 : i32
          %dma_wait3A_303 = arith.constant 0 : i32
          %dma_wait3A_304 = tpu.memref_slice %arg4[%dma_wait3A_302, %dma_wait3A_303] : memref<270000x128xf32, #tpu.memory_space<hbm>> -> memref<270000x128xf32, #tpu.memory_space<hbm>>
          tpu.wait_indirect_dma semaphore(%arg15 : memref<!tpu.dma_semaphore, #tpu.memory_space<semaphore_mem>>) src(%dma_wait3A_304 : memref<270000x128xf32, #tpu.memory_space<hbm>>) dst(%dma_wait3A_298 : memref<16x128xf32, #tpu.memory_space<vmem>>)
          %add3A_305 = arith.constant 4 : i32
          %add3A_306 = arith.addi %mul3A_123, %add3A_305 : i32
          %dma_start3A_307 = arith.constant 1 : i32
          %dma_start3A_308 = arith.constant 64 : i32
          %dma_start3A_309 = arith.constant 0 : i32
          %dma_start3A_310 = tpu.memref_slice %arg9[%dma_start3A_308, %dma_start3A_309] : memref<80x128xf32, #tpu.memory_space<vmem>> -> memref<16x128xf32, #tpu.memory_space<vmem>>
          %dma_start3A_311 = arith.constant 0 : i32
          %dma_start3A_312 = tpu.memref_slice %arg8[%dma_start3A_307, %add3A_306, %dma_start3A_311] : memref<2x25x16xi32, #tpu.memory_space<vmem>> -> memref<1x1x16xi32, #tpu.memory_space<vmem>>
          %dma_start3A_313 = tpu.memref_squeeze %dma_start3A_312 : memref<1x1x16xi32, #tpu.memory_space<vmem>> -> memref<16xi32, #tpu.memory_space<vmem>>
          %dma_start3A_314 = arith.constant 0 : i32
          %dma_start3A_315 = arith.constant 0 : i32
          %dma_start3A_316 = tpu.memref_slice %arg10[%dma_start3A_314, %dma_start3A_315] : memref<10240x128xf32, #tpu.memory_space<vmem_shared>> -> memref<10240x128xf32, #tpu.memory_space<vmem_shared>>
          tpu.enqueue_indirect_dma source(%dma_start3A_310 : memref<16x128xf32, #tpu.memory_space<vmem>>) target(%dma_start3A_316 : memref<10240x128xf32, #tpu.memory_space<vmem_shared>>) offsets(%dma_start3A_313 : memref<16xi32, #tpu.memory_space<vmem>>) semaphore(%arg20 : memref<!tpu.dma_semaphore, #tpu.memory_space<semaphore_mem>>) {add = true}
          %scan3A_317 = arith.constant 0 : i32
          scf.yield %scan3A_317 : i32
        }
        %scan3A_64 = arith.constant 5 : i32
        %dma_wait3A = arith.constant 1 : i32
        %dma_wait3A_65 = arith.constant 20 : i32
        %dma_wait3A_66 = arith.constant 0 : i32
        %dma_wait3A_67 = arith.constant 0 : i32
        %dma_wait3A_68 = tpu.memref_slice %arg9[%dma_wait3A_66, %dma_wait3A_67] : memref<80x128xf32, #tpu.memory_space<vmem>> -> memref<16x128xf32, #tpu.memory_space<vmem>>
        %dma_wait3A_69 = arith.constant 0 : i32
        %dma_wait3A_70 = tpu.memref_slice %arg8[%dma_wait3A, %dma_wait3A_65, %dma_wait3A_69] : memref<2x25x16xi32, #tpu.memory_space<vmem>> -> memref<1x1x16xi32, #tpu.memory_space<vmem>>
        %dma_wait3A_71 = tpu.memref_squeeze %dma_wait3A_70 : memref<1x1x16xi32, #tpu.memory_space<vmem>> -> memref<16xi32, #tpu.memory_space<vmem>>
        %dma_wait3A_72 = arith.constant 0 : i32
        %dma_wait3A_73 = arith.constant 0 : i32
        %dma_wait3A_74 = tpu.memref_slice %arg10[%dma_wait3A_72, %dma_wait3A_73] : memref<10240x128xf32, #tpu.memory_space<vmem_shared>> -> memref<10240x128xf32, #tpu.memory_space<vmem_shared>>
        tpu.wait_indirect_dma semaphore(%arg16 : memref<!tpu.dma_semaphore, #tpu.memory_space<semaphore_mem>>) src(%dma_wait3A_68 : memref<16x128xf32, #tpu.memory_space<vmem>>) dst(%dma_wait3A_74 : memref<10240x128xf32, #tpu.memory_space<vmem_shared>>)
        %dma_wait3A_75 = arith.constant 1 : i32
        %dma_wait3A_76 = arith.constant 21 : i32
        %dma_wait3A_77 = arith.constant 16 : i32
        %dma_wait3A_78 = arith.constant 0 : i32
        %dma_wait3A_79 = tpu.memref_slice %arg9[%dma_wait3A_77, %dma_wait3A_78] : memref<80x128xf32, #tpu.memory_space<vmem>> -> memref<16x128xf32, #tpu.memory_space<vmem>>
        %dma_wait3A_80 = arith.constant 0 : i32
        %dma_wait3A_81 = tpu.memref_slice %arg8[%dma_wait3A_75, %dma_wait3A_76, %dma_wait3A_80] : memref<2x25x16xi32, #tpu.memory_space<vmem>> -> memref<1x1x16xi32, #tpu.memory_space<vmem>>
        %dma_wait3A_82 = tpu.memref_squeeze %dma_wait3A_81 : memref<1x1x16xi32, #tpu.memory_space<vmem>> -> memref<16xi32, #tpu.memory_space<vmem>>
        %dma_wait3A_83 = arith.constant 0 : i32
        %dma_wait3A_84 = arith.constant 0 : i32
        %dma_wait3A_85 = tpu.memref_slice %arg10[%dma_wait3A_83, %dma_wait3A_84] : memref<10240x128xf32, #tpu.memory_space<vmem_shared>> -> memref<10240x128xf32, #tpu.memory_space<vmem_shared>>
        tpu.wait_indirect_dma semaphore(%arg17 : memref<!tpu.dma_semaphore, #tpu.memory_space<semaphore_mem>>) src(%dma_wait3A_79 : memref<16x128xf32, #tpu.memory_space<vmem>>) dst(%dma_wait3A_85 : memref<10240x128xf32, #tpu.memory_space<vmem_shared>>)
        %dma_wait3A_86 = arith.constant 1 : i32
        %dma_wait3A_87 = arith.constant 22 : i32
        %dma_wait3A_88 = arith.constant 32 : i32
        %dma_wait3A_89 = arith.constant 0 : i32
        %dma_wait3A_90 = tpu.memref_slice %arg9[%dma_wait3A_88, %dma_wait3A_89] : memref<80x128xf32, #tpu.memory_space<vmem>> -> memref<16x128xf32, #tpu.memory_space<vmem>>
        %dma_wait3A_91 = arith.constant 0 : i32
        %dma_wait3A_92 = tpu.memref_slice %arg8[%dma_wait3A_86, %dma_wait3A_87, %dma_wait3A_91] : memref<2x25x16xi32, #tpu.memory_space<vmem>> -> memref<1x1x16xi32, #tpu.memory_space<vmem>>
        %dma_wait3A_93 = tpu.memref_squeeze %dma_wait3A_92 : memref<1x1x16xi32, #tpu.memory_space<vmem>> -> memref<16xi32, #tpu.memory_space<vmem>>
        %dma_wait3A_94 = arith.constant 0 : i32
        %dma_wait3A_95 = arith.constant 0 : i32
        %dma_wait3A_96 = tpu.memref_slice %arg10[%dma_wait3A_94, %dma_wait3A_95] : memref<10240x128xf32, #tpu.memory_space<vmem_shared>> -> memref<10240x128xf32, #tpu.memory_space<vmem_shared>>
        tpu.wait_indirect_dma semaphore(%arg18 : memref<!tpu.dma_semaphore, #tpu.memory_space<semaphore_mem>>) src(%dma_wait3A_90 : memref<16x128xf32, #tpu.memory_space<vmem>>) dst(%dma_wait3A_96 : memref<10240x128xf32, #tpu.memory_space<vmem_shared>>)
        %dma_wait3A_97 = arith.constant 1 : i32
        %dma_wait3A_98 = arith.constant 23 : i32
        %dma_wait3A_99 = arith.constant 48 : i32
        %dma_wait3A_100 = arith.constant 0 : i32
        %dma_wait3A_101 = tpu.memref_slice %arg9[%dma_wait3A_99, %dma_wait3A_100] : memref<80x128xf32, #tpu.memory_space<vmem>> -> memref<16x128xf32, #tpu.memory_space<vmem>>
        %dma_wait3A_102 = arith.constant 0 : i32
        %dma_wait3A_103 = tpu.memref_slice %arg8[%dma_wait3A_97, %dma_wait3A_98, %dma_wait3A_102] : memref<2x25x16xi32, #tpu.memory_space<vmem>> -> memref<1x1x16xi32, #tpu.memory_space<vmem>>
        %dma_wait3A_104 = tpu.memref_squeeze %dma_wait3A_103 : memref<1x1x16xi32, #tpu.memory_space<vmem>> -> memref<16xi32, #tpu.memory_space<vmem>>
        %dma_wait3A_105 = arith.constant 0 : i32
        %dma_wait3A_106 = arith.constant 0 : i32
        %dma_wait3A_107 = tpu.memref_slice %arg10[%dma_wait3A_105, %dma_wait3A_106] : memref<10240x128xf32, #tpu.memory_space<vmem_shared>> -> memref<10240x128xf32, #tpu.memory_space<vmem_shared>>
        tpu.wait_indirect_dma semaphore(%arg19 : memref<!tpu.dma_semaphore, #tpu.memory_space<semaphore_mem>>) src(%dma_wait3A_101 : memref<16x128xf32, #tpu.memory_space<vmem>>) dst(%dma_wait3A_107 : memref<10240x128xf32, #tpu.memory_space<vmem_shared>>)
        %dma_wait3A_108 = arith.constant 1 : i32
        %dma_wait3A_109 = arith.constant 24 : i32
        %dma_wait3A_110 = arith.constant 64 : i32
        %dma_wait3A_111 = arith.constant 0 : i32
        %dma_wait3A_112 = tpu.memref_slice %arg9[%dma_wait3A_110, %dma_wait3A_111] : memref<80x128xf32, #tpu.memory_space<vmem>> -> memref<16x128xf32, #tpu.memory_space<vmem>>
        %dma_wait3A_113 = arith.constant 0 : i32
        %dma_wait3A_114 = tpu.memref_slice %arg8[%dma_wait3A_108, %dma_wait3A_109, %dma_wait3A_113] : memref<2x25x16xi32, #tpu.memory_space<vmem>> -> memref<1x1x16xi32, #tpu.memory_space<vmem>>
        %dma_wait3A_115 = tpu.memref_squeeze %dma_wait3A_114 : memref<1x1x16xi32, #tpu.memory_space<vmem>> -> memref<16xi32, #tpu.memory_space<vmem>>
        %dma_wait3A_116 = arith.constant 0 : i32
        %dma_wait3A_117 = arith.constant 0 : i32
        %dma_wait3A_118 = tpu.memref_slice %arg10[%dma_wait3A_116, %dma_wait3A_117] : memref<10240x128xf32, #tpu.memory_space<vmem_shared>> -> memref<10240x128xf32, #tpu.memory_space<vmem_shared>>
        tpu.wait_indirect_dma semaphore(%arg20 : memref<!tpu.dma_semaphore, #tpu.memory_space<semaphore_mem>>) src(%dma_wait3A_112 : memref<16x128xf32, #tpu.memory_space<vmem>>) dst(%dma_wait3A_118 : memref<10240x128xf32, #tpu.memory_space<vmem_shared>>)
        %scan3A_119 = arith.constant 0 : i32
        scf.yield %scan3A_119 : i32
      }
      %scan3A_49 = arith.constant 25 : i32
      %barrier3A_50 = arith.constant 0 : index
      tpu.barrier barrier_id(%barrier3A_50)
      %mul3A_51 = arith.constant 640 : i32
      %mul3A_52 = arith.muli %arg1, %mul3A_51 : i32
      %mul3A_53 = arith.constant 640 : i32
      %mul3A_54 = arith.muli %arg1, %mul3A_53 : i32
      "tpu.region"() ({
        %run_scoped3A = tpu.sem_alloc : memref<!tpu.dma_semaphore, #tpu.memory_space<semaphore_mem>>
        %dma_start3A = arith.constant 0 : i32
        %dma_start3A_55 = tpu.memref_slice %arg6[%mul3A_54, %dma_start3A] : memref<10240x128xf32, #tpu.memory_space<hbm>> -> memref<640x128xf32, #tpu.memory_space<hbm>>
        %dma_start3A_56 = arith.constant 0 : i32
        %dma_start3A_57 = tpu.memref_slice %arg10[%mul3A_52, %dma_start3A_56] : memref<10240x128xf32, #tpu.memory_space<vmem_shared>> -> memref<640x128xf32, #tpu.memory_space<vmem_shared>>
        tpu.enqueue_dma source(%dma_start3A_57 : memref<640x128xf32, #tpu.memory_space<vmem_shared>>) target(%dma_start3A_55 : memref<640x128xf32, #tpu.memory_space<hbm>>) target_semaphore(%run_scoped3A : memref<!tpu.dma_semaphore, #tpu.memory_space<semaphore_mem>>)
        %dma_wait3A = arith.constant 0 : i32
        %dma_wait3A_58 = tpu.memref_slice %arg6[%mul3A_54, %dma_wait3A] : memref<10240x128xf32, #tpu.memory_space<hbm>> -> memref<640x128xf32, #tpu.memory_space<hbm>>
        %dma_wait3A_59 = arith.constant 0 : i32
        %dma_wait3A_60 = tpu.memref_slice %arg10[%mul3A_52, %dma_wait3A_59] : memref<10240x128xf32, #tpu.memory_space<vmem_shared>> -> memref<640x128xf32, #tpu.memory_space<vmem_shared>>
        tpu.wait_dma2 semaphore(%run_scoped3A : memref<!tpu.dma_semaphore, #tpu.memory_space<semaphore_mem>>) src(%dma_wait3A_60 : memref<640x128xf32, #tpu.memory_space<vmem_shared>>) dst(%dma_wait3A_58 : memref<640x128xf32, #tpu.memory_space<hbm>>)
        tpu.yield
      }) : () -> ()
    } else {
    }
    %eq3A_38 = arith.constant 1 : i32
    %eq3A_39 = arith.cmpi eq, %arg0, %eq3A_38 : i32
    %convert_element_type3A_40 = arith.extui %eq3A_39 : i1 to i32
    %cond3A_41 = arith.constant 0 : i32
    %cond3A_42 = arith.cmpi ne, %convert_element_type3A_40, %cond3A_41 : i32
    scf.if %cond3A_42 {
      %scan3A_43 = arith.constant 0 : i32
      %scan3A_44 = arith.constant 0 : i32
      %scan3A_45 = arith.constant 25 : i32
      %scan3A_46 = arith.addi %scan3A_44, %scan3A_45 : i32
      %scan3A_47 = arith.constant 1 : i32
      %scan3A_48 = scf.for %scan3A_55 = %scan3A_44 to %scan3A_46 step %scan3A_47 iter_args(%scan3A_56 = %scan3A_43) -> (i32)  : i32 {
        %run_scoped3A = arith.constant 0 : i32
        "tpu.region"() ({
          %run_scoped3A_120 = tpu.sem_alloc : memref<!tpu.dma_semaphore, #tpu.memory_space<semaphore_mem>>
          %dma_start3A = arith.constant 0 : i32
          %dma_start3A_121 = arith.constant 0 : i32
          %dma_start3A_122 = tpu.memref_slice %arg8[%run_scoped3A, %dma_start3A, %dma_start3A_121] : memref<2x25x16xi32, #tpu.memory_space<vmem>> -> memref<1x25x16xi32, #tpu.memory_space<vmem>>
          %dma_start3A_123 = tpu.memref_squeeze %dma_start3A_122 : memref<1x25x16xi32, #tpu.memory_space<vmem>> -> memref<25x16xi32, #tpu.memory_space<vmem>>
          %dma_start3A_124 = arith.constant 0 : i32
          %dma_start3A_125 = arith.constant 0 : i32
          %dma_start3A_126 = tpu.memref_slice %arg2[%arg1, %scan3A_55, %dma_start3A_124, %dma_start3A_125] : memref<16x25x25x16xi32, #tpu.memory_space<hbm>> -> memref<1x1x25x16xi32, #tpu.memory_space<hbm>>
          %dma_start3A_127 = tpu.memref_squeeze %dma_start3A_126 : memref<1x1x25x16xi32, #tpu.memory_space<hbm>> -> memref<25x16xi32, #tpu.memory_space<hbm>>
          %dma_start3A_128 = arith.constant 0 : i32
          %dma_start3A_129 = arith.constant 0 : i32
          %dma_start3A_130 = tpu.memref_slice %arg8[%run_scoped3A, %dma_start3A_128, %dma_start3A_129] : memref<2x25x16xi32, #tpu.memory_space<vmem>> -> memref<1x25x16xi32, #tpu.memory_space<vmem>>
          %dma_start3A_131 = tpu.memref_squeeze %dma_start3A_130 : memref<1x25x16xi32, #tpu.memory_space<vmem>> -> memref<25x16xi32, #tpu.memory_space<vmem>>
          %dma_start3A_132 = arith.constant 0 : i32
          %dma_start3A_133 = arith.constant 0 : i32
          %dma_start3A_134 = tpu.memref_slice %arg2[%arg1, %scan3A_55, %dma_start3A_132, %dma_start3A_133] : memref<16x25x25x16xi32, #tpu.memory_space<hbm>> -> memref<1x1x25x16xi32, #tpu.memory_space<hbm>>
          %dma_start3A_135 = tpu.memref_squeeze %dma_start3A_134 : memref<1x1x25x16xi32, #tpu.memory_space<hbm>> -> memref<25x16xi32, #tpu.memory_space<hbm>>
          tpu.enqueue_dma source(%dma_start3A_135 : memref<25x16xi32, #tpu.memory_space<hbm>>) target(%dma_start3A_131 : memref<25x16xi32, #tpu.memory_space<vmem>>) target_semaphore(%run_scoped3A_120 : memref<!tpu.dma_semaphore, #tpu.memory_space<semaphore_mem>>)
          %dma_wait3A_136 = arith.constant 0 : i32
          %dma_wait3A_137 = arith.constant 0 : i32
          %dma_wait3A_138 = tpu.memref_slice %arg8[%run_scoped3A, %dma_wait3A_136, %dma_wait3A_137] : memref<2x25x16xi32, #tpu.memory_space<vmem>> -> memref<1x25x16xi32, #tpu.memory_space<vmem>>
          %dma_wait3A_139 = tpu.memref_squeeze %dma_wait3A_138 : memref<1x25x16xi32, #tpu.memory_space<vmem>> -> memref<25x16xi32, #tpu.memory_space<vmem>>
          %dma_wait3A_140 = arith.constant 0 : i32
          %dma_wait3A_141 = arith.constant 0 : i32
          %dma_wait3A_142 = tpu.memref_slice %arg2[%arg1, %scan3A_55, %dma_wait3A_140, %dma_wait3A_141] : memref<16x25x25x16xi32, #tpu.memory_space<hbm>> -> memref<1x1x25x16xi32, #tpu.memory_space<hbm>>
          %dma_wait3A_143 = tpu.memref_squeeze %dma_wait3A_142 : memref<1x1x25x16xi32, #tpu.memory_space<hbm>> -> memref<25x16xi32, #tpu.memory_space<hbm>>
          %dma_wait3A_144 = arith.constant 0 : i32
          %dma_wait3A_145 = arith.constant 0 : i32
          %dma_wait3A_146 = tpu.memref_slice %arg8[%run_scoped3A, %dma_wait3A_144, %dma_wait3A_145] : memref<2x25x16xi32, #tpu.memory_space<vmem>> -> memref<1x25x16xi32, #tpu.memory_space<vmem>>
          %dma_wait3A_147 = tpu.memref_squeeze %dma_wait3A_146 : memref<1x25x16xi32, #tpu.memory_space<vmem>> -> memref<25x16xi32, #tpu.memory_space<vmem>>
          %dma_wait3A_148 = arith.constant 0 : i32
          %dma_wait3A_149 = arith.constant 0 : i32
          %dma_wait3A_150 = tpu.memref_slice %arg2[%arg1, %scan3A_55, %dma_wait3A_148, %dma_wait3A_149] : memref<16x25x25x16xi32, #tpu.memory_space<hbm>> -> memref<1x1x25x16xi32, #tpu.memory_space<hbm>>
          %dma_wait3A_151 = tpu.memref_squeeze %dma_wait3A_150 : memref<1x1x25x16xi32, #tpu.memory_space<hbm>> -> memref<25x16xi32, #tpu.memory_space<hbm>>
          tpu.wait_dma2 semaphore(%run_scoped3A_120 : memref<!tpu.dma_semaphore, #tpu.memory_space<semaphore_mem>>) src(%dma_wait3A_151 : memref<25x16xi32, #tpu.memory_space<hbm>>) dst(%dma_wait3A_147 : memref<25x16xi32, #tpu.memory_space<vmem>>)
          tpu.yield
        }) : () -> ()
        %run_scoped3A_57 = arith.constant 1 : i32
        "tpu.region"() ({
          %run_scoped3A_120 = tpu.sem_alloc : memref<!tpu.dma_semaphore, #tpu.memory_space<semaphore_mem>>
          %dma_start3A = arith.constant 0 : i32
          %dma_start3A_121 = arith.constant 0 : i32
          %dma_start3A_122 = tpu.memref_slice %arg8[%run_scoped3A_57, %dma_start3A, %dma_start3A_121] : memref<2x25x16xi32, #tpu.memory_space<vmem>> -> memref<1x25x16xi32, #tpu.memory_space<vmem>>
          %dma_start3A_123 = tpu.memref_squeeze %dma_start3A_122 : memref<1x25x16xi32, #tpu.memory_space<vmem>> -> memref<25x16xi32, #tpu.memory_space<vmem>>
          %dma_start3A_124 = arith.constant 0 : i32
          %dma_start3A_125 = arith.constant 0 : i32
          %dma_start3A_126 = tpu.memref_slice %arg3[%arg1, %scan3A_55, %dma_start3A_124, %dma_start3A_125] : memref<16x25x25x16xi32, #tpu.memory_space<hbm>> -> memref<1x1x25x16xi32, #tpu.memory_space<hbm>>
          %dma_start3A_127 = tpu.memref_squeeze %dma_start3A_126 : memref<1x1x25x16xi32, #tpu.memory_space<hbm>> -> memref<25x16xi32, #tpu.memory_space<hbm>>
          %dma_start3A_128 = arith.constant 0 : i32
          %dma_start3A_129 = arith.constant 0 : i32
          %dma_start3A_130 = tpu.memref_slice %arg8[%run_scoped3A_57, %dma_start3A_128, %dma_start3A_129] : memref<2x25x16xi32, #tpu.memory_space<vmem>> -> memref<1x25x16xi32, #tpu.memory_space<vmem>>
          %dma_start3A_131 = tpu.memref_squeeze %dma_start3A_130 : memref<1x25x16xi32, #tpu.memory_space<vmem>> -> memref<25x16xi32, #tpu.memory_space<vmem>>
          %dma_start3A_132 = arith.constant 0 : i32
          %dma_start3A_133 = arith.constant 0 : i32
          %dma_start3A_134 = tpu.memref_slice %arg3[%arg1, %scan3A_55, %dma_start3A_132, %dma_start3A_133] : memref<16x25x25x16xi32, #tpu.memory_space<hbm>> -> memref<1x1x25x16xi32, #tpu.memory_space<hbm>>
          %dma_start3A_135 = tpu.memref_squeeze %dma_start3A_134 : memref<1x1x25x16xi32, #tpu.memory_space<hbm>> -> memref<25x16xi32, #tpu.memory_space<hbm>>
          tpu.enqueue_dma source(%dma_start3A_135 : memref<25x16xi32, #tpu.memory_space<hbm>>) target(%dma_start3A_131 : memref<25x16xi32, #tpu.memory_space<vmem>>) target_semaphore(%run_scoped3A_120 : memref<!tpu.dma_semaphore, #tpu.memory_space<semaphore_mem>>)
          %dma_wait3A_136 = arith.constant 0 : i32
          %dma_wait3A_137 = arith.constant 0 : i32
          %dma_wait3A_138 = tpu.memref_slice %arg8[%run_scoped3A_57, %dma_wait3A_136, %dma_wait3A_137] : memref<2x25x16xi32, #tpu.memory_space<vmem>> -> memref<1x25x16xi32, #tpu.memory_space<vmem>>
          %dma_wait3A_139 = tpu.memref_squeeze %dma_wait3A_138 : memref<1x25x16xi32, #tpu.memory_space<vmem>> -> memref<25x16xi32, #tpu.memory_space<vmem>>
          %dma_wait3A_140 = arith.constant 0 : i32
          %dma_wait3A_141 = arith.constant 0 : i32
          %dma_wait3A_142 = tpu.memref_slice %arg3[%arg1, %scan3A_55, %dma_wait3A_140, %dma_wait3A_141] : memref<16x25x25x16xi32, #tpu.memory_space<hbm>> -> memref<1x1x25x16xi32, #tpu.memory_space<hbm>>
          %dma_wait3A_143 = tpu.memref_squeeze %dma_wait3A_142 : memref<1x1x25x16xi32, #tpu.memory_space<hbm>> -> memref<25x16xi32, #tpu.memory_space<hbm>>
          %dma_wait3A_144 = arith.constant 0 : i32
          %dma_wait3A_145 = arith.constant 0 : i32
          %dma_wait3A_146 = tpu.memref_slice %arg8[%run_scoped3A_57, %dma_wait3A_144, %dma_wait3A_145] : memref<2x25x16xi32, #tpu.memory_space<vmem>> -> memref<1x25x16xi32, #tpu.memory_space<vmem>>
          %dma_wait3A_147 = tpu.memref_squeeze %dma_wait3A_146 : memref<1x25x16xi32, #tpu.memory_space<vmem>> -> memref<25x16xi32, #tpu.memory_space<vmem>>
          %dma_wait3A_148 = arith.constant 0 : i32
          %dma_wait3A_149 = arith.constant 0 : i32
          %dma_wait3A_150 = tpu.memref_slice %arg3[%arg1, %scan3A_55, %dma_wait3A_148, %dma_wait3A_149] : memref<16x25x25x16xi32, #tpu.memory_space<hbm>> -> memref<1x1x25x16xi32, #tpu.memory_space<hbm>>
          %dma_wait3A_151 = tpu.memref_squeeze %dma_wait3A_150 : memref<1x1x25x16xi32, #tpu.memory_space<hbm>> -> memref<25x16xi32, #tpu.memory_space<hbm>>
          tpu.wait_dma2 semaphore(%run_scoped3A_120 : memref<!tpu.dma_semaphore, #tpu.memory_space<semaphore_mem>>) src(%dma_wait3A_151 : memref<25x16xi32, #tpu.memory_space<hbm>>) dst(%dma_wait3A_147 : memref<25x16xi32, #tpu.memory_space<vmem>>)
          tpu.yield
        }) : () -> ()
        %scan3A_58 = arith.constant 0 : i32
        %scan3A_59 = arith.constant 0 : i32
        %scan3A_60 = arith.constant 5 : i32
        %scan3A_61 = arith.addi %scan3A_59, %scan3A_60 : i32
        %scan3A_62 = arith.constant 1 : i32
        %scan3A_63 = scf.for %scan3A_120 = %scan3A_59 to %scan3A_61 step %scan3A_62 iter_args(%scan3A_121 = %scan3A_58) -> (i32)  : i32 {
          %mul3A_122 = arith.constant 5 : i32
          %mul3A_123 = arith.muli %scan3A_120, %mul3A_122 : i32
          %gt3A = arith.constant 0 : i32
          %gt3A_124 = arith.cmpi sgt, %scan3A_120, %gt3A : i32
          %convert_element_type3A_125 = arith.extui %gt3A_124 : i1 to i32
          %cond3A_126 = arith.constant 0 : i32
          %cond3A_127 = arith.cmpi ne, %convert_element_type3A_125, %cond3A_126 : i32
          scf.if %cond3A_127 {
            %add3A_318 = arith.constant 0 : i32
            %add3A_319 = arith.addi %mul3A_123, %add3A_318 : i32
            %dma_wait3A_320 = arith.constant 1 : i32
            %dma_wait3A_321 = arith.constant 0 : i32
            %dma_wait3A_322 = arith.constant 0 : i32
            %dma_wait3A_323 = tpu.memref_slice %arg9[%dma_wait3A_321, %dma_wait3A_322] : memref<80x128xf32, #tpu.memory_space<vmem>> -> memref<16x128xf32, #tpu.memory_space<vmem>>
            %dma_wait3A_324 = arith.constant 0 : i32
            %dma_wait3A_325 = tpu.memref_slice %arg8[%dma_wait3A_320, %add3A_319, %dma_wait3A_324] : memref<2x25x16xi32, #tpu.memory_space<vmem>> -> memref<1x1x16xi32, #tpu.memory_space<vmem>>
            %dma_wait3A_326 = tpu.memref_squeeze %dma_wait3A_325 : memref<1x1x16xi32, #tpu.memory_space<vmem>> -> memref<16xi32, #tpu.memory_space<vmem>>
            %dma_wait3A_327 = arith.constant 0 : i32
            %dma_wait3A_328 = arith.constant 0 : i32
            %dma_wait3A_329 = tpu.memref_slice %arg10[%dma_wait3A_327, %dma_wait3A_328] : memref<10240x128xf32, #tpu.memory_space<vmem_shared>> -> memref<10240x128xf32, #tpu.memory_space<vmem_shared>>
            tpu.wait_indirect_dma semaphore(%arg16 : memref<!tpu.dma_semaphore, #tpu.memory_space<semaphore_mem>>) src(%dma_wait3A_323 : memref<16x128xf32, #tpu.memory_space<vmem>>) dst(%dma_wait3A_329 : memref<10240x128xf32, #tpu.memory_space<vmem_shared>>)
          } else {
          }
          %add3A_128 = arith.constant 0 : i32
          %add3A_129 = arith.addi %mul3A_123, %add3A_128 : i32
          %dma_start3A = arith.constant 0 : i32
          %dma_start3A_130 = arith.constant 0 : i32
          %dma_start3A_131 = arith.constant 0 : i32
          %dma_start3A_132 = tpu.memref_slice %arg9[%dma_start3A_130, %dma_start3A_131] : memref<80x128xf32, #tpu.memory_space<vmem>> -> memref<16x128xf32, #tpu.memory_space<vmem>>
          %dma_start3A_133 = arith.constant 0 : i32
          %dma_start3A_134 = tpu.memref_slice %arg8[%dma_start3A, %add3A_129, %dma_start3A_133] : memref<2x25x16xi32, #tpu.memory_space<vmem>> -> memref<1x1x16xi32, #tpu.memory_space<vmem>>
          %dma_start3A_135 = tpu.memref_squeeze %dma_start3A_134 : memref<1x1x16xi32, #tpu.memory_space<vmem>> -> memref<16xi32, #tpu.memory_space<vmem>>
          %dma_start3A_136 = arith.constant 0 : i32
          %dma_start3A_137 = arith.constant 0 : i32
          %dma_start3A_138 = tpu.memref_slice %arg5[%dma_start3A_136, %dma_start3A_137] : memref<270000x128xf32, #tpu.memory_space<hbm>> -> memref<270000x128xf32, #tpu.memory_space<hbm>>
          tpu.enqueue_indirect_dma source(%dma_start3A_138 : memref<270000x128xf32, #tpu.memory_space<hbm>>) target(%dma_start3A_132 : memref<16x128xf32, #tpu.memory_space<vmem>>) offsets(%dma_start3A_135 : memref<16xi32, #tpu.memory_space<vmem>>) semaphore(%arg11 : memref<!tpu.dma_semaphore, #tpu.memory_space<semaphore_mem>>)
          %gt3A_139 = arith.constant 0 : i32
          %gt3A_140 = arith.cmpi sgt, %scan3A_120, %gt3A_139 : i32
          %convert_element_type3A_141 = arith.extui %gt3A_140 : i1 to i32
          %cond3A_142 = arith.constant 0 : i32
          %cond3A_143 = arith.cmpi ne, %convert_element_type3A_141, %cond3A_142 : i32
          scf.if %cond3A_143 {
            %add3A_318 = arith.constant 1 : i32
            %add3A_319 = arith.addi %mul3A_123, %add3A_318 : i32
            %dma_wait3A_320 = arith.constant 1 : i32
            %dma_wait3A_321 = arith.constant 16 : i32
            %dma_wait3A_322 = arith.constant 0 : i32
            %dma_wait3A_323 = tpu.memref_slice %arg9[%dma_wait3A_321, %dma_wait3A_322] : memref<80x128xf32, #tpu.memory_space<vmem>> -> memref<16x128xf32, #tpu.memory_space<vmem>>
            %dma_wait3A_324 = arith.constant 0 : i32
            %dma_wait3A_325 = tpu.memref_slice %arg8[%dma_wait3A_320, %add3A_319, %dma_wait3A_324] : memref<2x25x16xi32, #tpu.memory_space<vmem>> -> memref<1x1x16xi32, #tpu.memory_space<vmem>>
            %dma_wait3A_326 = tpu.memref_squeeze %dma_wait3A_325 : memref<1x1x16xi32, #tpu.memory_space<vmem>> -> memref<16xi32, #tpu.memory_space<vmem>>
            %dma_wait3A_327 = arith.constant 0 : i32
            %dma_wait3A_328 = arith.constant 0 : i32
            %dma_wait3A_329 = tpu.memref_slice %arg10[%dma_wait3A_327, %dma_wait3A_328] : memref<10240x128xf32, #tpu.memory_space<vmem_shared>> -> memref<10240x128xf32, #tpu.memory_space<vmem_shared>>
            tpu.wait_indirect_dma semaphore(%arg17 : memref<!tpu.dma_semaphore, #tpu.memory_space<semaphore_mem>>) src(%dma_wait3A_323 : memref<16x128xf32, #tpu.memory_space<vmem>>) dst(%dma_wait3A_329 : memref<10240x128xf32, #tpu.memory_space<vmem_shared>>)
          } else {
          }
          %add3A_144 = arith.constant 1 : i32
          %add3A_145 = arith.addi %mul3A_123, %add3A_144 : i32
          %dma_start3A_146 = arith.constant 0 : i32
          %dma_start3A_147 = arith.constant 16 : i32
          %dma_start3A_148 = arith.constant 0 : i32
          %dma_start3A_149 = tpu.memref_slice %arg9[%dma_start3A_147, %dma_start3A_148] : memref<80x128xf32, #tpu.memory_space<vmem>> -> memref<16x128xf32, #tpu.memory_space<vmem>>
          %dma_start3A_150 = arith.constant 0 : i32
          %dma_start3A_151 = tpu.memref_slice %arg8[%dma_start3A_146, %add3A_145, %dma_start3A_150] : memref<2x25x16xi32, #tpu.memory_space<vmem>> -> memref<1x1x16xi32, #tpu.memory_space<vmem>>
          %dma_start3A_152 = tpu.memref_squeeze %dma_start3A_151 : memref<1x1x16xi32, #tpu.memory_space<vmem>> -> memref<16xi32, #tpu.memory_space<vmem>>
          %dma_start3A_153 = arith.constant 0 : i32
          %dma_start3A_154 = arith.constant 0 : i32
          %dma_start3A_155 = tpu.memref_slice %arg5[%dma_start3A_153, %dma_start3A_154] : memref<270000x128xf32, #tpu.memory_space<hbm>> -> memref<270000x128xf32, #tpu.memory_space<hbm>>
          tpu.enqueue_indirect_dma source(%dma_start3A_155 : memref<270000x128xf32, #tpu.memory_space<hbm>>) target(%dma_start3A_149 : memref<16x128xf32, #tpu.memory_space<vmem>>) offsets(%dma_start3A_152 : memref<16xi32, #tpu.memory_space<vmem>>) semaphore(%arg12 : memref<!tpu.dma_semaphore, #tpu.memory_space<semaphore_mem>>)
          %gt3A_156 = arith.constant 0 : i32
          %gt3A_157 = arith.cmpi sgt, %scan3A_120, %gt3A_156 : i32
          %convert_element_type3A_158 = arith.extui %gt3A_157 : i1 to i32
          %cond3A_159 = arith.constant 0 : i32
          %cond3A_160 = arith.cmpi ne, %convert_element_type3A_158, %cond3A_159 : i32
          scf.if %cond3A_160 {
            %add3A_318 = arith.constant 2 : i32
            %add3A_319 = arith.addi %mul3A_123, %add3A_318 : i32
            %dma_wait3A_320 = arith.constant 1 : i32
            %dma_wait3A_321 = arith.constant 32 : i32
            %dma_wait3A_322 = arith.constant 0 : i32
            %dma_wait3A_323 = tpu.memref_slice %arg9[%dma_wait3A_321, %dma_wait3A_322] : memref<80x128xf32, #tpu.memory_space<vmem>> -> memref<16x128xf32, #tpu.memory_space<vmem>>
            %dma_wait3A_324 = arith.constant 0 : i32
            %dma_wait3A_325 = tpu.memref_slice %arg8[%dma_wait3A_320, %add3A_319, %dma_wait3A_324] : memref<2x25x16xi32, #tpu.memory_space<vmem>> -> memref<1x1x16xi32, #tpu.memory_space<vmem>>
            %dma_wait3A_326 = tpu.memref_squeeze %dma_wait3A_325 : memref<1x1x16xi32, #tpu.memory_space<vmem>> -> memref<16xi32, #tpu.memory_space<vmem>>
            %dma_wait3A_327 = arith.constant 0 : i32
            %dma_wait3A_328 = arith.constant 0 : i32
            %dma_wait3A_329 = tpu.memref_slice %arg10[%dma_wait3A_327, %dma_wait3A_328] : memref<10240x128xf32, #tpu.memory_space<vmem_shared>> -> memref<10240x128xf32, #tpu.memory_space<vmem_shared>>
            tpu.wait_indirect_dma semaphore(%arg18 : memref<!tpu.dma_semaphore, #tpu.memory_space<semaphore_mem>>) src(%dma_wait3A_323 : memref<16x128xf32, #tpu.memory_space<vmem>>) dst(%dma_wait3A_329 : memref<10240x128xf32, #tpu.memory_space<vmem_shared>>)
          } else {
          }
          %add3A_161 = arith.constant 2 : i32
          %add3A_162 = arith.addi %mul3A_123, %add3A_161 : i32
          %dma_start3A_163 = arith.constant 0 : i32
          %dma_start3A_164 = arith.constant 32 : i32
          %dma_start3A_165 = arith.constant 0 : i32
          %dma_start3A_166 = tpu.memref_slice %arg9[%dma_start3A_164, %dma_start3A_165] : memref<80x128xf32, #tpu.memory_space<vmem>> -> memref<16x128xf32, #tpu.memory_space<vmem>>
          %dma_start3A_167 = arith.constant 0 : i32
          %dma_start3A_168 = tpu.memref_slice %arg8[%dma_start3A_163, %add3A_162, %dma_start3A_167] : memref<2x25x16xi32, #tpu.memory_space<vmem>> -> memref<1x1x16xi32, #tpu.memory_space<vmem>>
          %dma_start3A_169 = tpu.memref_squeeze %dma_start3A_168 : memref<1x1x16xi32, #tpu.memory_space<vmem>> -> memref<16xi32, #tpu.memory_space<vmem>>
          %dma_start3A_170 = arith.constant 0 : i32
          %dma_start3A_171 = arith.constant 0 : i32
          %dma_start3A_172 = tpu.memref_slice %arg5[%dma_start3A_170, %dma_start3A_171] : memref<270000x128xf32, #tpu.memory_space<hbm>> -> memref<270000x128xf32, #tpu.memory_space<hbm>>
          tpu.enqueue_indirect_dma source(%dma_start3A_172 : memref<270000x128xf32, #tpu.memory_space<hbm>>) target(%dma_start3A_166 : memref<16x128xf32, #tpu.memory_space<vmem>>) offsets(%dma_start3A_169 : memref<16xi32, #tpu.memory_space<vmem>>) semaphore(%arg13 : memref<!tpu.dma_semaphore, #tpu.memory_space<semaphore_mem>>)
          %gt3A_173 = arith.constant 0 : i32
          %gt3A_174 = arith.cmpi sgt, %scan3A_120, %gt3A_173 : i32
          %convert_element_type3A_175 = arith.extui %gt3A_174 : i1 to i32
          %cond3A_176 = arith.constant 0 : i32
          %cond3A_177 = arith.cmpi ne, %convert_element_type3A_175, %cond3A_176 : i32
          scf.if %cond3A_177 {
            %add3A_318 = arith.constant 3 : i32
            %add3A_319 = arith.addi %mul3A_123, %add3A_318 : i32
            %dma_wait3A_320 = arith.constant 1 : i32
            %dma_wait3A_321 = arith.constant 48 : i32
            %dma_wait3A_322 = arith.constant 0 : i32
            %dma_wait3A_323 = tpu.memref_slice %arg9[%dma_wait3A_321, %dma_wait3A_322] : memref<80x128xf32, #tpu.memory_space<vmem>> -> memref<16x128xf32, #tpu.memory_space<vmem>>
            %dma_wait3A_324 = arith.constant 0 : i32
            %dma_wait3A_325 = tpu.memref_slice %arg8[%dma_wait3A_320, %add3A_319, %dma_wait3A_324] : memref<2x25x16xi32, #tpu.memory_space<vmem>> -> memref<1x1x16xi32, #tpu.memory_space<vmem>>
            %dma_wait3A_326 = tpu.memref_squeeze %dma_wait3A_325 : memref<1x1x16xi32, #tpu.memory_space<vmem>> -> memref<16xi32, #tpu.memory_space<vmem>>
            %dma_wait3A_327 = arith.constant 0 : i32
            %dma_wait3A_328 = arith.constant 0 : i32
            %dma_wait3A_329 = tpu.memref_slice %arg10[%dma_wait3A_327, %dma_wait3A_328] : memref<10240x128xf32, #tpu.memory_space<vmem_shared>> -> memref<10240x128xf32, #tpu.memory_space<vmem_shared>>
            tpu.wait_indirect_dma semaphore(%arg19 : memref<!tpu.dma_semaphore, #tpu.memory_space<semaphore_mem>>) src(%dma_wait3A_323 : memref<16x128xf32, #tpu.memory_space<vmem>>) dst(%dma_wait3A_329 : memref<10240x128xf32, #tpu.memory_space<vmem_shared>>)
          } else {
          }
          %add3A_178 = arith.constant 3 : i32
          %add3A_179 = arith.addi %mul3A_123, %add3A_178 : i32
          %dma_start3A_180 = arith.constant 0 : i32
          %dma_start3A_181 = arith.constant 48 : i32
          %dma_start3A_182 = arith.constant 0 : i32
          %dma_start3A_183 = tpu.memref_slice %arg9[%dma_start3A_181, %dma_start3A_182] : memref<80x128xf32, #tpu.memory_space<vmem>> -> memref<16x128xf32, #tpu.memory_space<vmem>>
          %dma_start3A_184 = arith.constant 0 : i32
          %dma_start3A_185 = tpu.memref_slice %arg8[%dma_start3A_180, %add3A_179, %dma_start3A_184] : memref<2x25x16xi32, #tpu.memory_space<vmem>> -> memref<1x1x16xi32, #tpu.memory_space<vmem>>
          %dma_start3A_186 = tpu.memref_squeeze %dma_start3A_185 : memref<1x1x16xi32, #tpu.memory_space<vmem>> -> memref<16xi32, #tpu.memory_space<vmem>>
          %dma_start3A_187 = arith.constant 0 : i32
          %dma_start3A_188 = arith.constant 0 : i32
          %dma_start3A_189 = tpu.memref_slice %arg5[%dma_start3A_187, %dma_start3A_188] : memref<270000x128xf32, #tpu.memory_space<hbm>> -> memref<270000x128xf32, #tpu.memory_space<hbm>>
          tpu.enqueue_indirect_dma source(%dma_start3A_189 : memref<270000x128xf32, #tpu.memory_space<hbm>>) target(%dma_start3A_183 : memref<16x128xf32, #tpu.memory_space<vmem>>) offsets(%dma_start3A_186 : memref<16xi32, #tpu.memory_space<vmem>>) semaphore(%arg14 : memref<!tpu.dma_semaphore, #tpu.memory_space<semaphore_mem>>)
          %gt3A_190 = arith.constant 0 : i32
          %gt3A_191 = arith.cmpi sgt, %scan3A_120, %gt3A_190 : i32
          %convert_element_type3A_192 = arith.extui %gt3A_191 : i1 to i32
          %cond3A_193 = arith.constant 0 : i32
          %cond3A_194 = arith.cmpi ne, %convert_element_type3A_192, %cond3A_193 : i32
          scf.if %cond3A_194 {
            %add3A_318 = arith.constant 4 : i32
            %add3A_319 = arith.addi %mul3A_123, %add3A_318 : i32
            %dma_wait3A_320 = arith.constant 1 : i32
            %dma_wait3A_321 = arith.constant 64 : i32
            %dma_wait3A_322 = arith.constant 0 : i32
            %dma_wait3A_323 = tpu.memref_slice %arg9[%dma_wait3A_321, %dma_wait3A_322] : memref<80x128xf32, #tpu.memory_space<vmem>> -> memref<16x128xf32, #tpu.memory_space<vmem>>
            %dma_wait3A_324 = arith.constant 0 : i32
            %dma_wait3A_325 = tpu.memref_slice %arg8[%dma_wait3A_320, %add3A_319, %dma_wait3A_324] : memref<2x25x16xi32, #tpu.memory_space<vmem>> -> memref<1x1x16xi32, #tpu.memory_space<vmem>>
            %dma_wait3A_326 = tpu.memref_squeeze %dma_wait3A_325 : memref<1x1x16xi32, #tpu.memory_space<vmem>> -> memref<16xi32, #tpu.memory_space<vmem>>
            %dma_wait3A_327 = arith.constant 0 : i32
            %dma_wait3A_328 = arith.constant 0 : i32
            %dma_wait3A_329 = tpu.memref_slice %arg10[%dma_wait3A_327, %dma_wait3A_328] : memref<10240x128xf32, #tpu.memory_space<vmem_shared>> -> memref<10240x128xf32, #tpu.memory_space<vmem_shared>>
            tpu.wait_indirect_dma semaphore(%arg20 : memref<!tpu.dma_semaphore, #tpu.memory_space<semaphore_mem>>) src(%dma_wait3A_323 : memref<16x128xf32, #tpu.memory_space<vmem>>) dst(%dma_wait3A_329 : memref<10240x128xf32, #tpu.memory_space<vmem_shared>>)
          } else {
          }
          %add3A_195 = arith.constant 4 : i32
          %add3A_196 = arith.addi %mul3A_123, %add3A_195 : i32
          %dma_start3A_197 = arith.constant 0 : i32
          %dma_start3A_198 = arith.constant 64 : i32
          %dma_start3A_199 = arith.constant 0 : i32
          %dma_start3A_200 = tpu.memref_slice %arg9[%dma_start3A_198, %dma_start3A_199] : memref<80x128xf32, #tpu.memory_space<vmem>> -> memref<16x128xf32, #tpu.memory_space<vmem>>
          %dma_start3A_201 = arith.constant 0 : i32
          %dma_start3A_202 = tpu.memref_slice %arg8[%dma_start3A_197, %add3A_196, %dma_start3A_201] : memref<2x25x16xi32, #tpu.memory_space<vmem>> -> memref<1x1x16xi32, #tpu.memory_space<vmem>>
          %dma_start3A_203 = tpu.memref_squeeze %dma_start3A_202 : memref<1x1x16xi32, #tpu.memory_space<vmem>> -> memref<16xi32, #tpu.memory_space<vmem>>
          %dma_start3A_204 = arith.constant 0 : i32
          %dma_start3A_205 = arith.constant 0 : i32
          %dma_start3A_206 = tpu.memref_slice %arg5[%dma_start3A_204, %dma_start3A_205] : memref<270000x128xf32, #tpu.memory_space<hbm>> -> memref<270000x128xf32, #tpu.memory_space<hbm>>
          tpu.enqueue_indirect_dma source(%dma_start3A_206 : memref<270000x128xf32, #tpu.memory_space<hbm>>) target(%dma_start3A_200 : memref<16x128xf32, #tpu.memory_space<vmem>>) offsets(%dma_start3A_203 : memref<16xi32, #tpu.memory_space<vmem>>) semaphore(%arg15 : memref<!tpu.dma_semaphore, #tpu.memory_space<semaphore_mem>>)
          %dma_wait3A_207 = arith.constant 0 : i32
          %dma_wait3A_208 = arith.constant 0 : i32
          %dma_wait3A_209 = arith.constant 0 : i32
          %dma_wait3A_210 = tpu.memref_slice %arg9[%dma_wait3A_208, %dma_wait3A_209] : memref<80x128xf32, #tpu.memory_space<vmem>> -> memref<16x128xf32, #tpu.memory_space<vmem>>
          %dma_wait3A_211 = arith.constant 0 : i32
          %dma_wait3A_212 = tpu.memref_slice %arg8[%dma_wait3A_207, %add3A_129, %dma_wait3A_211] : memref<2x25x16xi32, #tpu.memory_space<vmem>> -> memref<1x1x16xi32, #tpu.memory_space<vmem>>
          %dma_wait3A_213 = tpu.memref_squeeze %dma_wait3A_212 : memref<1x1x16xi32, #tpu.memory_space<vmem>> -> memref<16xi32, #tpu.memory_space<vmem>>
          %dma_wait3A_214 = arith.constant 0 : i32
          %dma_wait3A_215 = arith.constant 0 : i32
          %dma_wait3A_216 = tpu.memref_slice %arg5[%dma_wait3A_214, %dma_wait3A_215] : memref<270000x128xf32, #tpu.memory_space<hbm>> -> memref<270000x128xf32, #tpu.memory_space<hbm>>
          tpu.wait_indirect_dma semaphore(%arg11 : memref<!tpu.dma_semaphore, #tpu.memory_space<semaphore_mem>>) src(%dma_wait3A_216 : memref<270000x128xf32, #tpu.memory_space<hbm>>) dst(%dma_wait3A_210 : memref<16x128xf32, #tpu.memory_space<vmem>>)
          %add3A_217 = arith.constant 0 : i32
          %add3A_218 = arith.addi %mul3A_123, %add3A_217 : i32
          %dma_start3A_219 = arith.constant 1 : i32
          %dma_start3A_220 = arith.constant 0 : i32
          %dma_start3A_221 = arith.constant 0 : i32
          %dma_start3A_222 = tpu.memref_slice %arg9[%dma_start3A_220, %dma_start3A_221] : memref<80x128xf32, #tpu.memory_space<vmem>> -> memref<16x128xf32, #tpu.memory_space<vmem>>
          %dma_start3A_223 = arith.constant 0 : i32
          %dma_start3A_224 = tpu.memref_slice %arg8[%dma_start3A_219, %add3A_218, %dma_start3A_223] : memref<2x25x16xi32, #tpu.memory_space<vmem>> -> memref<1x1x16xi32, #tpu.memory_space<vmem>>
          %dma_start3A_225 = tpu.memref_squeeze %dma_start3A_224 : memref<1x1x16xi32, #tpu.memory_space<vmem>> -> memref<16xi32, #tpu.memory_space<vmem>>
          %dma_start3A_226 = arith.constant 0 : i32
          %dma_start3A_227 = arith.constant 0 : i32
          %dma_start3A_228 = tpu.memref_slice %arg10[%dma_start3A_226, %dma_start3A_227] : memref<10240x128xf32, #tpu.memory_space<vmem_shared>> -> memref<10240x128xf32, #tpu.memory_space<vmem_shared>>
          tpu.enqueue_indirect_dma source(%dma_start3A_222 : memref<16x128xf32, #tpu.memory_space<vmem>>) target(%dma_start3A_228 : memref<10240x128xf32, #tpu.memory_space<vmem_shared>>) offsets(%dma_start3A_225 : memref<16xi32, #tpu.memory_space<vmem>>) semaphore(%arg16 : memref<!tpu.dma_semaphore, #tpu.memory_space<semaphore_mem>>) {add = true}
          %dma_wait3A_229 = arith.constant 0 : i32
          %dma_wait3A_230 = arith.constant 16 : i32
          %dma_wait3A_231 = arith.constant 0 : i32
          %dma_wait3A_232 = tpu.memref_slice %arg9[%dma_wait3A_230, %dma_wait3A_231] : memref<80x128xf32, #tpu.memory_space<vmem>> -> memref<16x128xf32, #tpu.memory_space<vmem>>
          %dma_wait3A_233 = arith.constant 0 : i32
          %dma_wait3A_234 = tpu.memref_slice %arg8[%dma_wait3A_229, %add3A_145, %dma_wait3A_233] : memref<2x25x16xi32, #tpu.memory_space<vmem>> -> memref<1x1x16xi32, #tpu.memory_space<vmem>>
          %dma_wait3A_235 = tpu.memref_squeeze %dma_wait3A_234 : memref<1x1x16xi32, #tpu.memory_space<vmem>> -> memref<16xi32, #tpu.memory_space<vmem>>
          %dma_wait3A_236 = arith.constant 0 : i32
          %dma_wait3A_237 = arith.constant 0 : i32
          %dma_wait3A_238 = tpu.memref_slice %arg5[%dma_wait3A_236, %dma_wait3A_237] : memref<270000x128xf32, #tpu.memory_space<hbm>> -> memref<270000x128xf32, #tpu.memory_space<hbm>>
          tpu.wait_indirect_dma semaphore(%arg12 : memref<!tpu.dma_semaphore, #tpu.memory_space<semaphore_mem>>) src(%dma_wait3A_238 : memref<270000x128xf32, #tpu.memory_space<hbm>>) dst(%dma_wait3A_232 : memref<16x128xf32, #tpu.memory_space<vmem>>)
          %add3A_239 = arith.constant 1 : i32
          %add3A_240 = arith.addi %mul3A_123, %add3A_239 : i32
          %dma_start3A_241 = arith.constant 1 : i32
          %dma_start3A_242 = arith.constant 16 : i32
          %dma_start3A_243 = arith.constant 0 : i32
          %dma_start3A_244 = tpu.memref_slice %arg9[%dma_start3A_242, %dma_start3A_243] : memref<80x128xf32, #tpu.memory_space<vmem>> -> memref<16x128xf32, #tpu.memory_space<vmem>>
          %dma_start3A_245 = arith.constant 0 : i32
          %dma_start3A_246 = tpu.memref_slice %arg8[%dma_start3A_241, %add3A_240, %dma_start3A_245] : memref<2x25x16xi32, #tpu.memory_space<vmem>> -> memref<1x1x16xi32, #tpu.memory_space<vmem>>
          %dma_start3A_247 = tpu.memref_squeeze %dma_start3A_246 : memref<1x1x16xi32, #tpu.memory_space<vmem>> -> memref<16xi32, #tpu.memory_space<vmem>>
          %dma_start3A_248 = arith.constant 0 : i32
          %dma_start3A_249 = arith.constant 0 : i32
          %dma_start3A_250 = tpu.memref_slice %arg10[%dma_start3A_248, %dma_start3A_249] : memref<10240x128xf32, #tpu.memory_space<vmem_shared>> -> memref<10240x128xf32, #tpu.memory_space<vmem_shared>>
          tpu.enqueue_indirect_dma source(%dma_start3A_244 : memref<16x128xf32, #tpu.memory_space<vmem>>) target(%dma_start3A_250 : memref<10240x128xf32, #tpu.memory_space<vmem_shared>>) offsets(%dma_start3A_247 : memref<16xi32, #tpu.memory_space<vmem>>) semaphore(%arg17 : memref<!tpu.dma_semaphore, #tpu.memory_space<semaphore_mem>>) {add = true}
          %dma_wait3A_251 = arith.constant 0 : i32
          %dma_wait3A_252 = arith.constant 32 : i32
          %dma_wait3A_253 = arith.constant 0 : i32
          %dma_wait3A_254 = tpu.memref_slice %arg9[%dma_wait3A_252, %dma_wait3A_253] : memref<80x128xf32, #tpu.memory_space<vmem>> -> memref<16x128xf32, #tpu.memory_space<vmem>>
          %dma_wait3A_255 = arith.constant 0 : i32
          %dma_wait3A_256 = tpu.memref_slice %arg8[%dma_wait3A_251, %add3A_162, %dma_wait3A_255] : memref<2x25x16xi32, #tpu.memory_space<vmem>> -> memref<1x1x16xi32, #tpu.memory_space<vmem>>
          %dma_wait3A_257 = tpu.memref_squeeze %dma_wait3A_256 : memref<1x1x16xi32, #tpu.memory_space<vmem>> -> memref<16xi32, #tpu.memory_space<vmem>>
          %dma_wait3A_258 = arith.constant 0 : i32
          %dma_wait3A_259 = arith.constant 0 : i32
          %dma_wait3A_260 = tpu.memref_slice %arg5[%dma_wait3A_258, %dma_wait3A_259] : memref<270000x128xf32, #tpu.memory_space<hbm>> -> memref<270000x128xf32, #tpu.memory_space<hbm>>
          tpu.wait_indirect_dma semaphore(%arg13 : memref<!tpu.dma_semaphore, #tpu.memory_space<semaphore_mem>>) src(%dma_wait3A_260 : memref<270000x128xf32, #tpu.memory_space<hbm>>) dst(%dma_wait3A_254 : memref<16x128xf32, #tpu.memory_space<vmem>>)
          %add3A_261 = arith.constant 2 : i32
          %add3A_262 = arith.addi %mul3A_123, %add3A_261 : i32
          %dma_start3A_263 = arith.constant 1 : i32
          %dma_start3A_264 = arith.constant 32 : i32
          %dma_start3A_265 = arith.constant 0 : i32
          %dma_start3A_266 = tpu.memref_slice %arg9[%dma_start3A_264, %dma_start3A_265] : memref<80x128xf32, #tpu.memory_space<vmem>> -> memref<16x128xf32, #tpu.memory_space<vmem>>
          %dma_start3A_267 = arith.constant 0 : i32
          %dma_start3A_268 = tpu.memref_slice %arg8[%dma_start3A_263, %add3A_262, %dma_start3A_267] : memref<2x25x16xi32, #tpu.memory_space<vmem>> -> memref<1x1x16xi32, #tpu.memory_space<vmem>>
          %dma_start3A_269 = tpu.memref_squeeze %dma_start3A_268 : memref<1x1x16xi32, #tpu.memory_space<vmem>> -> memref<16xi32, #tpu.memory_space<vmem>>
          %dma_start3A_270 = arith.constant 0 : i32
          %dma_start3A_271 = arith.constant 0 : i32
          %dma_start3A_272 = tpu.memref_slice %arg10[%dma_start3A_270, %dma_start3A_271] : memref<10240x128xf32, #tpu.memory_space<vmem_shared>> -> memref<10240x128xf32, #tpu.memory_space<vmem_shared>>
          tpu.enqueue_indirect_dma source(%dma_start3A_266 : memref<16x128xf32, #tpu.memory_space<vmem>>) target(%dma_start3A_272 : memref<10240x128xf32, #tpu.memory_space<vmem_shared>>) offsets(%dma_start3A_269 : memref<16xi32, #tpu.memory_space<vmem>>) semaphore(%arg18 : memref<!tpu.dma_semaphore, #tpu.memory_space<semaphore_mem>>) {add = true}
          %dma_wait3A_273 = arith.constant 0 : i32
          %dma_wait3A_274 = arith.constant 48 : i32
          %dma_wait3A_275 = arith.constant 0 : i32
          %dma_wait3A_276 = tpu.memref_slice %arg9[%dma_wait3A_274, %dma_wait3A_275] : memref<80x128xf32, #tpu.memory_space<vmem>> -> memref<16x128xf32, #tpu.memory_space<vmem>>
          %dma_wait3A_277 = arith.constant 0 : i32
          %dma_wait3A_278 = tpu.memref_slice %arg8[%dma_wait3A_273, %add3A_179, %dma_wait3A_277] : memref<2x25x16xi32, #tpu.memory_space<vmem>> -> memref<1x1x16xi32, #tpu.memory_space<vmem>>
          %dma_wait3A_279 = tpu.memref_squeeze %dma_wait3A_278 : memref<1x1x16xi32, #tpu.memory_space<vmem>> -> memref<16xi32, #tpu.memory_space<vmem>>
          %dma_wait3A_280 = arith.constant 0 : i32
          %dma_wait3A_281 = arith.constant 0 : i32
          %dma_wait3A_282 = tpu.memref_slice %arg5[%dma_wait3A_280, %dma_wait3A_281] : memref<270000x128xf32, #tpu.memory_space<hbm>> -> memref<270000x128xf32, #tpu.memory_space<hbm>>
          tpu.wait_indirect_dma semaphore(%arg14 : memref<!tpu.dma_semaphore, #tpu.memory_space<semaphore_mem>>) src(%dma_wait3A_282 : memref<270000x128xf32, #tpu.memory_space<hbm>>) dst(%dma_wait3A_276 : memref<16x128xf32, #tpu.memory_space<vmem>>)
          %add3A_283 = arith.constant 3 : i32
          %add3A_284 = arith.addi %mul3A_123, %add3A_283 : i32
          %dma_start3A_285 = arith.constant 1 : i32
          %dma_start3A_286 = arith.constant 48 : i32
          %dma_start3A_287 = arith.constant 0 : i32
          %dma_start3A_288 = tpu.memref_slice %arg9[%dma_start3A_286, %dma_start3A_287] : memref<80x128xf32, #tpu.memory_space<vmem>> -> memref<16x128xf32, #tpu.memory_space<vmem>>
          %dma_start3A_289 = arith.constant 0 : i32
          %dma_start3A_290 = tpu.memref_slice %arg8[%dma_start3A_285, %add3A_284, %dma_start3A_289] : memref<2x25x16xi32, #tpu.memory_space<vmem>> -> memref<1x1x16xi32, #tpu.memory_space<vmem>>
          %dma_start3A_291 = tpu.memref_squeeze %dma_start3A_290 : memref<1x1x16xi32, #tpu.memory_space<vmem>> -> memref<16xi32, #tpu.memory_space<vmem>>
          %dma_start3A_292 = arith.constant 0 : i32
          %dma_start3A_293 = arith.constant 0 : i32
          %dma_start3A_294 = tpu.memref_slice %arg10[%dma_start3A_292, %dma_start3A_293] : memref<10240x128xf32, #tpu.memory_space<vmem_shared>> -> memref<10240x128xf32, #tpu.memory_space<vmem_shared>>
          tpu.enqueue_indirect_dma source(%dma_start3A_288 : memref<16x128xf32, #tpu.memory_space<vmem>>) target(%dma_start3A_294 : memref<10240x128xf32, #tpu.memory_space<vmem_shared>>) offsets(%dma_start3A_291 : memref<16xi32, #tpu.memory_space<vmem>>) semaphore(%arg19 : memref<!tpu.dma_semaphore, #tpu.memory_space<semaphore_mem>>) {add = true}
          %dma_wait3A_295 = arith.constant 0 : i32
          %dma_wait3A_296 = arith.constant 64 : i32
          %dma_wait3A_297 = arith.constant 0 : i32
          %dma_wait3A_298 = tpu.memref_slice %arg9[%dma_wait3A_296, %dma_wait3A_297] : memref<80x128xf32, #tpu.memory_space<vmem>> -> memref<16x128xf32, #tpu.memory_space<vmem>>
          %dma_wait3A_299 = arith.constant 0 : i32
          %dma_wait3A_300 = tpu.memref_slice %arg8[%dma_wait3A_295, %add3A_196, %dma_wait3A_299] : memref<2x25x16xi32, #tpu.memory_space<vmem>> -> memref<1x1x16xi32, #tpu.memory_space<vmem>>
          %dma_wait3A_301 = tpu.memref_squeeze %dma_wait3A_300 : memref<1x1x16xi32, #tpu.memory_space<vmem>> -> memref<16xi32, #tpu.memory_space<vmem>>
          %dma_wait3A_302 = arith.constant 0 : i32
          %dma_wait3A_303 = arith.constant 0 : i32
          %dma_wait3A_304 = tpu.memref_slice %arg5[%dma_wait3A_302, %dma_wait3A_303] : memref<270000x128xf32, #tpu.memory_space<hbm>> -> memref<270000x128xf32, #tpu.memory_space<hbm>>
          tpu.wait_indirect_dma semaphore(%arg15 : memref<!tpu.dma_semaphore, #tpu.memory_space<semaphore_mem>>) src(%dma_wait3A_304 : memref<270000x128xf32, #tpu.memory_space<hbm>>) dst(%dma_wait3A_298 : memref<16x128xf32, #tpu.memory_space<vmem>>)
          %add3A_305 = arith.constant 4 : i32
          %add3A_306 = arith.addi %mul3A_123, %add3A_305 : i32
          %dma_start3A_307 = arith.constant 1 : i32
          %dma_start3A_308 = arith.constant 64 : i32
          %dma_start3A_309 = arith.constant 0 : i32
          %dma_start3A_310 = tpu.memref_slice %arg9[%dma_start3A_308, %dma_start3A_309] : memref<80x128xf32, #tpu.memory_space<vmem>> -> memref<16x128xf32, #tpu.memory_space<vmem>>
          %dma_start3A_311 = arith.constant 0 : i32
          %dma_start3A_312 = tpu.memref_slice %arg8[%dma_start3A_307, %add3A_306, %dma_start3A_311] : memref<2x25x16xi32, #tpu.memory_space<vmem>> -> memref<1x1x16xi32, #tpu.memory_space<vmem>>
          %dma_start3A_313 = tpu.memref_squeeze %dma_start3A_312 : memref<1x1x16xi32, #tpu.memory_space<vmem>> -> memref<16xi32, #tpu.memory_space<vmem>>
          %dma_start3A_314 = arith.constant 0 : i32
          %dma_start3A_315 = arith.constant 0 : i32
          %dma_start3A_316 = tpu.memref_slice %arg10[%dma_start3A_314, %dma_start3A_315] : memref<10240x128xf32, #tpu.memory_space<vmem_shared>> -> memref<10240x128xf32, #tpu.memory_space<vmem_shared>>
          tpu.enqueue_indirect_dma source(%dma_start3A_310 : memref<16x128xf32, #tpu.memory_space<vmem>>) target(%dma_start3A_316 : memref<10240x128xf32, #tpu.memory_space<vmem_shared>>) offsets(%dma_start3A_313 : memref<16xi32, #tpu.memory_space<vmem>>) semaphore(%arg20 : memref<!tpu.dma_semaphore, #tpu.memory_space<semaphore_mem>>) {add = true}
          %scan3A_317 = arith.constant 0 : i32
          scf.yield %scan3A_317 : i32
        }
        %scan3A_64 = arith.constant 5 : i32
        %dma_wait3A = arith.constant 1 : i32
        %dma_wait3A_65 = arith.constant 20 : i32
        %dma_wait3A_66 = arith.constant 0 : i32
        %dma_wait3A_67 = arith.constant 0 : i32
        %dma_wait3A_68 = tpu.memref_slice %arg9[%dma_wait3A_66, %dma_wait3A_67] : memref<80x128xf32, #tpu.memory_space<vmem>> -> memref<16x128xf32, #tpu.memory_space<vmem>>
        %dma_wait3A_69 = arith.constant 0 : i32
        %dma_wait3A_70 = tpu.memref_slice %arg8[%dma_wait3A, %dma_wait3A_65, %dma_wait3A_69] : memref<2x25x16xi32, #tpu.memory_space<vmem>> -> memref<1x1x16xi32, #tpu.memory_space<vmem>>
        %dma_wait3A_71 = tpu.memref_squeeze %dma_wait3A_70 : memref<1x1x16xi32, #tpu.memory_space<vmem>> -> memref<16xi32, #tpu.memory_space<vmem>>
        %dma_wait3A_72 = arith.constant 0 : i32
        %dma_wait3A_73 = arith.constant 0 : i32
        %dma_wait3A_74 = tpu.memref_slice %arg10[%dma_wait3A_72, %dma_wait3A_73] : memref<10240x128xf32, #tpu.memory_space<vmem_shared>> -> memref<10240x128xf32, #tpu.memory_space<vmem_shared>>
        tpu.wait_indirect_dma semaphore(%arg16 : memref<!tpu.dma_semaphore, #tpu.memory_space<semaphore_mem>>) src(%dma_wait3A_68 : memref<16x128xf32, #tpu.memory_space<vmem>>) dst(%dma_wait3A_74 : memref<10240x128xf32, #tpu.memory_space<vmem_shared>>)
        %dma_wait3A_75 = arith.constant 1 : i32
        %dma_wait3A_76 = arith.constant 21 : i32
        %dma_wait3A_77 = arith.constant 16 : i32
        %dma_wait3A_78 = arith.constant 0 : i32
        %dma_wait3A_79 = tpu.memref_slice %arg9[%dma_wait3A_77, %dma_wait3A_78] : memref<80x128xf32, #tpu.memory_space<vmem>> -> memref<16x128xf32, #tpu.memory_space<vmem>>
        %dma_wait3A_80 = arith.constant 0 : i32
        %dma_wait3A_81 = tpu.memref_slice %arg8[%dma_wait3A_75, %dma_wait3A_76, %dma_wait3A_80] : memref<2x25x16xi32, #tpu.memory_space<vmem>> -> memref<1x1x16xi32, #tpu.memory_space<vmem>>
        %dma_wait3A_82 = tpu.memref_squeeze %dma_wait3A_81 : memref<1x1x16xi32, #tpu.memory_space<vmem>> -> memref<16xi32, #tpu.memory_space<vmem>>
        %dma_wait3A_83 = arith.constant 0 : i32
        %dma_wait3A_84 = arith.constant 0 : i32
        %dma_wait3A_85 = tpu.memref_slice %arg10[%dma_wait3A_83, %dma_wait3A_84] : memref<10240x128xf32, #tpu.memory_space<vmem_shared>> -> memref<10240x128xf32, #tpu.memory_space<vmem_shared>>
        tpu.wait_indirect_dma semaphore(%arg17 : memref<!tpu.dma_semaphore, #tpu.memory_space<semaphore_mem>>) src(%dma_wait3A_79 : memref<16x128xf32, #tpu.memory_space<vmem>>) dst(%dma_wait3A_85 : memref<10240x128xf32, #tpu.memory_space<vmem_shared>>)
        %dma_wait3A_86 = arith.constant 1 : i32
        %dma_wait3A_87 = arith.constant 22 : i32
        %dma_wait3A_88 = arith.constant 32 : i32
        %dma_wait3A_89 = arith.constant 0 : i32
        %dma_wait3A_90 = tpu.memref_slice %arg9[%dma_wait3A_88, %dma_wait3A_89] : memref<80x128xf32, #tpu.memory_space<vmem>> -> memref<16x128xf32, #tpu.memory_space<vmem>>
        %dma_wait3A_91 = arith.constant 0 : i32
        %dma_wait3A_92 = tpu.memref_slice %arg8[%dma_wait3A_86, %dma_wait3A_87, %dma_wait3A_91] : memref<2x25x16xi32, #tpu.memory_space<vmem>> -> memref<1x1x16xi32, #tpu.memory_space<vmem>>
        %dma_wait3A_93 = tpu.memref_squeeze %dma_wait3A_92 : memref<1x1x16xi32, #tpu.memory_space<vmem>> -> memref<16xi32, #tpu.memory_space<vmem>>
        %dma_wait3A_94 = arith.constant 0 : i32
        %dma_wait3A_95 = arith.constant 0 : i32
        %dma_wait3A_96 = tpu.memref_slice %arg10[%dma_wait3A_94, %dma_wait3A_95] : memref<10240x128xf32, #tpu.memory_space<vmem_shared>> -> memref<10240x128xf32, #tpu.memory_space<vmem_shared>>
        tpu.wait_indirect_dma semaphore(%arg18 : memref<!tpu.dma_semaphore, #tpu.memory_space<semaphore_mem>>) src(%dma_wait3A_90 : memref<16x128xf32, #tpu.memory_space<vmem>>) dst(%dma_wait3A_96 : memref<10240x128xf32, #tpu.memory_space<vmem_shared>>)
        %dma_wait3A_97 = arith.constant 1 : i32
        %dma_wait3A_98 = arith.constant 23 : i32
        %dma_wait3A_99 = arith.constant 48 : i32
        %dma_wait3A_100 = arith.constant 0 : i32
        %dma_wait3A_101 = tpu.memref_slice %arg9[%dma_wait3A_99, %dma_wait3A_100] : memref<80x128xf32, #tpu.memory_space<vmem>> -> memref<16x128xf32, #tpu.memory_space<vmem>>
        %dma_wait3A_102 = arith.constant 0 : i32
        %dma_wait3A_103 = tpu.memref_slice %arg8[%dma_wait3A_97, %dma_wait3A_98, %dma_wait3A_102] : memref<2x25x16xi32, #tpu.memory_space<vmem>> -> memref<1x1x16xi32, #tpu.memory_space<vmem>>
        %dma_wait3A_104 = tpu.memref_squeeze %dma_wait3A_103 : memref<1x1x16xi32, #tpu.memory_space<vmem>> -> memref<16xi32, #tpu.memory_space<vmem>>
        %dma_wait3A_105 = arith.constant 0 : i32
        %dma_wait3A_106 = arith.constant 0 : i32
        %dma_wait3A_107 = tpu.memref_slice %arg10[%dma_wait3A_105, %dma_wait3A_106] : memref<10240x128xf32, #tpu.memory_space<vmem_shared>> -> memref<10240x128xf32, #tpu.memory_space<vmem_shared>>
        tpu.wait_indirect_dma semaphore(%arg19 : memref<!tpu.dma_semaphore, #tpu.memory_space<semaphore_mem>>) src(%dma_wait3A_101 : memref<16x128xf32, #tpu.memory_space<vmem>>) dst(%dma_wait3A_107 : memref<10240x128xf32, #tpu.memory_space<vmem_shared>>)
        %dma_wait3A_108 = arith.constant 1 : i32
        %dma_wait3A_109 = arith.constant 24 : i32
        %dma_wait3A_110 = arith.constant 64 : i32
        %dma_wait3A_111 = arith.constant 0 : i32
        %dma_wait3A_112 = tpu.memref_slice %arg9[%dma_wait3A_110, %dma_wait3A_111] : memref<80x128xf32, #tpu.memory_space<vmem>> -> memref<16x128xf32, #tpu.memory_space<vmem>>
        %dma_wait3A_113 = arith.constant 0 : i32
        %dma_wait3A_114 = tpu.memref_slice %arg8[%dma_wait3A_108, %dma_wait3A_109, %dma_wait3A_113] : memref<2x25x16xi32, #tpu.memory_space<vmem>> -> memref<1x1x16xi32, #tpu.memory_space<vmem>>
        %dma_wait3A_115 = tpu.memref_squeeze %dma_wait3A_114 : memref<1x1x16xi32, #tpu.memory_space<vmem>> -> memref<16xi32, #tpu.memory_space<vmem>>
        %dma_wait3A_116 = arith.constant 0 : i32
        %dma_wait3A_117 = arith.constant 0 : i32
        %dma_wait3A_118 = tpu.memref_slice %arg10[%dma_wait3A_116, %dma_wait3A_117] : memref<10240x128xf32, #tpu.memory_space<vmem_shared>> -> memref<10240x128xf32, #tpu.memory_space<vmem_shared>>
        tpu.wait_indirect_dma semaphore(%arg20 : memref<!tpu.dma_semaphore, #tpu.memory_space<semaphore_mem>>) src(%dma_wait3A_112 : memref<16x128xf32, #tpu.memory_space<vmem>>) dst(%dma_wait3A_118 : memref<10240x128xf32, #tpu.memory_space<vmem_shared>>)
        %scan3A_119 = arith.constant 0 : i32
        scf.yield %scan3A_119 : i32
      }
      %scan3A_49 = arith.constant 25 : i32
      %barrier3A_50 = arith.constant 0 : index
      tpu.barrier barrier_id(%barrier3A_50)
      %mul3A_51 = arith.constant 640 : i32
      %mul3A_52 = arith.muli %arg1, %mul3A_51 : i32
      %mul3A_53 = arith.constant 640 : i32
      %mul3A_54 = arith.muli %arg1, %mul3A_53 : i32
      "tpu.region"() ({
        %run_scoped3A = tpu.sem_alloc : memref<!tpu.dma_semaphore, #tpu.memory_space<semaphore_mem>>
        %dma_start3A = arith.constant 0 : i32
        %dma_start3A_55 = tpu.memref_slice %arg7[%mul3A_54, %dma_start3A] : memref<10240x128xf32, #tpu.memory_space<hbm>> -> memref<640x128xf32, #tpu.memory_space<hbm>>
        %dma_start3A_56 = arith.constant 0 : i32
        %dma_start3A_57 = tpu.memref_slice %arg10[%mul3A_52, %dma_start3A_56] : memref<10240x128xf32, #tpu.memory_space<vmem_shared>> -> memref<640x128xf32, #tpu.memory_space<vmem_shared>>
        tpu.enqueue_dma source(%dma_start3A_57 : memref<640x128xf32, #tpu.memory_space<vmem_shared>>) target(%dma_start3A_55 : memref<640x128xf32, #tpu.memory_space<hbm>>) target_semaphore(%run_scoped3A : memref<!tpu.dma_semaphore, #tpu.memory_space<semaphore_mem>>)
        %dma_wait3A = arith.constant 0 : i32
        %dma_wait3A_58 = tpu.memref_slice %arg7[%mul3A_54, %dma_wait3A] : memref<10240x128xf32, #tpu.memory_space<hbm>> -> memref<640x128xf32, #tpu.memory_space<hbm>>
        %dma_wait3A_59 = arith.constant 0 : i32
        %dma_wait3A_60 = tpu.memref_slice %arg10[%mul3A_52, %dma_wait3A_59] : memref<10240x128xf32, #tpu.memory_space<vmem_shared>> -> memref<640x128xf32, #tpu.memory_space<vmem_shared>>
        tpu.wait_dma2 semaphore(%run_scoped3A : memref<!tpu.dma_semaphore, #tpu.memory_space<semaphore_mem>>) src(%dma_wait3A_60 : memref<640x128xf32, #tpu.memory_space<vmem_shared>>) dst(%dma_wait3A_58 : memref<640x128xf32, #tpu.memory_space<hbm>>)
        tpu.yield
      }) : () -> ()
    } else {
    }
    return
  }
}

module attributes {stable_mosaic.version = 14 : i64} {
  func.func @_mm_body(%arg0: i32, %arg1: i32, %arg2: memref<1000x256xbf16, #tpu.memory_space<vmem>>, %arg3: memref<9x256x128xbf16, #tpu.memory_space<vmem>>, %arg4: memref<9x1000x128xf32, #tpu.memory_space<vmem>>) attributes {dimension_semantics = [#tpu.dimension_semantics<arbitrary>, #tpu.dimension_semantics<arbitrary>], iteration_bounds = array<i64: 10, 3>, scalar_prefetch = 0 : i64, scratch_operands = 0 : i64, tpu.core_type = #tpu.core_type<tc>, window_params = [{transform_indices = @transform_0, window_bounds = array<i64: 1000, 256>}, {transform_indices = @transform_1, window_bounds = array<i64: 9, 256, 128>}, {transform_indices = @transform_2, window_bounds = array<i64: 9, 1000, 128>}]} {
    %get3A = arith.constant 0 : index
    %get3A_0 = arith.constant 0 : index
    %get3A_1 = vector.load %arg2[%get3A, %get3A_0] : memref<1000x256xbf16, #tpu.memory_space<vmem>>, vector<1000x256xbf16>
    %get3A_2 = arith.constant 0 : index
    %get3A_3 = arith.constant 0 : index
    %get3A_4 = arith.constant 0 : index
    %get3A_5 = vector.load %arg3[%get3A_2, %get3A_3, %get3A_4] : memref<9x256x128xbf16, #tpu.memory_space<vmem>>, vector<1x256x128xbf16>
    %get3A_6 = vector.shape_cast %get3A_5 : vector<1x256x128xbf16> to vector<256x128xbf16>
    %dot_general3A = arith.constant dense<0.000000e+00> : vector<1000x128xf32>
    %dot_general3A_7 = tpu.matmul %get3A_1, %get3A_6, %dot_general3A {dimension_numbers = #tpu.dot_dimension_numbers<[1], [0], [0], [1], [0, 0, 1, 1], [], []>, transpose_lhs_hint = false} : vector<1000x256xbf16>, vector<256x128xbf16>, vector<1000x128xf32> -> vector<1000x128xf32>
    %swap3A = arith.constant 0 : index
    %swap3A_8 = arith.constant 0 : index
    %swap3A_9 = arith.constant 0 : index
    %swap3A_10 = vector.load %arg4[%swap3A, %swap3A_8, %swap3A_9] : memref<9x1000x128xf32, #tpu.memory_space<vmem>>, vector<1x1000x128xf32>
    %swap3A_11 = vector.shape_cast %swap3A_10 : vector<1x1000x128xf32> to vector<1000x128xf32>
    %swap3A_12 = vector.shape_cast %dot_general3A_7 : vector<1000x128xf32> to vector<1x1000x128xf32>
    tpu.vector_store %arg4[%swap3A, %swap3A_8, %swap3A_9], %swap3A_12 {strides = array<i32>} : memref<9x1000x128xf32, #tpu.memory_space<vmem>>, vector<1x1000x128xf32>,
    %get3A_13 = arith.constant 0 : index
    %get3A_14 = arith.constant 0 : index
    %get3A_15 = vector.load %arg2[%get3A_13, %get3A_14] : memref<1000x256xbf16, #tpu.memory_space<vmem>>, vector<1000x256xbf16>
    %get3A_16 = arith.constant 1 : index
    %get3A_17 = arith.constant 0 : index
    %get3A_18 = arith.constant 0 : index
    %get3A_19 = vector.load %arg3[%get3A_16, %get3A_17, %get3A_18] : memref<9x256x128xbf16, #tpu.memory_space<vmem>>, vector<1x256x128xbf16>
    %get3A_20 = vector.shape_cast %get3A_19 : vector<1x256x128xbf16> to vector<256x128xbf16>
    %dot_general3A_21 = arith.constant dense<0.000000e+00> : vector<1000x128xf32>
    %dot_general3A_22 = tpu.matmul %get3A_15, %get3A_20, %dot_general3A_21 {dimension_numbers = #tpu.dot_dimension_numbers<[1], [0], [0], [1], [0, 0, 1, 1], [], []>, transpose_lhs_hint = false} : vector<1000x256xbf16>, vector<256x128xbf16>, vector<1000x128xf32> -> vector<1000x128xf32>
    %swap3A_23 = arith.constant 1 : index
    %swap3A_24 = arith.constant 0 : index
    %swap3A_25 = arith.constant 0 : index
    %swap3A_26 = vector.load %arg4[%swap3A_23, %swap3A_24, %swap3A_25] : memref<9x1000x128xf32, #tpu.memory_space<vmem>>, vector<1x1000x128xf32>
    %swap3A_27 = vector.shape_cast %swap3A_26 : vector<1x1000x128xf32> to vector<1000x128xf32>
    %swap3A_28 = vector.shape_cast %dot_general3A_22 : vector<1000x128xf32> to vector<1x1000x128xf32>
    tpu.vector_store %arg4[%swap3A_23, %swap3A_24, %swap3A_25], %swap3A_28 {strides = array<i32>} : memref<9x1000x128xf32, #tpu.memory_space<vmem>>, vector<1x1000x128xf32>,
    %get3A_29 = arith.constant 0 : index
    %get3A_30 = arith.constant 0 : index
    %get3A_31 = vector.load %arg2[%get3A_29, %get3A_30] : memref<1000x256xbf16, #tpu.memory_space<vmem>>, vector<1000x256xbf16>
    %get3A_32 = arith.constant 2 : index
    %get3A_33 = arith.constant 0 : index
    %get3A_34 = arith.constant 0 : index
    %get3A_35 = vector.load %arg3[%get3A_32, %get3A_33, %get3A_34] : memref<9x256x128xbf16, #tpu.memory_space<vmem>>, vector<1x256x128xbf16>
    %get3A_36 = vector.shape_cast %get3A_35 : vector<1x256x128xbf16> to vector<256x128xbf16>
    %dot_general3A_37 = arith.constant dense<0.000000e+00> : vector<1000x128xf32>
    %dot_general3A_38 = tpu.matmul %get3A_31, %get3A_36, %dot_general3A_37 {dimension_numbers = #tpu.dot_dimension_numbers<[1], [0], [0], [1], [0, 0, 1, 1], [], []>, transpose_lhs_hint = false} : vector<1000x256xbf16>, vector<256x128xbf16>, vector<1000x128xf32> -> vector<1000x128xf32>
    %swap3A_39 = arith.constant 2 : index
    %swap3A_40 = arith.constant 0 : index
    %swap3A_41 = arith.constant 0 : index
    %swap3A_42 = vector.load %arg4[%swap3A_39, %swap3A_40, %swap3A_41] : memref<9x1000x128xf32, #tpu.memory_space<vmem>>, vector<1x1000x128xf32>
    %swap3A_43 = vector.shape_cast %swap3A_42 : vector<1x1000x128xf32> to vector<1000x128xf32>
    %swap3A_44 = vector.shape_cast %dot_general3A_38 : vector<1000x128xf32> to vector<1x1000x128xf32>
    tpu.vector_store %arg4[%swap3A_39, %swap3A_40, %swap3A_41], %swap3A_44 {strides = array<i32>} : memref<9x1000x128xf32, #tpu.memory_space<vmem>>, vector<1x1000x128xf32>,
    %get3A_45 = arith.constant 0 : index
    %get3A_46 = arith.constant 0 : index
    %get3A_47 = vector.load %arg2[%get3A_45, %get3A_46] : memref<1000x256xbf16, #tpu.memory_space<vmem>>, vector<1000x256xbf16>
    %get3A_48 = arith.constant 3 : index
    %get3A_49 = arith.constant 0 : index
    %get3A_50 = arith.constant 0 : index
    %get3A_51 = vector.load %arg3[%get3A_48, %get3A_49, %get3A_50] : memref<9x256x128xbf16, #tpu.memory_space<vmem>>, vector<1x256x128xbf16>
    %get3A_52 = vector.shape_cast %get3A_51 : vector<1x256x128xbf16> to vector<256x128xbf16>
    %dot_general3A_53 = arith.constant dense<0.000000e+00> : vector<1000x128xf32>
    %dot_general3A_54 = tpu.matmul %get3A_47, %get3A_52, %dot_general3A_53 {dimension_numbers = #tpu.dot_dimension_numbers<[1], [0], [0], [1], [0, 0, 1, 1], [], []>, transpose_lhs_hint = false} : vector<1000x256xbf16>, vector<256x128xbf16>, vector<1000x128xf32> -> vector<1000x128xf32>
    %swap3A_55 = arith.constant 3 : index
    %swap3A_56 = arith.constant 0 : index
    %swap3A_57 = arith.constant 0 : index
    %swap3A_58 = vector.load %arg4[%swap3A_55, %swap3A_56, %swap3A_57] : memref<9x1000x128xf32, #tpu.memory_space<vmem>>, vector<1x1000x128xf32>
    %swap3A_59 = vector.shape_cast %swap3A_58 : vector<1x1000x128xf32> to vector<1000x128xf32>
    %swap3A_60 = vector.shape_cast %dot_general3A_54 : vector<1000x128xf32> to vector<1x1000x128xf32>
    tpu.vector_store %arg4[%swap3A_55, %swap3A_56, %swap3A_57], %swap3A_60 {strides = array<i32>} : memref<9x1000x128xf32, #tpu.memory_space<vmem>>, vector<1x1000x128xf32>,
    %get3A_61 = arith.constant 0 : index
    %get3A_62 = arith.constant 0 : index
    %get3A_63 = vector.load %arg2[%get3A_61, %get3A_62] : memref<1000x256xbf16, #tpu.memory_space<vmem>>, vector<1000x256xbf16>
    %get3A_64 = arith.constant 4 : index
    %get3A_65 = arith.constant 0 : index
    %get3A_66 = arith.constant 0 : index
    %get3A_67 = vector.load %arg3[%get3A_64, %get3A_65, %get3A_66] : memref<9x256x128xbf16, #tpu.memory_space<vmem>>, vector<1x256x128xbf16>
    %get3A_68 = vector.shape_cast %get3A_67 : vector<1x256x128xbf16> to vector<256x128xbf16>
    %dot_general3A_69 = arith.constant dense<0.000000e+00> : vector<1000x128xf32>
    %dot_general3A_70 = tpu.matmul %get3A_63, %get3A_68, %dot_general3A_69 {dimension_numbers = #tpu.dot_dimension_numbers<[1], [0], [0], [1], [0, 0, 1, 1], [], []>, transpose_lhs_hint = false} : vector<1000x256xbf16>, vector<256x128xbf16>, vector<1000x128xf32> -> vector<1000x128xf32>
    %swap3A_71 = arith.constant 4 : index
    %swap3A_72 = arith.constant 0 : index
    %swap3A_73 = arith.constant 0 : index
    %swap3A_74 = vector.load %arg4[%swap3A_71, %swap3A_72, %swap3A_73] : memref<9x1000x128xf32, #tpu.memory_space<vmem>>, vector<1x1000x128xf32>
    %swap3A_75 = vector.shape_cast %swap3A_74 : vector<1x1000x128xf32> to vector<1000x128xf32>
    %swap3A_76 = vector.shape_cast %dot_general3A_70 : vector<1000x128xf32> to vector<1x1000x128xf32>
    tpu.vector_store %arg4[%swap3A_71, %swap3A_72, %swap3A_73], %swap3A_76 {strides = array<i32>} : memref<9x1000x128xf32, #tpu.memory_space<vmem>>, vector<1x1000x128xf32>,
    %get3A_77 = arith.constant 0 : index
    %get3A_78 = arith.constant 0 : index
    %get3A_79 = vector.load %arg2[%get3A_77, %get3A_78] : memref<1000x256xbf16, #tpu.memory_space<vmem>>, vector<1000x256xbf16>
    %get3A_80 = arith.constant 5 : index
    %get3A_81 = arith.constant 0 : index
    %get3A_82 = arith.constant 0 : index
    %get3A_83 = vector.load %arg3[%get3A_80, %get3A_81, %get3A_82] : memref<9x256x128xbf16, #tpu.memory_space<vmem>>, vector<1x256x128xbf16>
    %get3A_84 = vector.shape_cast %get3A_83 : vector<1x256x128xbf16> to vector<256x128xbf16>
    %dot_general3A_85 = arith.constant dense<0.000000e+00> : vector<1000x128xf32>
    %dot_general3A_86 = tpu.matmul %get3A_79, %get3A_84, %dot_general3A_85 {dimension_numbers = #tpu.dot_dimension_numbers<[1], [0], [0], [1], [0, 0, 1, 1], [], []>, transpose_lhs_hint = false} : vector<1000x256xbf16>, vector<256x128xbf16>, vector<1000x128xf32> -> vector<1000x128xf32>
    %swap3A_87 = arith.constant 5 : index
    %swap3A_88 = arith.constant 0 : index
    %swap3A_89 = arith.constant 0 : index
    %swap3A_90 = vector.load %arg4[%swap3A_87, %swap3A_88, %swap3A_89] : memref<9x1000x128xf32, #tpu.memory_space<vmem>>, vector<1x1000x128xf32>
    %swap3A_91 = vector.shape_cast %swap3A_90 : vector<1x1000x128xf32> to vector<1000x128xf32>
    %swap3A_92 = vector.shape_cast %dot_general3A_86 : vector<1000x128xf32> to vector<1x1000x128xf32>
    tpu.vector_store %arg4[%swap3A_87, %swap3A_88, %swap3A_89], %swap3A_92 {strides = array<i32>} : memref<9x1000x128xf32, #tpu.memory_space<vmem>>, vector<1x1000x128xf32>,
    %get3A_93 = arith.constant 0 : index
    %get3A_94 = arith.constant 0 : index
    %get3A_95 = vector.load %arg2[%get3A_93, %get3A_94] : memref<1000x256xbf16, #tpu.memory_space<vmem>>, vector<1000x256xbf16>
    %get3A_96 = arith.constant 6 : index
    %get3A_97 = arith.constant 0 : index
    %get3A_98 = arith.constant 0 : index
    %get3A_99 = vector.load %arg3[%get3A_96, %get3A_97, %get3A_98] : memref<9x256x128xbf16, #tpu.memory_space<vmem>>, vector<1x256x128xbf16>
    %get3A_100 = vector.shape_cast %get3A_99 : vector<1x256x128xbf16> to vector<256x128xbf16>
    %dot_general3A_101 = arith.constant dense<0.000000e+00> : vector<1000x128xf32>
    %dot_general3A_102 = tpu.matmul %get3A_95, %get3A_100, %dot_general3A_101 {dimension_numbers = #tpu.dot_dimension_numbers<[1], [0], [0], [1], [0, 0, 1, 1], [], []>, transpose_lhs_hint = false} : vector<1000x256xbf16>, vector<256x128xbf16>, vector<1000x128xf32> -> vector<1000x128xf32>
    %swap3A_103 = arith.constant 6 : index
    %swap3A_104 = arith.constant 0 : index
    %swap3A_105 = arith.constant 0 : index
    %swap3A_106 = vector.load %arg4[%swap3A_103, %swap3A_104, %swap3A_105] : memref<9x1000x128xf32, #tpu.memory_space<vmem>>, vector<1x1000x128xf32>
    %swap3A_107 = vector.shape_cast %swap3A_106 : vector<1x1000x128xf32> to vector<1000x128xf32>
    %swap3A_108 = vector.shape_cast %dot_general3A_102 : vector<1000x128xf32> to vector<1x1000x128xf32>
    tpu.vector_store %arg4[%swap3A_103, %swap3A_104, %swap3A_105], %swap3A_108 {strides = array<i32>} : memref<9x1000x128xf32, #tpu.memory_space<vmem>>, vector<1x1000x128xf32>,
    %get3A_109 = arith.constant 0 : index
    %get3A_110 = arith.constant 0 : index
    %get3A_111 = vector.load %arg2[%get3A_109, %get3A_110] : memref<1000x256xbf16, #tpu.memory_space<vmem>>, vector<1000x256xbf16>
    %get3A_112 = arith.constant 7 : index
    %get3A_113 = arith.constant 0 : index
    %get3A_114 = arith.constant 0 : index
    %get3A_115 = vector.load %arg3[%get3A_112, %get3A_113, %get3A_114] : memref<9x256x128xbf16, #tpu.memory_space<vmem>>, vector<1x256x128xbf16>
    %get3A_116 = vector.shape_cast %get3A_115 : vector<1x256x128xbf16> to vector<256x128xbf16>
    %dot_general3A_117 = arith.constant dense<0.000000e+00> : vector<1000x128xf32>
    %dot_general3A_118 = tpu.matmul %get3A_111, %get3A_116, %dot_general3A_117 {dimension_numbers = #tpu.dot_dimension_numbers<[1], [0], [0], [1], [0, 0, 1, 1], [], []>, transpose_lhs_hint = false} : vector<1000x256xbf16>, vector<256x128xbf16>, vector<1000x128xf32> -> vector<1000x128xf32>
    %swap3A_119 = arith.constant 7 : index
    %swap3A_120 = arith.constant 0 : index
    %swap3A_121 = arith.constant 0 : index
    %swap3A_122 = vector.load %arg4[%swap3A_119, %swap3A_120, %swap3A_121] : memref<9x1000x128xf32, #tpu.memory_space<vmem>>, vector<1x1000x128xf32>
    %swap3A_123 = vector.shape_cast %swap3A_122 : vector<1x1000x128xf32> to vector<1000x128xf32>
    %swap3A_124 = vector.shape_cast %dot_general3A_118 : vector<1000x128xf32> to vector<1x1000x128xf32>
    tpu.vector_store %arg4[%swap3A_119, %swap3A_120, %swap3A_121], %swap3A_124 {strides = array<i32>} : memref<9x1000x128xf32, #tpu.memory_space<vmem>>, vector<1x1000x128xf32>,
    %get3A_125 = arith.constant 0 : index
    %get3A_126 = arith.constant 0 : index
    %get3A_127 = vector.load %arg2[%get3A_125, %get3A_126] : memref<1000x256xbf16, #tpu.memory_space<vmem>>, vector<1000x256xbf16>
    %get3A_128 = arith.constant 8 : index
    %get3A_129 = arith.constant 0 : index
    %get3A_130 = arith.constant 0 : index
    %get3A_131 = vector.load %arg3[%get3A_128, %get3A_129, %get3A_130] : memref<9x256x128xbf16, #tpu.memory_space<vmem>>, vector<1x256x128xbf16>
    %get3A_132 = vector.shape_cast %get3A_131 : vector<1x256x128xbf16> to vector<256x128xbf16>
    %dot_general3A_133 = arith.constant dense<0.000000e+00> : vector<1000x128xf32>
    %dot_general3A_134 = tpu.matmul %get3A_127, %get3A_132, %dot_general3A_133 {dimension_numbers = #tpu.dot_dimension_numbers<[1], [0], [0], [1], [0, 0, 1, 1], [], []>, transpose_lhs_hint = false} : vector<1000x256xbf16>, vector<256x128xbf16>, vector<1000x128xf32> -> vector<1000x128xf32>
    %swap3A_135 = arith.constant 8 : index
    %swap3A_136 = arith.constant 0 : index
    %swap3A_137 = arith.constant 0 : index
    %swap3A_138 = vector.load %arg4[%swap3A_135, %swap3A_136, %swap3A_137] : memref<9x1000x128xf32, #tpu.memory_space<vmem>>, vector<1x1000x128xf32>
    %swap3A_139 = vector.shape_cast %swap3A_138 : vector<1x1000x128xf32> to vector<1000x128xf32>
    %swap3A_140 = vector.shape_cast %dot_general3A_134 : vector<1000x128xf32> to vector<1x1000x128xf32>
    tpu.vector_store %arg4[%swap3A_135, %swap3A_136, %swap3A_137], %swap3A_140 {strides = array<i32>} : memref<9x1000x128xf32, #tpu.memory_space<vmem>>, vector<1x1000x128xf32>,
    return
  }
  func.func @transform_0(%arg0: i32, %arg1: i32) -> (i32, i32) {
    %c0_i32 = arith.constant 0 : i32
    %c0_i32_0 = arith.constant 0 : i32
    return %arg0, %c0_i32 : i32, i32
  }
  func.func @transform_1(%arg0: i32, %arg1: i32) -> (i32, i32, i32) {
    %c0_i32 = arith.constant 0 : i32
    %c1_i32 = arith.constant 1 : i32
    %c0_i32_0 = arith.constant 0 : i32
    return %arg1, %c0_i32, %c1_i32 : i32, i32, i32
  }
  func.func @transform_2(%arg0: i32, %arg1: i32) -> (i32, i32, i32) {
    %c0_i32 = arith.constant 0 : i32
    %c0_i32_0 = arith.constant 0 : i32
    return %arg1, %arg0, %c0_i32 : i32, i32, i32
  }
}

module attributes {stable_mosaic.version = 14 : i64} {
  func.func @_mm_body(%arg0: i32, %arg1: i32, %arg2: memref<1000x256xbf16, #tpu.memory_space<vmem>>, %arg3: memref<9x256x128xbf16, #tpu.memory_space<vmem>>, %arg4: memref<9x1000x128xf32, #tpu.memory_space<vmem>>) attributes {dimension_semantics = [#tpu.dimension_semantics<arbitrary>, #tpu.dimension_semantics<arbitrary>], iteration_bounds = array<i64: 10, 3>, scalar_prefetch = 0 : i64, scratch_operands = 0 : i64, tpu.core_type = #tpu.core_type<tc>, window_params = [{transform_indices = @transform_0, window_bounds = array<i64: 1000, 256>}, {transform_indices = @transform_1, window_bounds = array<i64: 9, 256, 128>}, {transform_indices = @transform_2, window_bounds = array<i64: 9, 1000, 128>}]} {
    %get3A = arith.constant 0 : index
    %get3A_0 = arith.constant 0 : index
    %get3A_1 = vector.load %arg2[%get3A, %get3A_0] : memref<1000x256xbf16, #tpu.memory_space<vmem>>, vector<1000x256xbf16>
    %get3A_2 = arith.constant 0 : index
    %get3A_3 = arith.constant 0 : index
    %get3A_4 = arith.constant 0 : index
    %get3A_5 = vector.load %arg3[%get3A_2, %get3A_3, %get3A_4] : memref<9x256x128xbf16, #tpu.memory_space<vmem>>, vector<1x256x128xbf16>
    %get3A_6 = vector.shape_cast %get3A_5 : vector<1x256x128xbf16> to vector<256x128xbf16>
    %dot_general3A = arith.constant dense<0.000000e+00> : vector<1000x128xf32>
    %dot_general3A_7 = tpu.matmul %get3A_1, %get3A_6, %dot_general3A {dimension_numbers = #tpu.dot_dimension_numbers<[1], [0], [0], [1], [0, 0, 1, 1], [], []>, transpose_lhs_hint = false} : vector<1000x256xbf16>, vector<256x128xbf16>, vector<1000x128xf32> -> vector<1000x128xf32>
    %swap3A = arith.constant 0 : index
    %swap3A_8 = arith.constant 0 : index
    %swap3A_9 = arith.constant 0 : index
    %swap3A_10 = vector.load %arg4[%swap3A, %swap3A_8, %swap3A_9] : memref<9x1000x128xf32, #tpu.memory_space<vmem>>, vector<1x1000x128xf32>
    %swap3A_11 = vector.shape_cast %swap3A_10 : vector<1x1000x128xf32> to vector<1000x128xf32>
    %swap3A_12 = vector.shape_cast %dot_general3A_7 : vector<1000x128xf32> to vector<1x1000x128xf32>
    tpu.vector_store %arg4[%swap3A, %swap3A_8, %swap3A_9], %swap3A_12 {strides = array<i32>} : memref<9x1000x128xf32, #tpu.memory_space<vmem>>, vector<1x1000x128xf32>,
    %get3A_13 = arith.constant 0 : index
    %get3A_14 = arith.constant 0 : index
    %get3A_15 = vector.load %arg2[%get3A_13, %get3A_14] : memref<1000x256xbf16, #tpu.memory_space<vmem>>, vector<1000x256xbf16>
    %get3A_16 = arith.constant 1 : index
    %get3A_17 = arith.constant 0 : index
    %get3A_18 = arith.constant 0 : index
    %get3A_19 = vector.load %arg3[%get3A_16, %get3A_17, %get3A_18] : memref<9x256x128xbf16, #tpu.memory_space<vmem>>, vector<1x256x128xbf16>
    %get3A_20 = vector.shape_cast %get3A_19 : vector<1x256x128xbf16> to vector<256x128xbf16>
    %dot_general3A_21 = arith.constant dense<0.000000e+00> : vector<1000x128xf32>
    %dot_general3A_22 = tpu.matmul %get3A_15, %get3A_20, %dot_general3A_21 {dimension_numbers = #tpu.dot_dimension_numbers<[1], [0], [0], [1], [0, 0, 1, 1], [], []>, transpose_lhs_hint = false} : vector<1000x256xbf16>, vector<256x128xbf16>, vector<1000x128xf32> -> vector<1000x128xf32>
    %swap3A_23 = arith.constant 1 : index
    %swap3A_24 = arith.constant 0 : index
    %swap3A_25 = arith.constant 0 : index
    %swap3A_26 = vector.load %arg4[%swap3A_23, %swap3A_24, %swap3A_25] : memref<9x1000x128xf32, #tpu.memory_space<vmem>>, vector<1x1000x128xf32>
    %swap3A_27 = vector.shape_cast %swap3A_26 : vector<1x1000x128xf32> to vector<1000x128xf32>
    %swap3A_28 = vector.shape_cast %dot_general3A_22 : vector<1000x128xf32> to vector<1x1000x128xf32>
    tpu.vector_store %arg4[%swap3A_23, %swap3A_24, %swap3A_25], %swap3A_28 {strides = array<i32>} : memref<9x1000x128xf32, #tpu.memory_space<vmem>>, vector<1x1000x128xf32>,
    %get3A_29 = arith.constant 0 : index
    %get3A_30 = arith.constant 0 : index
    %get3A_31 = vector.load %arg2[%get3A_29, %get3A_30] : memref<1000x256xbf16, #tpu.memory_space<vmem>>, vector<1000x256xbf16>
    %get3A_32 = arith.constant 2 : index
    %get3A_33 = arith.constant 0 : index
    %get3A_34 = arith.constant 0 : index
    %get3A_35 = vector.load %arg3[%get3A_32, %get3A_33, %get3A_34] : memref<9x256x128xbf16, #tpu.memory_space<vmem>>, vector<1x256x128xbf16>
    %get3A_36 = vector.shape_cast %get3A_35 : vector<1x256x128xbf16> to vector<256x128xbf16>
    %dot_general3A_37 = arith.constant dense<0.000000e+00> : vector<1000x128xf32>
    %dot_general3A_38 = tpu.matmul %get3A_31, %get3A_36, %dot_general3A_37 {dimension_numbers = #tpu.dot_dimension_numbers<[1], [0], [0], [1], [0, 0, 1, 1], [], []>, transpose_lhs_hint = false} : vector<1000x256xbf16>, vector<256x128xbf16>, vector<1000x128xf32> -> vector<1000x128xf32>
    %swap3A_39 = arith.constant 2 : index
    %swap3A_40 = arith.constant 0 : index
    %swap3A_41 = arith.constant 0 : index
    %swap3A_42 = vector.load %arg4[%swap3A_39, %swap3A_40, %swap3A_41] : memref<9x1000x128xf32, #tpu.memory_space<vmem>>, vector<1x1000x128xf32>
    %swap3A_43 = vector.shape_cast %swap3A_42 : vector<1x1000x128xf32> to vector<1000x128xf32>
    %swap3A_44 = vector.shape_cast %dot_general3A_38 : vector<1000x128xf32> to vector<1x1000x128xf32>
    tpu.vector_store %arg4[%swap3A_39, %swap3A_40, %swap3A_41], %swap3A_44 {strides = array<i32>} : memref<9x1000x128xf32, #tpu.memory_space<vmem>>, vector<1x1000x128xf32>,
    %get3A_45 = arith.constant 0 : index
    %get3A_46 = arith.constant 0 : index
    %get3A_47 = vector.load %arg2[%get3A_45, %get3A_46] : memref<1000x256xbf16, #tpu.memory_space<vmem>>, vector<1000x256xbf16>
    %get3A_48 = arith.constant 3 : index
    %get3A_49 = arith.constant 0 : index
    %get3A_50 = arith.constant 0 : index
    %get3A_51 = vector.load %arg3[%get3A_48, %get3A_49, %get3A_50] : memref<9x256x128xbf16, #tpu.memory_space<vmem>>, vector<1x256x128xbf16>
    %get3A_52 = vector.shape_cast %get3A_51 : vector<1x256x128xbf16> to vector<256x128xbf16>
    %dot_general3A_53 = arith.constant dense<0.000000e+00> : vector<1000x128xf32>
    %dot_general3A_54 = tpu.matmul %get3A_47, %get3A_52, %dot_general3A_53 {dimension_numbers = #tpu.dot_dimension_numbers<[1], [0], [0], [1], [0, 0, 1, 1], [], []>, transpose_lhs_hint = false} : vector<1000x256xbf16>, vector<256x128xbf16>, vector<1000x128xf32> -> vector<1000x128xf32>
    %swap3A_55 = arith.constant 3 : index
    %swap3A_56 = arith.constant 0 : index
    %swap3A_57 = arith.constant 0 : index
    %swap3A_58 = vector.load %arg4[%swap3A_55, %swap3A_56, %swap3A_57] : memref<9x1000x128xf32, #tpu.memory_space<vmem>>, vector<1x1000x128xf32>
    %swap3A_59 = vector.shape_cast %swap3A_58 : vector<1x1000x128xf32> to vector<1000x128xf32>
    %swap3A_60 = vector.shape_cast %dot_general3A_54 : vector<1000x128xf32> to vector<1x1000x128xf32>
    tpu.vector_store %arg4[%swap3A_55, %swap3A_56, %swap3A_57], %swap3A_60 {strides = array<i32>} : memref<9x1000x128xf32, #tpu.memory_space<vmem>>, vector<1x1000x128xf32>,
    %get3A_61 = arith.constant 0 : index
    %get3A_62 = arith.constant 0 : index
    %get3A_63 = vector.load %arg2[%get3A_61, %get3A_62] : memref<1000x256xbf16, #tpu.memory_space<vmem>>, vector<1000x256xbf16>
    %get3A_64 = arith.constant 4 : index
    %get3A_65 = arith.constant 0 : index
    %get3A_66 = arith.constant 0 : index
    %get3A_67 = vector.load %arg3[%get3A_64, %get3A_65, %get3A_66] : memref<9x256x128xbf16, #tpu.memory_space<vmem>>, vector<1x256x128xbf16>
    %get3A_68 = vector.shape_cast %get3A_67 : vector<1x256x128xbf16> to vector<256x128xbf16>
    %dot_general3A_69 = arith.constant dense<0.000000e+00> : vector<1000x128xf32>
    %dot_general3A_70 = tpu.matmul %get3A_63, %get3A_68, %dot_general3A_69 {dimension_numbers = #tpu.dot_dimension_numbers<[1], [0], [0], [1], [0, 0, 1, 1], [], []>, transpose_lhs_hint = false} : vector<1000x256xbf16>, vector<256x128xbf16>, vector<1000x128xf32> -> vector<1000x128xf32>
    %swap3A_71 = arith.constant 4 : index
    %swap3A_72 = arith.constant 0 : index
    %swap3A_73 = arith.constant 0 : index
    %swap3A_74 = vector.load %arg4[%swap3A_71, %swap3A_72, %swap3A_73] : memref<9x1000x128xf32, #tpu.memory_space<vmem>>, vector<1x1000x128xf32>
    %swap3A_75 = vector.shape_cast %swap3A_74 : vector<1x1000x128xf32> to vector<1000x128xf32>
    %swap3A_76 = vector.shape_cast %dot_general3A_70 : vector<1000x128xf32> to vector<1x1000x128xf32>
    tpu.vector_store %arg4[%swap3A_71, %swap3A_72, %swap3A_73], %swap3A_76 {strides = array<i32>} : memref<9x1000x128xf32, #tpu.memory_space<vmem>>, vector<1x1000x128xf32>,
    %get3A_77 = arith.constant 0 : index
    %get3A_78 = arith.constant 0 : index
    %get3A_79 = vector.load %arg2[%get3A_77, %get3A_78] : memref<1000x256xbf16, #tpu.memory_space<vmem>>, vector<1000x256xbf16>
    %get3A_80 = arith.constant 5 : index
    %get3A_81 = arith.constant 0 : index
    %get3A_82 = arith.constant 0 : index
    %get3A_83 = vector.load %arg3[%get3A_80, %get3A_81, %get3A_82] : memref<9x256x128xbf16, #tpu.memory_space<vmem>>, vector<1x256x128xbf16>
    %get3A_84 = vector.shape_cast %get3A_83 : vector<1x256x128xbf16> to vector<256x128xbf16>
    %dot_general3A_85 = arith.constant dense<0.000000e+00> : vector<1000x128xf32>
    %dot_general3A_86 = tpu.matmul %get3A_79, %get3A_84, %dot_general3A_85 {dimension_numbers = #tpu.dot_dimension_numbers<[1], [0], [0], [1], [0, 0, 1, 1], [], []>, transpose_lhs_hint = false} : vector<1000x256xbf16>, vector<256x128xbf16>, vector<1000x128xf32> -> vector<1000x128xf32>
    %swap3A_87 = arith.constant 5 : index
    %swap3A_88 = arith.constant 0 : index
    %swap3A_89 = arith.constant 0 : index
    %swap3A_90 = vector.load %arg4[%swap3A_87, %swap3A_88, %swap3A_89] : memref<9x1000x128xf32, #tpu.memory_space<vmem>>, vector<1x1000x128xf32>
    %swap3A_91 = vector.shape_cast %swap3A_90 : vector<1x1000x128xf32> to vector<1000x128xf32>
    %swap3A_92 = vector.shape_cast %dot_general3A_86 : vector<1000x128xf32> to vector<1x1000x128xf32>
    tpu.vector_store %arg4[%swap3A_87, %swap3A_88, %swap3A_89], %swap3A_92 {strides = array<i32>} : memref<9x1000x128xf32, #tpu.memory_space<vmem>>, vector<1x1000x128xf32>,
    %get3A_93 = arith.constant 0 : index
    %get3A_94 = arith.constant 0 : index
    %get3A_95 = vector.load %arg2[%get3A_93, %get3A_94] : memref<1000x256xbf16, #tpu.memory_space<vmem>>, vector<1000x256xbf16>
    %get3A_96 = arith.constant 6 : index
    %get3A_97 = arith.constant 0 : index
    %get3A_98 = arith.constant 0 : index
    %get3A_99 = vector.load %arg3[%get3A_96, %get3A_97, %get3A_98] : memref<9x256x128xbf16, #tpu.memory_space<vmem>>, vector<1x256x128xbf16>
    %get3A_100 = vector.shape_cast %get3A_99 : vector<1x256x128xbf16> to vector<256x128xbf16>
    %dot_general3A_101 = arith.constant dense<0.000000e+00> : vector<1000x128xf32>
    %dot_general3A_102 = tpu.matmul %get3A_95, %get3A_100, %dot_general3A_101 {dimension_numbers = #tpu.dot_dimension_numbers<[1], [0], [0], [1], [0, 0, 1, 1], [], []>, transpose_lhs_hint = false} : vector<1000x256xbf16>, vector<256x128xbf16>, vector<1000x128xf32> -> vector<1000x128xf32>
    %swap3A_103 = arith.constant 6 : index
    %swap3A_104 = arith.constant 0 : index
    %swap3A_105 = arith.constant 0 : index
    %swap3A_106 = vector.load %arg4[%swap3A_103, %swap3A_104, %swap3A_105] : memref<9x1000x128xf32, #tpu.memory_space<vmem>>, vector<1x1000x128xf32>
    %swap3A_107 = vector.shape_cast %swap3A_106 : vector<1x1000x128xf32> to vector<1000x128xf32>
    %swap3A_108 = vector.shape_cast %dot_general3A_102 : vector<1000x128xf32> to vector<1x1000x128xf32>
    tpu.vector_store %arg4[%swap3A_103, %swap3A_104, %swap3A_105], %swap3A_108 {strides = array<i32>} : memref<9x1000x128xf32, #tpu.memory_space<vmem>>, vector<1x1000x128xf32>,
    %get3A_109 = arith.constant 0 : index
    %get3A_110 = arith.constant 0 : index
    %get3A_111 = vector.load %arg2[%get3A_109, %get3A_110] : memref<1000x256xbf16, #tpu.memory_space<vmem>>, vector<1000x256xbf16>
    %get3A_112 = arith.constant 7 : index
    %get3A_113 = arith.constant 0 : index
    %get3A_114 = arith.constant 0 : index
    %get3A_115 = vector.load %arg3[%get3A_112, %get3A_113, %get3A_114] : memref<9x256x128xbf16, #tpu.memory_space<vmem>>, vector<1x256x128xbf16>
    %get3A_116 = vector.shape_cast %get3A_115 : vector<1x256x128xbf16> to vector<256x128xbf16>
    %dot_general3A_117 = arith.constant dense<0.000000e+00> : vector<1000x128xf32>
    %dot_general3A_118 = tpu.matmul %get3A_111, %get3A_116, %dot_general3A_117 {dimension_numbers = #tpu.dot_dimension_numbers<[1], [0], [0], [1], [0, 0, 1, 1], [], []>, transpose_lhs_hint = false} : vector<1000x256xbf16>, vector<256x128xbf16>, vector<1000x128xf32> -> vector<1000x128xf32>
    %swap3A_119 = arith.constant 7 : index
    %swap3A_120 = arith.constant 0 : index
    %swap3A_121 = arith.constant 0 : index
    %swap3A_122 = vector.load %arg4[%swap3A_119, %swap3A_120, %swap3A_121] : memref<9x1000x128xf32, #tpu.memory_space<vmem>>, vector<1x1000x128xf32>
    %swap3A_123 = vector.shape_cast %swap3A_122 : vector<1x1000x128xf32> to vector<1000x128xf32>
    %swap3A_124 = vector.shape_cast %dot_general3A_118 : vector<1000x128xf32> to vector<1x1000x128xf32>
    tpu.vector_store %arg4[%swap3A_119, %swap3A_120, %swap3A_121], %swap3A_124 {strides = array<i32>} : memref<9x1000x128xf32, #tpu.memory_space<vmem>>, vector<1x1000x128xf32>,
    %get3A_125 = arith.constant 0 : index
    %get3A_126 = arith.constant 0 : index
    %get3A_127 = vector.load %arg2[%get3A_125, %get3A_126] : memref<1000x256xbf16, #tpu.memory_space<vmem>>, vector<1000x256xbf16>
    %get3A_128 = arith.constant 8 : index
    %get3A_129 = arith.constant 0 : index
    %get3A_130 = arith.constant 0 : index
    %get3A_131 = vector.load %arg3[%get3A_128, %get3A_129, %get3A_130] : memref<9x256x128xbf16, #tpu.memory_space<vmem>>, vector<1x256x128xbf16>
    %get3A_132 = vector.shape_cast %get3A_131 : vector<1x256x128xbf16> to vector<256x128xbf16>
    %dot_general3A_133 = arith.constant dense<0.000000e+00> : vector<1000x128xf32>
    %dot_general3A_134 = tpu.matmul %get3A_127, %get3A_132, %dot_general3A_133 {dimension_numbers = #tpu.dot_dimension_numbers<[1], [0], [0], [1], [0, 0, 1, 1], [], []>, transpose_lhs_hint = false} : vector<1000x256xbf16>, vector<256x128xbf16>, vector<1000x128xf32> -> vector<1000x128xf32>
    %swap3A_135 = arith.constant 8 : index
    %swap3A_136 = arith.constant 0 : index
    %swap3A_137 = arith.constant 0 : index
    %swap3A_138 = vector.load %arg4[%swap3A_135, %swap3A_136, %swap3A_137] : memref<9x1000x128xf32, #tpu.memory_space<vmem>>, vector<1x1000x128xf32>
    %swap3A_139 = vector.shape_cast %swap3A_138 : vector<1x1000x128xf32> to vector<1000x128xf32>
    %swap3A_140 = vector.shape_cast %dot_general3A_134 : vector<1000x128xf32> to vector<1x1000x128xf32>
    tpu.vector_store %arg4[%swap3A_135, %swap3A_136, %swap3A_137], %swap3A_140 {strides = array<i32>} : memref<9x1000x128xf32, #tpu.memory_space<vmem>>, vector<1x1000x128xf32>,
    return
  }
  func.func @transform_0(%arg0: i32, %arg1: i32) -> (i32, i32) {
    %c0_i32 = arith.constant 0 : i32
    %c0_i32_0 = arith.constant 0 : i32
    return %arg0, %c0_i32 : i32, i32
  }
  func.func @transform_1(%arg0: i32, %arg1: i32) -> (i32, i32, i32) {
    %c0_i32 = arith.constant 0 : i32
    %c0_i32_0 = arith.constant 0 : i32
    %c0_i32_1 = arith.constant 0 : i32
    return %arg1, %c0_i32, %c0_i32_0 : i32, i32, i32
  }
  func.func @transform_2(%arg0: i32, %arg1: i32) -> (i32, i32, i32) {
    %c0_i32 = arith.constant 0 : i32
    %c0_i32_0 = arith.constant 0 : i32
    return %arg1, %arg0, %c0_i32 : i32, i32, i32
  }
}

module attributes {stable_mosaic.version = 14 : i64} {
  func.func @_stats_body(%arg0: i32, %arg1: memref<2000x128xf32, #tpu.memory_space<vmem>>, %arg2: memref<2000x128xf32, #tpu.memory_space<vmem>>, %arg3: memref<1x256xf32, #tpu.memory_space<vmem>>, %arg4: memref<1x256xf32, #tpu.memory_space<vmem>>, %arg5: memref<1x256xf32, #tpu.memory_space<vmem>>, %arg6: memref<1x256xf32, #tpu.memory_space<vmem>>) attributes {dimension_semantics = [#tpu.dimension_semantics<arbitrary>], iteration_bounds = array<i64: 5>, scalar_prefetch = 0 : i64, scratch_operands = 2 : i64, tpu.core_type = #tpu.core_type<tc>, window_params = [{transform_indices = @transform_0, window_bounds = array<i64: 2000, 128>}, {transform_indices = @transform_1, window_bounds = array<i64: 2000, 128>}, {pipeline_mode = #tpu.pipeline_mode<synchronous>, transform_indices = @transform_2, window_bounds = array<i64: 1, 256>}, {pipeline_mode = #tpu.pipeline_mode<synchronous>, transform_indices = @transform_3, window_bounds = array<i64: 1, 256>}]} {
    %eq3A = arith.constant 0 : i32
    %eq3A_0 = arith.cmpi eq, %arg0, %eq3A : i32
    %convert_element_type3A = arith.extui %eq3A_0 : i1 to i32
    %cond3A = arith.constant 0 : i32
    %cond3A_1 = arith.cmpi ne, %convert_element_type3A, %cond3A : i32
    scf.if %cond3A_1 {
      %broadcast_in_dim3A_28 = arith.constant 0.000000e+00 : f32
      %broadcast_in_dim3A_29 = vector.broadcast %broadcast_in_dim3A_28 : f32 to vector<1x256xf32>
      %swap3A_30 = arith.constant 0 : index
      %swap3A_31 = arith.constant 0 : index
      %swap3A_32 = vector.load %arg5[%swap3A_30, %swap3A_31] : memref<1x256xf32, #tpu.memory_space<vmem>>, vector<1x256xf32>
      tpu.vector_store %arg5[%swap3A_30, %swap3A_31], %broadcast_in_dim3A_29 {strides = array<i32>} : memref<1x256xf32, #tpu.memory_space<vmem>>, vector<1x256xf32>,
      %broadcast_in_dim3A_33 = arith.constant 0.000000e+00 : f32
      %broadcast_in_dim3A_34 = vector.broadcast %broadcast_in_dim3A_33 : f32 to vector<1x256xf32>
      %swap3A_35 = arith.constant 0 : index
      %swap3A_36 = arith.constant 0 : index
      %swap3A_37 = vector.load %arg6[%swap3A_35, %swap3A_36] : memref<1x256xf32, #tpu.memory_space<vmem>>, vector<1x256xf32>
      tpu.vector_store %arg6[%swap3A_35, %swap3A_36], %broadcast_in_dim3A_34 {strides = array<i32>} : memref<1x256xf32, #tpu.memory_space<vmem>>, vector<1x256xf32>,
    } else {
    }
    %get3A = arith.constant 0 : index
    %get3A_2 = arith.constant 0 : index
    %get3A_3 = vector.load %arg1[%get3A, %get3A_2] : memref<2000x128xf32, #tpu.memory_space<vmem>>, vector<2000x128xf32>
    %get3A_4 = arith.constant 0 : index
    %get3A_5 = arith.constant 0 : index
    %get3A_6 = vector.load %arg2[%get3A_4, %get3A_5] : memref<2000x128xf32, #tpu.memory_space<vmem>>, vector<2000x128xf32>
    %concatenate3A = tpu.concatenate %get3A_3, %get3A_6 in 1 : vector<2000x128xf32>, vector<2000x128xf32> -> vector<2000x256xf32>
    %get3A_7 = arith.constant 0 : index
    %get3A_8 = arith.constant 0 : index
    %get3A_9 = vector.load %arg5[%get3A_7, %get3A_8] : memref<1x256xf32, #tpu.memory_space<vmem>>, vector<1x256xf32>
    %reduce_sum3A = arith.constant dense<0.000000e+00> : vector<256xf32>
    %reduce_sum3A_10 = vector.multi_reduction <add>, %concatenate3A, %reduce_sum3A [0] : vector<2000x256xf32> to vector<256xf32>
    %broadcast_in_dim3A = vector.shape_cast %reduce_sum3A_10 : vector<256xf32> to vector<1x256xf32>
    %add3A = arith.addf %get3A_9, %broadcast_in_dim3A : vector<1x256xf32>
    %swap3A = arith.constant 0 : index
    %swap3A_11 = arith.constant 0 : index
    %swap3A_12 = vector.load %arg5[%swap3A, %swap3A_11] : memref<1x256xf32, #tpu.memory_space<vmem>>, vector<1x256xf32>
    tpu.vector_store %arg5[%swap3A, %swap3A_11], %add3A {strides = array<i32>} : memref<1x256xf32, #tpu.memory_space<vmem>>, vector<1x256xf32>,
    %get3A_13 = arith.constant 0 : index
    %get3A_14 = arith.constant 0 : index
    %get3A_15 = vector.load %arg6[%get3A_13, %get3A_14] : memref<1x256xf32, #tpu.memory_space<vmem>>, vector<1x256xf32>
    %mul3A = arith.mulf %concatenate3A, %concatenate3A : vector<2000x256xf32>
    %reduce_sum3A_16 = arith.constant dense<0.000000e+00> : vector<256xf32>
    %reduce_sum3A_17 = vector.multi_reduction <add>, %mul3A, %reduce_sum3A_16 [0] : vector<2000x256xf32> to vector<256xf32>
    %broadcast_in_dim3A_18 = vector.shape_cast %reduce_sum3A_17 : vector<256xf32> to vector<1x256xf32>
    %add3A_19 = arith.addf %get3A_15, %broadcast_in_dim3A_18 : vector<1x256xf32>
    %swap3A_20 = arith.constant 0 : index
    %swap3A_21 = arith.constant 0 : index
    %swap3A_22 = vector.load %arg6[%swap3A_20, %swap3A_21] : memref<1x256xf32, #tpu.memory_space<vmem>>, vector<1x256xf32>
    tpu.vector_store %arg6[%swap3A_20, %swap3A_21], %add3A_19 {strides = array<i32>} : memref<1x256xf32, #tpu.memory_space<vmem>>, vector<1x256xf32>,
    %eq3A_23 = arith.constant 4 : i32
    %eq3A_24 = arith.cmpi eq, %arg0, %eq3A_23 : i32
    %convert_element_type3A_25 = arith.extui %eq3A_24 : i1 to i32
    %cond3A_26 = arith.constant 0 : i32
    %cond3A_27 = arith.cmpi ne, %convert_element_type3A_25, %cond3A_26 : i32
    scf.if %cond3A_27 {
      %get3A_28 = arith.constant 0 : index
      %get3A_29 = arith.constant 0 : index
      %get3A_30 = vector.load %arg5[%get3A_28, %get3A_29] : memref<1x256xf32, #tpu.memory_space<vmem>>, vector<1x256xf32>
      %swap3A_31 = arith.constant 0 : index
      %swap3A_32 = arith.constant 0 : index
      %swap3A_33 = vector.load %arg3[%swap3A_31, %swap3A_32] : memref<1x256xf32, #tpu.memory_space<vmem>>, vector<1x256xf32>
      tpu.vector_store %arg3[%swap3A_31, %swap3A_32], %get3A_30 {strides = array<i32>} : memref<1x256xf32, #tpu.memory_space<vmem>>, vector<1x256xf32>,
      %get3A_34 = arith.constant 0 : index
      %get3A_35 = arith.constant 0 : index
      %get3A_36 = vector.load %arg6[%get3A_34, %get3A_35] : memref<1x256xf32, #tpu.memory_space<vmem>>, vector<1x256xf32>
      %swap3A_37 = arith.constant 0 : index
      %swap3A_38 = arith.constant 0 : index
      %swap3A_39 = vector.load %arg4[%swap3A_37, %swap3A_38] : memref<1x256xf32, #tpu.memory_space<vmem>>, vector<1x256xf32>
      tpu.vector_store %arg4[%swap3A_37, %swap3A_38], %get3A_36 {strides = array<i32>} : memref<1x256xf32, #tpu.memory_space<vmem>>, vector<1x256xf32>,
    } else {
    }
    return
  }
  func.func @transform_0(%arg0: i32) -> (i32, i32) {
    %c0_i32 = arith.constant 0 : i32
    %c0_i32_0 = arith.constant 0 : i32
    return %arg0, %c0_i32 : i32, i32
  }
  func.func @transform_1(%arg0: i32) -> (i32, i32) {
    %c0_i32 = arith.constant 0 : i32
    %c0_i32_0 = arith.constant 0 : i32
    return %arg0, %c0_i32 : i32, i32
  }
  func.func @transform_2(%arg0: i32) -> (i32, i32) {
    %c0_i32 = arith.constant 0 : i32
    %c0_i32_0 = arith.constant 0 : i32
    %c0_i32_1 = arith.constant 0 : i32
    return %c0_i32, %c0_i32_0 : i32, i32
  }
  func.func @transform_3(%arg0: i32) -> (i32, i32) {
    %c0_i32 = arith.constant 0 : i32
    %c0_i32_0 = arith.constant 0 : i32
    %c0_i32_1 = arith.constant 0 : i32
    return %c0_i32, %c0_i32_0 : i32, i32
  }
}

module attributes {stable_mosaic.version = 14 : i64} {
  func.func @_apply_body(%arg0: i32, %arg1: memref<2000x128xf32, #tpu.memory_space<vmem>>, %arg2: memref<2000x128xf32, #tpu.memory_space<vmem>>, %arg3: memref<1x256xf32, #tpu.memory_space<vmem>>, %arg4: memref<1x256xf32, #tpu.memory_space<vmem>>, %arg5: memref<1x256xf32, #tpu.memory_space<vmem>>, %arg6: memref<1x256xf32, #tpu.memory_space<vmem>>, %arg7: memref<2000x256xf32, #tpu.memory_space<vmem>>) attributes {dimension_semantics = [#tpu.dimension_semantics<arbitrary>], iteration_bounds = array<i64: 5>, scalar_prefetch = 0 : i64, scratch_operands = 0 : i64, tpu.core_type = #tpu.core_type<tc>, window_params = [{transform_indices = @transform_0, window_bounds = array<i64: 2000, 128>}, {transform_indices = @transform_1, window_bounds = array<i64: 2000, 128>}, {pipeline_mode = #tpu.pipeline_mode<synchronous>, transform_indices = @transform_2, window_bounds = array<i64: 1, 256>}, {pipeline_mode = #tpu.pipeline_mode<synchronous>, transform_indices = @transform_3, window_bounds = array<i64: 1, 256>}, {pipeline_mode = #tpu.pipeline_mode<synchronous>, transform_indices = @transform_4, window_bounds = array<i64: 1, 256>}, {pipeline_mode = #tpu.pipeline_mode<synchronous>, transform_indices = @transform_5, window_bounds = array<i64: 1, 256>}, {transform_indices = @transform_6, window_bounds = array<i64: 2000, 256>}]} {
    %get3A = arith.constant 0 : index
    %get3A_0 = arith.constant 0 : index
    %get3A_1 = vector.load %arg3[%get3A, %get3A_0] : memref<1x256xf32, #tpu.memory_space<vmem>>, vector<1x256xf32>
    %div3A = arith.constant 1.000000e+04 : f32
    %div3A_2 = vector.broadcast %div3A : f32 to vector<1x256xf32>
    %div3A_3 = arith.divf %get3A_1, %div3A_2 : vector<1x256xf32>
    %get3A_4 = arith.constant 0 : index
    %get3A_5 = arith.constant 0 : index
    %get3A_6 = vector.load %arg4[%get3A_4, %get3A_5] : memref<1x256xf32, #tpu.memory_space<vmem>>, vector<1x256xf32>
    %div3A_7 = arith.constant 1.000000e+04 : f32
    %div3A_8 = vector.broadcast %div3A_7 : f32 to vector<1x256xf32>
    %div3A_9 = arith.divf %get3A_6, %div3A_8 : vector<1x256xf32>
    %mul3A = arith.mulf %div3A_3, %div3A_3 : vector<1x256xf32>
    %sub3A = arith.subf %div3A_9, %mul3A : vector<1x256xf32>
    %get3A_10 = arith.constant 0 : index
    %get3A_11 = arith.constant 0 : index
    %get3A_12 = vector.load %arg5[%get3A_10, %get3A_11] : memref<1x256xf32, #tpu.memory_space<vmem>>, vector<1x256xf32>
    %add3A = arith.constant 9.99999974E-6 : f32
    %add3A_13 = vector.broadcast %add3A : f32 to vector<1x256xf32>
    %add3A_14 = arith.addf %sub3A, %add3A_13 : vector<1x256xf32>
    %rsqrt3A = math.rsqrt %add3A_14 : vector<1x256xf32>
    %mul3A_15 = arith.mulf %get3A_12, %rsqrt3A : vector<1x256xf32>
    %get3A_16 = arith.constant 0 : index
    %get3A_17 = arith.constant 0 : index
    %get3A_18 = vector.load %arg6[%get3A_16, %get3A_17] : memref<1x256xf32, #tpu.memory_space<vmem>>, vector<1x256xf32>
    %mul3A_19 = arith.mulf %div3A_3, %mul3A_15 : vector<1x256xf32>
    %sub3A_20 = arith.subf %get3A_18, %mul3A_19 : vector<1x256xf32>
    %get3A_21 = arith.constant 0 : index
    %get3A_22 = arith.constant 0 : index
    %get3A_23 = vector.load %arg1[%get3A_21, %get3A_22] : memref<2000x128xf32, #tpu.memory_space<vmem>>, vector<2000x128xf32>
    %slice3A = vector.extract_strided_slice %mul3A_15 {offsets = [0, 0], sizes = [1, 128], strides = [1, 1]} : vector<1x256xf32> to vector<1x128xf32>
    %mul3A_24 = vector.broadcast %slice3A : vector<1x128xf32> to vector<2000x128xf32>
    %mul3A_25 = arith.mulf %get3A_23, %mul3A_24 : vector<2000x128xf32>
    %slice3A_26 = vector.extract_strided_slice %sub3A_20 {offsets = [0, 0], sizes = [1, 128], strides = [1, 1]} : vector<1x256xf32> to vector<1x128xf32>
    %add3A_27 = vector.broadcast %slice3A_26 : vector<1x128xf32> to vector<2000x128xf32>
    %add3A_28 = arith.addf %mul3A_25, %add3A_27 : vector<2000x128xf32>
    %get3A_29 = arith.constant 0 : index
    %get3A_30 = arith.constant 0 : index
    %get3A_31 = vector.load %arg2[%get3A_29, %get3A_30] : memref<2000x128xf32, #tpu.memory_space<vmem>>, vector<2000x128xf32>
    %slice3A_32 = vector.extract_strided_slice %mul3A_15 {offsets = [0, 128], sizes = [1, 128], strides = [1, 1]} : vector<1x256xf32> to vector<1x128xf32>
    %mul3A_33 = vector.broadcast %slice3A_32 : vector<1x128xf32> to vector<2000x128xf32>
    %mul3A_34 = arith.mulf %get3A_31, %mul3A_33 : vector<2000x128xf32>
    %slice3A_35 = vector.extract_strided_slice %sub3A_20 {offsets = [0, 128], sizes = [1, 128], strides = [1, 1]} : vector<1x256xf32> to vector<1x128xf32>
    %add3A_36 = vector.broadcast %slice3A_35 : vector<1x128xf32> to vector<2000x128xf32>
    %add3A_37 = arith.addf %mul3A_34, %add3A_36 : vector<2000x128xf32>
    %max3A = arith.constant 0.000000e+00 : f32
    %max3A_38 = vector.broadcast %max3A : f32 to vector<2000x128xf32>
    %max3A_39 = arith.maximumf %add3A_28, %max3A_38 : vector<2000x128xf32>
    %swap3A = arith.constant 0 : index
    %swap3A_40 = arith.constant 0 : index
    %swap3A_41 = vector.load %arg7[%swap3A, %swap3A_40] : memref<2000x256xf32, #tpu.memory_space<vmem>>, vector<2000x128xf32>
    tpu.vector_store %arg7[%swap3A, %swap3A_40], %max3A_39 {strides = array<i32>} : memref<2000x256xf32, #tpu.memory_space<vmem>>, vector<2000x128xf32>,
    %max3A_42 = arith.constant 0.000000e+00 : f32
    %max3A_43 = vector.broadcast %max3A_42 : f32 to vector<2000x128xf32>
    %max3A_44 = arith.maximumf %add3A_37, %max3A_43 : vector<2000x128xf32>
    %swap3A_45 = arith.constant 0 : index
    %swap3A_46 = arith.constant 128 : index
    %swap3A_47 = vector.load %arg7[%swap3A_45, %swap3A_46] : memref<2000x256xf32, #tpu.memory_space<vmem>>, vector<2000x128xf32>
    tpu.vector_store %arg7[%swap3A_45, %swap3A_46], %max3A_44 {strides = array<i32>} : memref<2000x256xf32, #tpu.memory_space<vmem>>, vector<2000x128xf32>,
    return
  }
  func.func @transform_0(%arg0: i32) -> (i32, i32) {
    %c0_i32 = arith.constant 0 : i32
    %c0_i32_0 = arith.constant 0 : i32
    return %arg0, %c0_i32 : i32, i32
  }
  func.func @transform_1(%arg0: i32) -> (i32, i32) {
    %c0_i32 = arith.constant 0 : i32
    %c0_i32_0 = arith.constant 0 : i32
    return %arg0, %c0_i32 : i32, i32
  }
  func.func @transform_2(%arg0: i32) -> (i32, i32) {
    %c0_i32 = arith.constant 0 : i32
    %c0_i32_0 = arith.constant 0 : i32
    %c0_i32_1 = arith.constant 0 : i32
    return %c0_i32, %c0_i32_0 : i32, i32
  }
  func.func @transform_3(%arg0: i32) -> (i32, i32) {
    %c0_i32 = arith.constant 0 : i32
    %c0_i32_0 = arith.constant 0 : i32
    %c0_i32_1 = arith.constant 0 : i32
    return %c0_i32, %c0_i32_0 : i32, i32
  }
  func.func @transform_4(%arg0: i32) -> (i32, i32) {
    %c0_i32 = arith.constant 0 : i32
    %c0_i32_0 = arith.constant 0 : i32
    %c0_i32_1 = arith.constant 0 : i32
    return %c0_i32, %c0_i32_0 : i32, i32
  }
  func.func @transform_5(%arg0: i32) -> (i32, i32) {
    %c0_i32 = arith.constant 0 : i32
    %c0_i32_0 = arith.constant 0 : i32
    %c0_i32_1 = arith.constant 0 : i32
    return %c0_i32, %c0_i32_0 : i32, i32
  }
  func.func @transform_6(%arg0: i32) -> (i32, i32) {
    %c0_i32 = arith.constant 0 : i32
    %c0_i32_0 = arith.constant 0 : i32
    return %arg0, %c0_i32 : i32, i32
  }
}

</mosaic_0001>

<sc_bundles>
// kernel: kernel.7.cloned.1.call-start
scs
__scs_entry_jumppad:
0x0: {  	(pc) =	sbr.rel $0x88, $3  }
0x1: {  	(tag) =	ssettag $0x0;
	lr =	simm.s32 $0x1  }
0x2: {  	[smem:$0x3F9B] =	sst lr;
	_ =	strace $0xD0000000  }
0x3: {  	_ = 	snop  }
0x4: {  	_ = 	snop  }
0x5: {  	_ = 	snop  }
0x6: {  	_ = 	snop  }
0x7: {  	_ = 	snop  }
__scs_overlays_trampoline_lowered:
0x8: {  	[smem:$0x3FAA] =	sst s0  }
0x9: {  	[smem:$0x3FAB] =	sst s1  }
0xa: {  	[smem:$0x3FAC] =	sst s2  }
0xb: {  	[smem:$0x3FAD] =	sst s3  }
0xc: {  	[smem:$0x3FAE] =	sst s4  }
0xd: {  	[smem:$0x3FAF] =	sst s5  }
0xe: {  	[smem:$0x3FB0] =	sst s6  }
0xf: {  	[smem:$0x3FB1] =	sst s7  }
0x10: {  	[smem:$0x3FB2] =	sst s8  }
0x11: {  	[smem:$0x3FB3] =	sst s9;
	s0 =	simm.s32 @!p0 $0x0  }
0x12: {  	s1 =	sld [smem:$0x3F99];
	s0 =	simm.s32 @p0 $0x1  }
0x13: {  	[smem:$0x3FB4] =	sst s0;
	s0 =	simm.s32 @!p1 $0x0  }
0x14: {  	s2 =	sld [smem:$0x3F98];
	s0 =	simm.s32 @p1 $0x1  }
0x15: {  	[smem:$0x3FB5] =	sst s0;
	s0 =	simm.s32 @!p2 $0x0  }
0x16: {  	s3 =	sld [smem:$0x3FDB];
	s0 =	simm.s32 @p2 $0x1  }
0x17: {  	s4 =	simm.s32 $0x1BF5;
	[smem:$0x3FB7] =	sst s0  }
0x18: {  	s0 =	sld [smem:$0x3F9A];
	_ =	swait.ge [sflag:s4], $0x0  }
0x19: {  	s7 =	sld [smem:$0x3F9B]  }
0x1a: {  	s8 =	sadd.s32 $0xFFFFE003, lr  }
0x1b: {  	s9 =	sadd.s32 $0xFFFFFEF7, lr;
	s5 =	simm.s32 $0xFFFFFFFF;
	p2 =	slt.u32 s8, $0xFFFFF086  }
0x1c: {  	p1 =	slt.u32 s9, $0xF7A;
	s5 =	simm.s32 @!p2 $0x0  }
0x1d: {  	s5 =	simm.s32 @p1 $0x1;
	p0 =	seq.s32 s7, s2  }
0x1e: {  	s7 =	smul.u32 @!p0 $0xF7A, s2;
	p2 =	seq.s32 @!p0 s5, $0x0  }
0x1f: {  	s9 =	smul.u32 $0xF7A, s1;
	s8 =	simm.s32 @!p0 $0x1BF5;
	p2 =	por !p2, p0  }
0x20: {  	[sflag:s8] =	ssyncset.s32 @!p0 $0xFFFFF086;
	s6 =	sadd.s32 @!p0 s3, s7;
	s7 =	simm.s32 @!p0 $0x108  }
0x21: {  	s3 =	sadd.s32 s3, s9;
	s6 =	sadd.s32 @!p0 $0x88, s6;
	s7 =	simm.s32 @p2 $0x1082  }
0x22: {  	[simem:s7], [sflag:s8] =	dma.local @!p0 [hbm:s6], $0xF7A  }
0x23: {  	s9 =	sor.u32 $0xD0000000, s2;
	s6 =	simm.s32 $0x108;
	_ =	swait.ge @!p0 [sflag:s8], $0x0  }
0x24: {  	s3 =	sadd.s32 $0x88, s3;
	s6 =	simm.s32 @!p1 $0x1082;
	[sflag:s4] =	ssyncset.s32 $0xFFFFF086  }
0x25: {  	[simem:s6], [sflag:s4] =	dma.local [hbm:s3], $0xF7A  }
0x26: {  	[smem:$0x3F9B] =	sst s1;
	(tag) =	ssettag s2;
	_ =	strace s9  }
0x27: {  	s1 =	sld [smem:$0x3FAB]  }
0x28: {  	s2 =	sld [smem:$0x3FAC]  }
0x29: {  	s4 =	sld [smem:$0x3FAE]  }
0x2a: {  	p0 =	seq.s32 s5, $0x0;
	s5 =	sld [smem:$0x3FAF]  }
0x2b: {  	s6 =	sld [smem:$0x3FB0]  }
0x2c: {  	s7 =	sld [smem:$0x3FB1]  }
0x2d: {  	s3 =	simm.s32 $0x108;
	s8 =	sld [smem:$0x3FB2]  }
0x2e: {  	s3 =	simm.s32 @!p0 $0x1082;
	s9 =	sld [smem:$0x3FB3]  }
0x2f: {  	lr =	sadd.s32 s0, s3;
	s0 =	sld [smem:$0x3FAA]  }
0x30: {  	s3 =	sld [smem:$0x3FAD]  }
0x31: {  	[smem:$0x3FB6] =	sst s10  }
0x32: {  	s10 =	sld [smem:$0x3FB4];
	_ =	sdelay $0x3  }
0x33: {  	p0 =	seq.s32 s10, $0x1;
	s10 =	sld [smem:$0x3FB6];
	_ =	sdelay $0x3  }
0x34: {  	[smem:$0x3FB6] =	sst s10  }
0x35: {  	s10 =	sld [smem:$0x3FB5];
	_ =	sdelay $0x3  }
0x36: {  	p1 =	seq.s32 s10, $0x1;
	s10 =	sld [smem:$0x3FB6];
	_ =	sdelay $0x3  }
0x37: {  	[smem:$0x3FB6] =	sst s10  }
0x38: {  	s10 =	sld [smem:$0x3FB7]  }
0x39: {  	_ = 	snop;
	(pc) =	sbr.ind lr, $3  }
0x3a: {  	_ = 	snop  }
0x3b: {  	_ = 	snop  }
0x3c: {  	p2 =	seq.s32 s10, $0x1;
	s10 =	sld [smem:$0x3FB6]  }
0x3d: {  	_ =	shalt  }
0x3e: {  	_ =	shalt  }
0x3f: {  	_ =	shalt  }
0x40: {  	_ =	shalt  }
0x41: {  	_ =	shalt  }
0x42: {  	_ =	shalt  }
0x43: {  	_ =	shalt  }
0x44: {  	_ =	shalt  }
0x45: {  	_ =	shalt  }
0x46: {  	_ =	shalt  }
0x47: {  	_ =	shalt  }
0x48: {  	_ =	shalt  }
0x49: {  	_ =	shalt  }
0x4a: {  	_ =	shalt  }
0x4b: {  	_ =	shalt  }
0x4c: {  	_ =	shalt  }
0x4d: {  	_ =	shalt  }
0x4e: {  	_ =	shalt  }
0x4f: {  	_ =	shalt  }
0x50: {  	_ =	shalt  }
0x51: {  	_ =	shalt  }
0x52: {  	_ =	shalt  }
0x53: {  	_ =	shalt  }
0x54: {  	_ =	shalt  }
0x55: {  	_ =	shalt  }
0x56: {  	_ =	shalt  }
0x57: {  	_ =	shalt  }
0x58: {  	_ =	shalt  }
0x59: {  	_ =	shalt  }
0x5a: {  	_ =	shalt  }
0x5b: {  	_ =	shalt  }
0x5c: {  	_ =	shalt  }
0x5d: {  	_ =	shalt  }
0x5e: {  	_ =	shalt  }
0x5f: {  	_ =	shalt  }
0x60: {  	_ =	shalt  }
0x61: {  	_ =	shalt  }
0x62: {  	_ =	shalt  }
0x63: {  	_ =	shalt  }
0x64: {  	_ =	shalt  }
0x65: {  	_ =	shalt  }
0x66: {  	_ =	shalt  }
0x67: {  	_ =	shalt  }
0x68: {  	_ =	shalt  }
0x69: {  	_ =	shalt  }
0x6a: {  	_ =	shalt  }
0x6b: {  	_ =	shalt  }
0x6c: {  	_ =	shalt  }
0x6d: {  	_ =	shalt  }
0x6e: {  	_ =	shalt  }
0x6f: {  	_ =	shalt  }
0x70: {  	_ =	shalt  }
0x71: {  	_ =	shalt  }
0x72: {  	_ =	shalt  }
0x73: {  	_ =	shalt  }
0x74: {  	_ =	shalt  }
0x75: {  	_ =	shalt  }
0x76: {  	_ =	shalt  }
0x77: {  	_ =	shalt  }
0x78: {  	_ =	shalt  }
0x79: {  	_ =	shalt  }
0x7a: {  	_ =	shalt  }
0x7b: {  	_ =	shalt  }
0x7c: {  	_ =	shalt  }
0x7d: {  	_ =	shalt  }
0x7e: {  	_ =	shalt  }
0x7f: {  	_ =	shalt  }
0x80: {  	_ =	shalt  }
0x81: {  	_ =	shalt  }
0x82: {  	_ =	shalt  }
0x83: {  	_ =	shalt  }
0x84: {  	_ =	shalt  }
0x85: {  	_ =	shalt  }
0x86: {  	_ =	shalt  }
0x87: {  	_ =	shalt  }
.Lfunc_end0:
.L_simem_size_0:
called_computation_lowered:
.L_overlay_start_0:
0x88: {  	s2 =	sld [smem:$0x3FD9]  }
0x89: {  	s3 =	sld [smem:$0x3FFE];
	_ =	sdelay $0x1  }
0x8a: {  	s1 =	srdreg.scid  }
0x8b: {  	s0 =	sand.u32 $0x1, s1  }
0x8c: {  	s17 =	sshll.u32 s0, $0xA;
	s2 =	sadd.s32 s3, s2  }
0x8d: {  	s2 =	sadd.s32 s2, s17  }
0x8e: {  	[smem:$0x3FC2] =	sst s2  }
0x8f: {  	_ = 	snop  }
0x90: {  	s2 =	sld [smem:$0x3FD0];
	(tm) =	ssettm $0x1  }
0x91: {  	s18 =	sld [smem:$0x3FFB];
	_ =	sdelay $0x3  }
0x92: {  	_ =	strace s18  }
0x93: {  	s3 =	sld [smem:$0x3FFC];
	_ =	sdelay $0x3  }
0x94: {  	_ =	strace s3  }
0x95: {  	s3 =	sld [smem:$0x3FFD];
	_ =	sdelay $0x3  }
0x96: {  	_ =	strace s3  }
0x97: {  	_ =	strace $0x8FFFFFFF  }
0x98: {  	s19 =	sld [smem:$0x3FDB];
	_ =	sdelay $0x1  }
0x99: {  	s4 =	simm.s32 $_scs_section_size  }
0x9a: {  	s5 =	simm.s32 $_size__tile_overlayer_lowered;
	s6 =	simm.s32 $_tile_overlayer_lowered  }
0x9b: {  	s22 =	simm.s32 $0x1BFF;
	s21 =	sshll.u32 s6, $0x1;
	s3 =	sadd.s32 s4, s19  }
0x9c: {  	s7 =	simm.s32 $0x0;
	s20 =	sshll.u32 s5, $0x1;
	s5 =	sadd.s32 s21, s3  }
0x9d: {  	[timem:s7], [sflag:s22] =	dma.local [hbm:s5], s20  }
0x9e: {  	_ =	swait.ge [sflag:s22], s20  }
0x9f: {  	s4 =	ssub.s32 $0x0, s20;
	[sflag:s22] =	ssyncset.done $0x0  }
0xa0: {  	[sflag:s22] =	ssyncadd.s32 s4;
	_ =	sdelay $0x1  }
0xa1: {  	s23 =	simm.s32 $0x1B8B  }
0xa2: {  	_ =	swait.ge [sflag:s23], $0x1  }
0xa3: {  	[sflag:s23] =	ssyncset.done $0x0  }
0xa4: {  	s25 =	simm.s32 $0x1B8E;
	s24 =	sld [smem:$0x3FFE];
	[sflag:s23] =	ssyncadd.s32 $0xFFFFFFFF  }
0xa5: {  	s26 =	simm.s32 $execute0_lowered;
	[smem:$0x3FD2] =	sst s25  }
0xa6: {  	s5 =	sshll.u32 s26, $0x1;
	_ =	strace $0x80000046;
	[dreg:$0x1] =	wrdreg $0xFFFFFFFF  }
0xa7: {  	s28 =	simm.s32 $_size_execute0_lowered;
	s3 =	sadd.s32 s3, s5;
	[dreg:$0x0] =	wrdreg $0x0  }
0xa8: {  	s5 =	sshll.u32 s28, $0x1;
	[dreg:$0x2] =	wrdreg s3  }
0xa9: {  	[dreg:$0x3] =	wrdreg s5  }
0xaa: {  	[dreg:$0x4] =	wrdreg $0xC0  }
0xab: {  	_ =	task [dreg:s7], $0x5FFFF  }
0xac: {  	[dreg:$0x1] =	wrdreg $0xFFFFFFFF  }
0xad: {  	[dreg:$0x0] =	wrdreg $0x60  }
0xae: {  	[dreg:$0x2] =	wrdreg s2  }
0xaf: {  	[dreg:$0x3] =	wrdreg s24  }
0xb0: {  	[dreg:$0x4] =	wrdreg $0x48000  }
0xb1: {  	[dreg:$0x5] =	wrdreg $0x9  }
0xb2: {  	_ =	task.clear_ibuf [dreg:s7], $0x6FFFF;
	_ =	strace $0x90000046  }
0xb3: {  	s29 =	simm.s32 $0x9;
	_ =	strace $0x80000048  }
0xb4: {  	_ =	swait.ge [sflag:s29], $0x1  }
0xb5: {  	[sflag:s29] =	ssyncadd.s32 $0xFFFFFFFF  }
0xb6: {  	_ =	strace $0x90000048  }
0xb7: {  	_ =	sfence  }
0xb8: {  	s30 =	sld [smem:$0x0];
	_ =	sdelay $0x2  }
0xb9: {  	s31 =	sshll.u32 s1, $0xD;
	s1 =	sshrl.u32 s1, $0x2  }
0xba: {  	s3 =	sand.u32 $0x4000, s31;
	s1 =	sadd.s32 s1, s30  }
0xbb: {  	s0 =	sor.u32 s3, s0;
	s1 =	sshll.u32 s1, $0x11  }
0xbc: {  	s0 =	sor.u32 s1, s0  }
0xbd: {  	s0 =	sadd.s32 $0x8F2B, s0  }
0xbe: {  	[sflag:s0] =	ssyncadd.remote.s32 $0x1  }
0xbf: {  	_ =	sfence.sel $0xFFFF  }
0xc0: {  	[dreg:$0x0] =	wrdreg $0xFFFFFFFF;
	(pc) =	sbr.abs _section_cstart, $3  }
0xc1: {  	[dreg:$0x1] =	wrdreg $0xFFFFFFFF  }
0xc2: {  	_ =	task.clear_ibuf [dreg:s7], $0x2FFFF;
	_ =	strace $0x9FFFFFFF  }
0xc3: {  	(tm) =	ssettm $0x7FFFFFFF  }
tec
execute0_lowered:
.L_overlay_start_1:
0x0: {  	(tag) =	ssettag $0x1  }
0x1: {  	s0 =	rddreg [dreg:$0x0]  }
0x2: {  	s1 =	rddreg [dreg:$0x1]  }
0x3: {  	s2 =	rddreg [dreg:$0x2]  }
0x4: {  	s3 =	simm.s32 $0x0;
	s12 =	stileid.u32;
	s5 =	srdreg.scid  }
0x5: {  	s28 =	simm.s32 $0x3000;
	s30 =	simm.s32 $0x3800;
	s13 =	simm.s32 $0x5  }
0x6: {  	s15 =	simm.s32 $0x6;
	s17 =	simm.s32 $0x7;
	s6 =	smul.u32 $0x3200, s12  }
0x7: {  	s29 =	simm.s32 $0x9;
	[smem:$0x7FF] =	sst s3;
	s7 =	smul.u32 $0x50000, s12  }
0x8: {  	s4 =	sadd.s32 $0x41FC00, s1;
	s9 =	sand.u32 $0x1, s5;
	s11 =	sadd.s32 $0x870800, s1  }
0x9: {  	s5 =	sadd.s32 $0x1000, s1;
	s31 =	smul.u32 $0x2800, s12;
	_ =	strace $0x80000047  }
0xa: {  	s10 =	ssub.s32 $0x2, s9;
	[dreg:$0x4] =	wrdreg s11;
	p0 =	seq.s32 s9, $0x1  }
0xb: {  	s9 =	simm.s32 $0x3;
	s11 =	simm.s32 $0x4;
	s8 =	sadd.s32 s6, s1  }
0xc: {  	s7 =	sshrl.u32 s7, $0x2;
	s1 =	sadd.s32 $0x898800, s1;
	[dreg:$0xe] =	wrdreg s31  }
0xd: {  	s19 =	sshrl.u32 s10, $0x1;
	s16 =	sadd.s32 s7, s2;
	[dreg:$0x6] =	wrdreg s1  }
0xe: {  	s20 =	ssub.s32 s10, s19;
	s7 =	sadd.s32 $0x2800, s16;
	[dreg:$0x5] =	wrdreg s16  }
0xf: {  	s18 =	sadd.s32 $0x83E800, s8;
	s21 =	sadd.s32 $0x5000, s16;
	[dreg:$0x7] =	wrdreg s7  }
0x10: {  	s19 =	sadd.s32 s6, s0;
	s22 =	sadd.s32 $0x7800, s16;
	[dreg:$0x8] =	wrdreg s21  }
0x11: {  	s0 =	simm.s32 $0x4000;
	s23 =	sadd.s32 $0xA000, s16;
	[dreg:$0x9] =	wrdreg s22  }
0x12: {  	s6 =	simm.s32 $0x1;
	s24 =	sadd.s32 $0xC800, s16;
	[dreg:$0xa] =	wrdreg s23  }
0x13: {  	s8 =	simm.s32 $0x2;
	s25 =	sadd.s32 $0xF000, s16;
	[dreg:$0xb] =	wrdreg s24  }
.Ltmp0:
0x14: {  	s26 =	sadd.s32 $0x11800, s16;
	[dreg:$0xc] =	wrdreg s25;
	(pc) =	sbr.rel .LBB2_1-.Ltmp0, $4  }
0x15: {  	s1 =	smax.u32 s20, $0x1;
	s20 =	simm.s32 $0x2000;
	[dreg:$0xd] =	wrdreg s26  }
0x16: {  	[dreg:$0xf] =	wrdreg s1;
	s21 =	simm.s32 $0xB;
	s22 =	simm.s32 $0x1000  }
0x17: {  	s23 =	simm.s32 $0x10;
	s26 =	simm.s32 $0x80;
	s25 =	simm.s32 $0x2800  }
0x18: {  	v0 =	vimm.f32 $0.0e+00;
	s24 =	simm.s32 $0x8;
	s1 =	simm.s32 $0xA;
	s7 =	simm.s32 $0x0  }
.LBB2_6:
0x19: {  	s7 =	sadd.s32 s12, s19;
	[sflag:s1] =	ssyncadd.s32 $0xFFFFF800  }
0x1a: {  	[tilespmem:s3], [sflag:$0xB] =	stream.linear.gather [hbm4b:s7+s3], $0xC80, $0x38;
	[tilespmem:$0x18800] =	vst v63  }
0x1b: {  	_ =	swait.ge [sflag:s21], $0xC80  }
0x1c: {  	[sflag:s21] =	ssyncset.done $0x0  }
0x1d: {  	s16 =	sadd.s32 s12, s18;
	[sflag:s21] =	ssyncadd.s32 $0xFFFFF380  }
0x1e: {  	[tilespmem:s22], [sflag:$0xB] =	stream.linear.gather [hbm4b:s16+s3], $0xC80, $0x38;
	[tilespmem:$0x18800] =	vst v63  }
0x1f: {  	_ =	swait.ge [sflag:s21], $0xC80  }
0x20: {  	[sflag:s21] =	ssyncset.done $0x0  }
0x21: {  	[sflag:s21] =	ssyncadd.s32 $0xFFFFF380  }
0x22: {  	[tilespmem:s20], [sflag:$0x1] =	stream.indirect.gather [hbm4b:s4+s23], $0x80, s3, s23, $0xb8;
	[tilespmem:$0x18800] =	vst v63  }
0x23: {  	_ = 	snop  }
0x24: {  	[tilespmem:s25], [sflag:$0x2] =	stream.indirect.gather [hbm4b:s4+s23], $0x80, s26, s23, $0xb8;
	[tilespmem:$0x18800] =	vst v63  }
0x25: {  	_ = 	snop  }
0x26: {  	[tilespmem:s28], [sflag:$0x3] =	stream.indirect.gather [hbm4b:s4+s23], $0x80, s31, s23, $0xb8;
	[tilespmem:$0x18800] =	vst v63  }
0x27: {  	_ = 	snop  }
0x28: {  	[tilespmem:s30], [sflag:$0x4] =	stream.indirect.gather [hbm4b:s4+s23], $0x80, s10, s23, $0xb8;
	[tilespmem:$0x18800] =	vst v63  }
0x29: {  	s10 =	simm.s32 $0x200  }
0x2a: {  	[tilespmem:s0], [sflag:$0x5] =	stream.indirect.gather [hbm4b:s4+s23], $0x80, s10, s23, $0xb8;
	[tilespmem:$0x18800] =	vst v63  }
0x2b: {  	_ =	swait.ge [sflag:s6], $0x800  }
0x2c: {  	[sflag:s6] =	ssyncset.done $0x0  }
0x2d: {  	[sflag:s6] =	ssyncadd.s32 $0xFFFFF800  }
0x2e: {  	[spmem:s2] =	stream.indirect.scatter.add.f32 [tilespmem:s20], [sflag:$0x6], $0x80, s22, s23, $0xb8;
	[tilespmem:$0x18800] =	vst v63  }
0x2f: {  	_ =	swait.ge [sflag:s8], $0x800  }
0x30: {  	[sflag:s8] =	ssyncset.done $0x0  }
0x31: {  	s12 =	simm.s32 $0x1080;
	[sflag:s8] =	ssyncadd.s32 $0xFFFFF800  }
0x32: {  	[spmem:s2] =	stream.indirect.scatter.add.f32 [tilespmem:s25], [sflag:$0x7], $0x80, s12, s23, $0xb8;
	[tilespmem:$0x18800] =	vst v63  }
0x33: {  	_ =	swait.ge [sflag:s9], $0x800  }
0x34: {  	[sflag:s9] =	ssyncset.done $0x0  }
0x35: {  	s14 =	simm.s32 $0x1100;
	[sflag:s9] =	ssyncadd.s32 $0xFFFFF800  }
0x36: {  	[spmem:s2] =	stream.indirect.scatter.add.f32 [tilespmem:s28], [sflag:$0x8], $0x80, s14, s23, $0xb8;
	[tilespmem:$0x18800] =	vst v63  }
0x37: {  	_ =	swait.ge [sflag:s11], $0x800  }
0x38: {  	[sflag:s11] =	ssyncset.done $0x0  }
0x39: {  	s16 =	simm.s32 $0x1180;
	[sflag:s11] =	ssyncadd.s32 $0xFFFFF800  }
0x3a: {  	[spmem:s2] =	stream.indirect.scatter.add.f32 [tilespmem:s30], [sflag:$0x9], $0x80, s16, s23, $0xb8;
	[tilespmem:$0x18800] =	vst v63  }
0x3b: {  	_ =	swait.ge [sflag:s13], $0x800  }
0x3c: {  	[sflag:s13] =	ssyncset.done $0x0  }
0x3d: {  	s31 =	simm.s32 $0x1200;
	[sflag:s13] =	ssyncadd.s32 $0xFFFFF800  }
0x3e: {  	[spmem:s2] =	stream.indirect.scatter.add.f32 [tilespmem:s0], [sflag:$0xA], $0x80, s31, s23, $0xb8;
	[tilespmem:$0x18800] =	vst v63  }
0x3f: {  	_ =	swait.ge [sflag:s15], $0x800  }
0x40: {  	[sflag:s15] =	ssyncset.done $0x0  }
0x41: {  	s10 =	simm.s32 $0x280;
	[sflag:s15] =	ssyncadd.s32 $0xFFFFF800  }
0x42: {  	[tilespmem:s20], [sflag:$0x1] =	stream.indirect.gather [hbm4b:s4+s23], $0x80, s10, s23, $0xb8;
	[tilespmem:$0x18800] =	vst v63  }
0x43: {  	_ =	swait.ge [sflag:s17], $0x800  }
0x44: {  	[sflag:s17] =	ssyncset.done $0x0  }
0x45: {  	s12 =	simm.s32 $0x300;
	[sflag:s17] =	ssyncadd.s32 $0xFFFFF800  }
0x46: {  	[tilespmem:s25], [sflag:$0x2] =	stream.indirect.gather [hbm4b:s4+s23], $0x80, s12, s23, $0xb8;
	[tilespmem:$0x18800] =	vst v63  }
0x47: {  	_ =	swait.ge [sflag:s24], $0x800  }
0x48: {  	[sflag:s24] =	ssyncset.done $0x0  }
0x49: {  	s14 =	simm.s32 $0x380;
	[sflag:s24] =	ssyncadd.s32 $0xFFFFF800  }
0x4a: {  	[tilespmem:s28], [sflag:$0x3] =	stream.indirect.gather [hbm4b:s4+s23], $0x80, s14, s23, $0xb8;
	[tilespmem:$0x18800] =	vst v63  }
0x4b: {  	_ =	swait.ge [sflag:s29], $0x800  }
0x4c: {  	[sflag:s29] =	ssyncset.done $0x0  }
0x4d: {  	s16 =	simm.s32 $0x400;
	[sflag:s29] =	ssyncadd.s32 $0xFFFFF800  }
0x4e: {  	[tilespmem:s30], [sflag:$0x4] =	stream.indirect.gather [hbm4b:s4+s23], $0x80, s16, s23, $0xb8;
	[tilespmem:$0x18800] =	vst v63  }
0x4f: {  	_ =	swait.ge [sflag:s1], $0x800  }
0x50: {  	[sflag:s1] =	ssyncset.done $0x0  }
0x51: {  	s31 =	simm.s32 $0x480;
	[sflag:s1] =	ssyncadd.s32 $0xFFFFF800  }
0x52: {  	[tilespmem:s0], [sflag:$0x5] =	stream.indirect.gather [hbm4b:s4+s23], $0x80, s31, s23, $0xb8;
	[tilespmem:$0x18800] =	vst v63  }
0x53: {  	_ =	swait.ge [sflag:s6], $0x800  }
0x54: {  	[sflag:s6] =	ssyncset.done $0x0  }
0x55: {  	s10 =	simm.s32 $0x1280;
	[sflag:s6] =	ssyncadd.s32 $0xFFFFF800  }
0x56: {  	[spmem:s2] =	stream.indirect.scatter.add.f32 [tilespmem:s20], [sflag:$0x6], $0x80, s10, s23, $0xb8;
	[tilespmem:$0x18800] =	vst v63  }
0x57: {  	_ =	swait.ge [sflag:s8], $0x800  }
0x58: {  	[sflag:s8] =	ssyncset.done $0x0  }
0x59: {  	s12 =	simm.s32 $0x1300;
	[sflag:s8] =	ssyncadd.s32 $0xFFFFF800  }
0x5a: {  	[spmem:s2] =	stream.indirect.scatter.add.f32 [tilespmem:s25], [sflag:$0x7], $0x80, s12, s23, $0xb8;
	[tilespmem:$0x18800] =	vst v63  }
0x5b: {  	_ =	swait.ge [sflag:s9], $0x800  }
0x5c: {  	[sflag:s9] =	ssyncset.done $0x0  }
0x5d: {  	s14 =	simm.s32 $0x1380;
	[sflag:s9] =	ssyncadd.s32 $0xFFFFF800  }
0x5e: {  	[spmem:s2] =	stream.indirect.scatter.add.f32 [tilespmem:s28], [sflag:$0x8], $0x80, s14, s23, $0xb8;
	[tilespmem:$0x18800] =	vst v63  }
0x5f: {  	_ =	swait.ge [sflag:s11], $0x800  }
0x60: {  	[sflag:s11] =	ssyncset.done $0x0  }
0x61: {  	s16 =	simm.s32 $0x1400;
	[sflag:s11] =	ssyncadd.s32 $0xFFFFF800  }
0x62: {  	[spmem:s2] =	stream.indirect.scatter.add.f32 [tilespmem:s30], [sflag:$0x9], $0x80, s16, s23, $0xb8;
	[tilespmem:$0x18800] =	vst v63  }
0x63: {  	_ =	swait.ge [sflag:s13], $0x800  }
0x64: {  	[sflag:s13] =	ssyncset.done $0x0  }
0x65: {  	s31 =	simm.s32 $0x1480;
	[sflag:s13] =	ssyncadd.s32 $0xFFFFF800  }
0x66: {  	[spmem:s2] =	stream.indirect.scatter.add.f32 [tilespmem:s0], [sflag:$0xA], $0x80, s31, s23, $0xb8;
	[tilespmem:$0x18800] =	vst v63  }
0x67: {  	_ =	swait.ge [sflag:s15], $0x800  }
0x68: {  	[sflag:s15] =	ssyncset.done $0x0  }
0x69: {  	s10 =	simm.s32 $0x500;
	[sflag:s15] =	ssyncadd.s32 $0xFFFFF800  }
0x6a: {  	[tilespmem:s20], [sflag:$0x1] =	stream.indirect.gather [hbm4b:s4+s23], $0x80, s10, s23, $0xb8;
	[tilespmem:$0x18800] =	vst v63  }
0x6b: {  	_ =	swait.ge [sflag:s17], $0x800  }
0x6c: {  	[sflag:s17] =	ssyncset.done $0x0  }
0x6d: {  	s12 =	simm.s32 $0x580;
	[sflag:s17] =	ssyncadd.s32 $0xFFFFF800  }
0x6e: {  	[tilespmem:s25], [sflag:$0x2] =	stream.indirect.gather [hbm4b:s4+s23], $0x80, s12, s23, $0xb8;
	[tilespmem:$0x18800] =	vst v63  }
0x6f: {  	_ =	swait.ge [sflag:s24], $0x800  }
0x70: {  	[sflag:s24] =	ssyncset.done $0x0  }
0x71: {  	s14 =	simm.s32 $0x600;
	[sflag:s24] =	ssyncadd.s32 $0xFFFFF800  }
0x72: {  	[tilespmem:s28], [sflag:$0x3] =	stream.indirect.gather [hbm4b:s4+s23], $0x80, s14, s23, $0xb8;
	[tilespmem:$0x18800] =	vst v63  }
0x73: {  	_ =	swait.ge [sflag:s29], $0x800  }
0x74: {  	[sflag:s29] =	ssyncset.done $0x0  }
0x75: {  	s16 =	simm.s32 $0x680;
	[sflag:s29] =	ssyncadd.s32 $0xFFFFF800  }
0x76: {  	[tilespmem:s30], [sflag:$0x4] =	stream.indirect.gather [hbm4b:s4+s23], $0x80, s16, s23, $0xb8;
	[tilespmem:$0x18800] =	vst v63  }
0x77: {  	_ =	swait.ge [sflag:s1], $0x800  }
0x78: {  	[sflag:s1] =	ssyncset.done $0x0  }
0x79: {  	s31 =	simm.s32 $0x700;
	[sflag:s1] =	ssyncadd.s32 $0xFFFFF800  }
0x7a: {  	[tilespmem:s0], [sflag:$0x5] =	stream.indirect.gather [hbm4b:s4+s23], $0x80, s31, s23, $0xb8;
	[tilespmem:$0x18800] =	vst v63  }
0x7b: {  	_ =	swait.ge [sflag:s6], $0x800  }
0x7c: {  	[sflag:s6] =	ssyncset.done $0x0  }
0x7d: {  	s10 =	simm.s32 $0x1500;
	[sflag:s6] =	ssyncadd.s32 $0xFFFFF800  }
0x7e: {  	[spmem:s2] =	stream.indirect.scatter.add.f32 [tilespmem:s20], [sflag:$0x6], $0x80, s10, s23, $0xb8;
	[tilespmem:$0x18800] =	vst v63  }
0x7f: {  	_ =	swait.ge [sflag:s8], $0x800  }
0x80: {  	[sflag:s8] =	ssyncset.done $0x0  }
0x81: {  	s12 =	simm.s32 $0x1580;
	[sflag:s8] =	ssyncadd.s32 $0xFFFFF800  }
0x82: {  	[spmem:s2] =	stream.indirect.scatter.add.f32 [tilespmem:s25], [sflag:$0x7], $0x80, s12, s23, $0xb8;
	[tilespmem:$0x18800] =	vst v63  }
0x83: {  	_ =	swait.ge [sflag:s9], $0x800  }
0x84: {  	[sflag:s9] =	ssyncset.done $0x0  }
0x85: {  	s14 =	simm.s32 $0x1600;
	[sflag:s9] =	ssyncadd.s32 $0xFFFFF800  }
0x86: {  	[spmem:s2] =	stream.indirect.scatter.add.f32 [tilespmem:s28], [sflag:$0x8], $0x80, s14, s23, $0xb8;
	[tilespmem:$0x18800] =	vst v63  }
0x87: {  	_ =	swait.ge [sflag:s11], $0x800  }
0x88: {  	[sflag:s11] =	ssyncset.done $0x0  }
0x89: {  	s16 =	simm.s32 $0x1680;
	[sflag:s11] =	ssyncadd.s32 $0xFFFFF800  }
0x8a: {  	[spmem:s2] =	stream.indirect.scatter.add.f32 [tilespmem:s30], [sflag:$0x9], $0x80, s16, s23, $0xb8;
	[tilespmem:$0x18800] =	vst v63  }
0x8b: {  	_ =	swait.ge [sflag:s13], $0x800  }
0x8c: {  	[sflag:s13] =	ssyncset.done $0x0  }
0x8d: {  	s31 =	simm.s32 $0x1700;
	[sflag:s13] =	ssyncadd.s32 $0xFFFFF800  }
0x8e: {  	[spmem:s2] =	stream.indirect.scatter.add.f32 [tilespmem:s0], [sflag:$0xA], $0x80, s31, s23, $0xb8;
	[tilespmem:$0x18800] =	vst v63  }
0x8f: {  	_ =	swait.ge [sflag:s15], $0x800  }
0x90: {  	[sflag:s15] =	ssyncset.done $0x0  }
0x91: {  	s10 =	simm.s32 $0x780;
	[sflag:s15] =	ssyncadd.s32 $0xFFFFF800  }
0x92: {  	[tilespmem:s20], [sflag:$0x1] =	stream.indirect.gather [hbm4b:s4+s23], $0x80, s10, s23, $0xb8;
	[tilespmem:$0x18800] =	vst v63  }
0x93: {  	_ =	swait.ge [sflag:s17], $0x800  }
0x94: {  	[sflag:s17] =	ssyncset.done $0x0  }
0x95: {  	s12 =	simm.s32 $0x800;
	[sflag:s17] =	ssyncadd.s32 $0xFFFFF800  }
0x96: {  	[tilespmem:s25], [sflag:$0x2] =	stream.indirect.gather [hbm4b:s4+s23], $0x80, s12, s23, $0xb8;
	[tilespmem:$0x18800] =	vst v63  }
0x97: {  	_ =	swait.ge [sflag:s24], $0x800  }
0x98: {  	[sflag:s24] =	ssyncset.done $0x0  }
0x99: {  	s14 =	simm.s32 $0x880;
	[sflag:s24] =	ssyncadd.s32 $0xFFFFF800  }
0x9a: {  	[tilespmem:s28], [sflag:$0x3] =	stream.indirect.gather [hbm4b:s4+s23], $0x80, s14, s23, $0xb8;
	[tilespmem:$0x18800] =	vst v63  }
0x9b: {  	_ =	swait.ge [sflag:s29], $0x800  }
0x9c: {  	[sflag:s29] =	ssyncset.done $0x0  }
0x9d: {  	s16 =	simm.s32 $0x900;
	[sflag:s29] =	ssyncadd.s32 $0xFFFFF800  }
0x9e: {  	[tilespmem:s30], [sflag:$0x4] =	stream.indirect.gather [hbm4b:s4+s23], $0x80, s16, s23, $0xb8;
	[tilespmem:$0x18800] =	vst v63  }
0x9f: {  	_ =	swait.ge [sflag:s1], $0x800  }
0xa0: {  	[sflag:s1] =	ssyncset.done $0x0  }
0xa1: {  	s31 =	simm.s32 $0x980;
	[sflag:s1] =	ssyncadd.s32 $0xFFFFF800  }
0xa2: {  	[tilespmem:s0], [sflag:$0x5] =	stream.indirect.gather [hbm4b:s4+s23], $0x80, s31, s23, $0xb8;
	[tilespmem:$0x18800] =	vst v63  }
0xa3: {  	_ =	swait.ge [sflag:s6], $0x800  }
0xa4: {  	[sflag:s6] =	ssyncset.done $0x0  }
0xa5: {  	s10 =	simm.s32 $0x1780;
	[sflag:s6] =	ssyncadd.s32 $0xFFFFF800  }
0xa6: {  	[spmem:s2] =	stream.indirect.scatter.add.f32 [tilespmem:s20], [sflag:$0x6], $0x80, s10, s23, $0xb8;
	[tilespmem:$0x18800] =	vst v63  }
0xa7: {  	_ =	swait.ge [sflag:s8], $0x800  }
0xa8: {  	[sflag:s8] =	ssyncset.done $0x0  }
0xa9: {  	s12 =	simm.s32 $0x1800;
	[sflag:s8] =	ssyncadd.s32 $0xFFFFF800  }
0xaa: {  	[spmem:s2] =	stream.indirect.scatter.add.f32 [tilespmem:s25], [sflag:$0x7], $0x80, s12, s23, $0xb8;
	[tilespmem:$0x18800] =	vst v63  }
0xab: {  	_ =	swait.ge [sflag:s9], $0x800  }
0xac: {  	[sflag:s9] =	ssyncset.done $0x0  }
0xad: {  	s14 =	simm.s32 $0x1880;
	[sflag:s9] =	ssyncadd.s32 $0xFFFFF800  }
0xae: {  	[spmem:s2] =	stream.indirect.scatter.add.f32 [tilespmem:s28], [sflag:$0x8], $0x80, s14, s23, $0xb8;
	[tilespmem:$0x18800] =	vst v63  }
0xaf: {  	_ =	swait.ge [sflag:s11], $0x800  }
0xb0: {  	[sflag:s11] =	ssyncset.done $0x0  }
0xb1: {  	s16 =	simm.s32 $0x1900;
	[sflag:s11] =	ssyncadd.s32 $0xFFFFF800  }
0xb2: {  	[spmem:s2] =	stream.indirect.scatter.add.f32 [tilespmem:s30], [sflag:$0x9], $0x80, s16, s23, $0xb8;
	[tilespmem:$0x18800] =	vst v63  }
0xb3: {  	_ =	swait.ge [sflag:s13], $0x800  }
0xb4: {  	[sflag:s13] =	ssyncset.done $0x0  }
0xb5: {  	s31 =	simm.s32 $0x1980;
	[sflag:s13] =	ssyncadd.s32 $0xFFFFF800  }
0xb6: {  	[spmem:s2] =	stream.indirect.scatter.add.f32 [tilespmem:s0], [sflag:$0xA], $0x80, s31, s23, $0xb8;
	[tilespmem:$0x18800] =	vst v63  }
0xb7: {  	_ =	swait.ge [sflag:s15], $0x800  }
0xb8: {  	[sflag:s15] =	ssyncset.done $0x0  }
0xb9: {  	s10 =	simm.s32 $0xA00;
	[sflag:s15] =	ssyncadd.s32 $0xFFFFF800  }
0xba: {  	[tilespmem:s20], [sflag:$0x1] =	stream.indirect.gather [hbm4b:s4+s23], $0x80, s10, s23, $0xb8;
	[tilespmem:$0x18800] =	vst v63  }
0xbb: {  	_ =	swait.ge [sflag:s17], $0x800  }
0xbc: {  	[sflag:s17] =	ssyncset.done $0x0  }
0xbd: {  	s12 =	simm.s32 $0xA80;
	[sflag:s17] =	ssyncadd.s32 $0xFFFFF800  }
0xbe: {  	[tilespmem:s25], [sflag:$0x2] =	stream.indirect.gather [hbm4b:s4+s23], $0x80, s12, s23, $0xb8;
	[tilespmem:$0x18800] =	vst v63  }
0xbf: {  	_ =	swait.ge [sflag:s24], $0x800  }
0xc0: {  	[sflag:s24] =	ssyncset.done $0x0  }
0xc1: {  	s14 =	simm.s32 $0xB00;
	[sflag:s24] =	ssyncadd.s32 $0xFFFFF800  }
0xc2: {  	[tilespmem:s28], [sflag:$0x3] =	stream.indirect.gather [hbm4b:s4+s23], $0x80, s14, s23, $0xb8;
	[tilespmem:$0x18800] =	vst v63  }
0xc3: {  	_ =	swait.ge [sflag:s29], $0x800  }
0xc4: {  	[sflag:s29] =	ssyncset.done $0x0  }
0xc5: {  	s16 =	simm.s32 $0xB80;
	[sflag:s29] =	ssyncadd.s32 $0xFFFFF800  }
0xc6: {  	[tilespmem:s30], [sflag:$0x4] =	stream.indirect.gather [hbm4b:s4+s23], $0x80, s16, s23, $0xb8;
	[tilespmem:$0x18800] =	vst v63  }
0xc7: {  	_ =	swait.ge [sflag:s1], $0x800  }
0xc8: {  	[sflag:s1] =	ssyncset.done $0x0  }
0xc9: {  	s31 =	simm.s32 $0xC00;
	[sflag:s1] =	ssyncadd.s32 $0xFFFFF800  }
0xca: {  	[tilespmem:s0], [sflag:$0x5] =	stream.indirect.gather [hbm4b:s4+s23], $0x80, s31, s23, $0xb8;
	[tilespmem:$0x18800] =	vst v63  }
0xcb: {  	_ =	swait.ge [sflag:s6], $0x800  }
0xcc: {  	[sflag:s6] =	ssyncset.done $0x0  }
0xcd: {  	s10 =	simm.s32 $0x1A00;
	[sflag:s6] =	ssyncadd.s32 $0xFFFFF800  }
0xce: {  	[spmem:s2] =	stream.indirect.scatter.add.f32 [tilespmem:s20], [sflag:$0x6], $0x80, s10, s23, $0xb8;
	[tilespmem:$0x18800] =	vst v63  }
0xcf: {  	_ =	swait.ge [sflag:s8], $0x800  }
0xd0: {  	[sflag:s8] =	ssyncset.done $0x0  }
0xd1: {  	s12 =	simm.s32 $0x1A80;
	[sflag:s8] =	ssyncadd.s32 $0xFFFFF800  }
0xd2: {  	[spmem:s2] =	stream.indirect.scatter.add.f32 [tilespmem:s25], [sflag:$0x7], $0x80, s12, s23, $0xb8;
	[tilespmem:$0x18800] =	vst v63  }
0xd3: {  	_ =	swait.ge [sflag:s9], $0x800  }
0xd4: {  	[sflag:s9] =	ssyncset.done $0x0  }
0xd5: {  	s14 =	simm.s32 $0x1B00;
	[sflag:s9] =	ssyncadd.s32 $0xFFFFF800  }
0xd6: {  	[spmem:s2] =	stream.indirect.scatter.add.f32 [tilespmem:s28], [sflag:$0x8], $0x80, s14, s23, $0xb8;
	[tilespmem:$0x18800] =	vst v63  }
0xd7: {  	_ =	swait.ge [sflag:s11], $0x800  }
0xd8: {  	[sflag:s11] =	ssyncset.done $0x0  }
0xd9: {  	s16 =	simm.s32 $0x1B80;
	[sflag:s11] =	ssyncadd.s32 $0xFFFFF800  }
0xda: {  	[spmem:s2] =	stream.indirect.scatter.add.f32 [tilespmem:s30], [sflag:$0x9], $0x80, s16, s23, $0xb8;
	[tilespmem:$0x18800] =	vst v63  }
0xdb: {  	_ =	swait.ge [sflag:s13], $0x800  }
0xdc: {  	[sflag:s13] =	ssyncset.done $0x0  }
0xdd: {  	s31 =	simm.s32 $0x1C00;
	[sflag:s13] =	ssyncadd.s32 $0xFFFFF800  }
0xde: {  	[spmem:s2] =	stream.indirect.scatter.add.f32 [tilespmem:s0], [sflag:$0xA], $0x80, s31, s23, $0xb8;
	[tilespmem:$0x18800] =	vst v63  }
0xdf: {  	_ =	swait.ge [sflag:s15], $0x800  }
0xe0: {  	[sflag:s15] =	ssyncset.done $0x0  }
0xe1: {  	[sflag:s15] =	ssyncadd.s32 $0xFFFFF800  }
0xe2: {  	_ =	swait.ge [sflag:s17], $0x800  }
0xe3: {  	[sflag:s17] =	ssyncset.done $0x0  }
0xe4: {  	[sflag:s17] =	ssyncadd.s32 $0xFFFFF800  }
0xe5: {  	_ =	swait.ge [sflag:s24], $0x800  }
0xe6: {  	[sflag:s24] =	ssyncset.done $0x0  }
0xe7: {  	[sflag:s24] =	ssyncadd.s32 $0xFFFFF800  }
0xe8: {  	_ =	swait.ge [sflag:s29], $0x800  }
0xe9: {  	[sflag:s29] =	ssyncset.done $0x0  }
0xea: {  	[sflag:s29] =	ssyncadd.s32 $0xFFFFF800  }
0xeb: {  	_ =	swait.ge [sflag:s1], $0x800  }
0xec: {  	[sflag:s1] =	ssyncset.done $0x0;
	s12 =	rddreg [dreg:$0x4]  }
0xed: {  	s10 =	rddreg [dreg:$0x10];
	[sflag:s1] =	ssyncadd.s32 $0xFFFFF800  }
.LBB2_10:
0xee: {  	s7 =	rddreg [dreg:$0xe];
	s16 =	stileid.u32;
	[bflag:$0x0] =	sbarrier.arrive $0xFFFF  }
0xef: {  	s7 =	sadd.s32 s12, s7;
	s12 =	sshll.u32 s16, $0x6;
	s16 =	rddreg [dreg:$0x5]  }
0xf0: {  	s12 =	sor.u32 $0x1C0B, s12;
	s14 =	sshrl.u32 s16, $0x3  }
0xf1: {  	[hbm:s7], [sflag:s12] =	dma.local [spmem:s14], $0x2800  }
0xf2: {  	_ =	swait.ge [sflag:s21], $0x2800  }
0xf3: {  	s10 =	sadd.s32 $0x1, s10;
	s31 =	rddreg [dreg:$0xf]  }
0xf4: {  	p1 =	sne.s32 s10, s31  }
.Ltmp1:
0xf5: {  	_ = 	snop;
	(pc) =	sbr.rel @!p1 .LBB2_11-.Ltmp1, $3  }
0xf6: {  	_ =	sdelay $0x1  }
0xf7: {  	[sflag:s21] =	ssyncset.done $0x0  }
0xf8: {  	s7 =	smov.u32 s10;
	[sflag:s21] =	ssyncadd.s32 $0xFFFFD800  }
.LBB2_1:
0xf9: {  	s12 =	simm.s32 $0x0;
	s14 =	simm.s32 $0x200  }
.LBB2_2:
0xfa: {  	p1 =	sne.s32 s14, $0x9E00;
	[tilespmem:s12+$0x2070] =	vst v0  }
0xfb: {  	[tilespmem:s12+$0x2000] =	vst v0  }
0xfc: {  	[tilespmem:s12+$0x2010] =	vst v0  }
.Ltmp2:
0xfd: {  	[tilespmem:s12+$0x2020] =	vst v0;
	(pc) =	sbr.rel @p1 .LBB2_2-.Ltmp2, $4  }
0xfe: {  	[tilespmem:s12+$0x2030] =	vst v0  }
0xff: {  	[tilespmem:s12+$0x2040] =	vst v0  }
0x100: {  	[tilespmem:s12+$0x2050] =	vst v0  }
0x101: {  	[tilespmem:s12+$0x2060] =	vst v0;
	s12 =	sshra.s32 s14, $0x2;
	s14 =	sadd.s32 $0x200, s14  }
0x102: {  	[tilespmem:s12+$0x2070] =	vst v0  }
0x103: {  	[tilespmem:s12+$0x2000] =	vst v0  }
0x104: {  	[tilespmem:s12+$0x2010] =	vst v0  }
0x105: {  	[tilespmem:s12+$0x2020] =	vst v0  }
0x106: {  	[tilespmem:s12+$0x2030] =	vst v0  }
0x107: {  	[tilespmem:s12+$0x2040] =	vst v0  }
0x108: {  	[tilespmem:s12+$0x2050] =	vst v0  }
0x109: {  	[dreg:$0x10] =	wrdreg s7;
	[tilespmem:s12+$0x2060] =	vst v0  }
0x10a: {  	[spmem:s16] =	stream.linear.scatter [tilespmem:s20], [sflag:$0xB], $0x2800, $0x38;
	[tilespmem:$0x18800] =	vst v63  }
0x10b: {  	_ =	swait.ge [sflag:s21], $0x2800  }
0x10c: {  	[sflag:s21] =	ssyncset.done $0x0  }
0x10d: {  	s16 =	rddreg [dreg:$0x7];
	[sflag:s21] =	ssyncadd.s32 $0xFFFFD800  }
0x10e: {  	[spmem:s16] =	stream.linear.scatter [tilespmem:s20], [sflag:$0xB], $0x2800, $0x38;
	[tilespmem:$0x18800] =	vst v63  }
0x10f: {  	_ =	swait.ge [sflag:s21], $0x2800  }
0x110: {  	[sflag:s21] =	ssyncset.done $0x0  }
0x111: {  	s31 =	rddreg [dreg:$0x8];
	[sflag:s21] =	ssyncadd.s32 $0xFFFFD800  }
0x112: {  	[spmem:s31] =	stream.linear.scatter [tilespmem:s20], [sflag:$0xB], $0x2800, $0x38;
	[tilespmem:$0x18800] =	vst v63  }
0x113: {  	_ =	swait.ge [sflag:s21], $0x2800  }
0x114: {  	[sflag:s21] =	ssyncset.done $0x0  }
0x115: {  	s10 =	rddreg [dreg:$0x9];
	[sflag:s21] =	ssyncadd.s32 $0xFFFFD800  }
0x116: {  	[spmem:s10] =	stream.linear.scatter [tilespmem:s20], [sflag:$0xB], $0x2800, $0x38;
	[tilespmem:$0x18800] =	vst v63  }
0x117: {  	_ =	swait.ge [sflag:s21], $0x2800  }
0x118: {  	[sflag:s21] =	ssyncset.done $0x0  }
0x119: {  	s12 =	rddreg [dreg:$0xa];
	[sflag:s21] =	ssyncadd.s32 $0xFFFFD800  }
0x11a: {  	[spmem:s12] =	stream.linear.scatter [tilespmem:s20], [sflag:$0xB], $0x2800, $0x38;
	[tilespmem:$0x18800] =	vst v63  }
0x11b: {  	_ =	swait.ge [sflag:s21], $0x2800  }
0x11c: {  	[sflag:s21] =	ssyncset.done $0x0  }
0x11d: {  	s14 =	rddreg [dreg:$0xb];
	[sflag:s21] =	ssyncadd.s32 $0xFFFFD800  }
0x11e: {  	[spmem:s14] =	stream.linear.scatter [tilespmem:s20], [sflag:$0xB], $0x2800, $0x38;
	[tilespmem:$0x18800] =	vst v63  }
0x11f: {  	_ =	swait.ge [sflag:s21], $0x2800  }
0x120: {  	[sflag:s21] =	ssyncset.done $0x0  }
0x121: {  	s16 =	rddreg [dreg:$0xc];
	[sflag:s21] =	ssyncadd.s32 $0xFFFFD800  }
0x122: {  	[spmem:s16] =	stream.linear.scatter [tilespmem:s20], [sflag:$0xB], $0x2800, $0x38;
	[tilespmem:$0x18800] =	vst v63  }
0x123: {  	_ =	swait.ge [sflag:s21], $0x2800  }
0x124: {  	[sflag:s21] =	ssyncset.done $0x0  }
0x125: {  	s31 =	rddreg [dreg:$0xd];
	[sflag:s21] =	ssyncadd.s32 $0xFFFFD800  }
0x126: {  	[spmem:s31] =	stream.linear.scatter [tilespmem:s20], [sflag:$0xB], $0x2800, $0x38;
	[tilespmem:$0x18800] =	vst v63  }
.Ltmp3:
0x127: {  	_ =	swait.ge [sflag:s21], $0x2800;
	(pc) =	sbr.rel @!p0 .LBB2_4-.Ltmp3, $3  }
0x128: {  	[sflag:s21] =	ssyncset.done $0x0  }
0x129: {  	[sflag:s21] =	ssyncadd.s32 $0xFFFFD800  }
0x12a: {  	[bflag:$0x0] =	sbarrier.arrive $0xFFFF;
	_ =	sdelay $0x1  }
0x12b: {  	s7 =	sadd.s32 $0x0, s19  }
0x12c: {  	[tilespmem:s3], [sflag:$0xB] =	stream.linear.gather [hbm4b:s7+s3], $0xC80, $0x38;
	[tilespmem:$0x18800] =	vst v63  }
0x12d: {  	_ =	swait.ge [sflag:s21], $0xC80  }
0x12e: {  	[sflag:s21] =	ssyncset.done $0x0  }
0x12f: {  	s12 =	sadd.s32 $0x0, s18;
	[sflag:s21] =	ssyncadd.s32 $0xFFFFF380  }
0x130: {  	[tilespmem:s22], [sflag:$0xB] =	stream.linear.gather [hbm4b:s12+s3], $0xC80, $0x38;
	[tilespmem:$0x18800] =	vst v63  }
0x131: {  	_ =	swait.ge [sflag:s21], $0xC80  }
0x132: {  	[sflag:s21] =	ssyncset.done $0x0  }
0x133: {  	[sflag:s21] =	ssyncadd.s32 $0xFFFFF380  }
0x134: {  	[tilespmem:s20], [sflag:$0x1] =	stream.indirect.gather [hbm4b:s5+s23], $0x80, s3, s23, $0xb8;
	[tilespmem:$0x18800] =	vst v63  }
0x135: {  	_ = 	snop  }
0x136: {  	[tilespmem:s25], [sflag:$0x2] =	stream.indirect.gather [hbm4b:s5+s23], $0x80, s26, s23, $0xb8;
	[tilespmem:$0x18800] =	vst v63  }
0x137: {  	s14 =	simm.s32 $0x100  }
0x138: {  	[tilespmem:s28], [sflag:$0x3] =	stream.indirect.gather [hbm4b:s5+s23], $0x80, s14, s23, $0xb8;
	[tilespmem:$0x18800] =	vst v63  }
0x139: {  	s16 =	simm.s32 $0x180  }
0x13a: {  	[tilespmem:s30], [sflag:$0x4] =	stream.indirect.gather [hbm4b:s5+s23], $0x80, s16, s23, $0xb8;
	[tilespmem:$0x18800] =	vst v63  }
0x13b: {  	s26 =	simm.s32 $0x200  }
0x13c: {  	[tilespmem:s0], [sflag:$0x5] =	stream.indirect.gather [hbm4b:s5+s23], $0x80, s26, s23, $0xb8;
	[tilespmem:$0x18800] =	vst v63  }
0x13d: {  	_ =	swait.ge [sflag:s6], $0x800  }
0x13e: {  	[sflag:s6] =	ssyncset.done $0x0  }
0x13f: {  	[sflag:s6] =	ssyncadd.s32 $0xFFFFF800  }
0x140: {  	[spmem:s2] =	stream.indirect.scatter.add.f32 [tilespmem:s20], [sflag:$0x6], $0x80, s22, s23, $0xb8;
	[tilespmem:$0x18800] =	vst v63  }
0x141: {  	_ =	swait.ge [sflag:s8], $0x800  }
0x142: {  	[sflag:s8] =	ssyncset.done $0x0  }
0x143: {  	s12 =	simm.s32 $0x1080;
	[sflag:s8] =	ssyncadd.s32 $0xFFFFF800  }
0x144: {  	[spmem:s2] =	stream.indirect.scatter.add.f32 [tilespmem:s25], [sflag:$0x7], $0x80, s12, s23, $0xb8;
	[tilespmem:$0x18800] =	vst v63  }
0x145: {  	_ =	swait.ge [sflag:s9], $0x800  }
0x146: {  	[sflag:s9] =	ssyncset.done $0x0  }
0x147: {  	s14 =	simm.s32 $0x1100;
	[sflag:s9] =	ssyncadd.s32 $0xFFFFF800  }
0x148: {  	[spmem:s2] =	stream.indirect.scatter.add.f32 [tilespmem:s28], [sflag:$0x8], $0x80, s14, s23, $0xb8;
	[tilespmem:$0x18800] =	vst v63  }
0x149: {  	_ =	swait.ge [sflag:s11], $0x800  }
0x14a: {  	[sflag:s11] =	ssyncset.done $0x0  }
0x14b: {  	s16 =	simm.s32 $0x1180;
	[sflag:s11] =	ssyncadd.s32 $0xFFFFF800  }
0x14c: {  	[spmem:s2] =	stream.indirect.scatter.add.f32 [tilespmem:s30], [sflag:$0x9], $0x80, s16, s23, $0xb8;
	[tilespmem:$0x18800] =	vst v63  }
0x14d: {  	_ =	swait.ge [sflag:s13], $0x800  }
0x14e: {  	[sflag:s13] =	ssyncset.done $0x0  }
0x14f: {  	s26 =	simm.s32 $0x1200;
	[sflag:s13] =	ssyncadd.s32 $0xFFFFF800  }
0x150: {  	[spmem:s2] =	stream.indirect.scatter.add.f32 [tilespmem:s0], [sflag:$0xA], $0x80, s26, s23, $0xb8;
	[tilespmem:$0x18800] =	vst v63  }
0x151: {  	_ =	swait.ge [sflag:s15], $0x800  }
0x152: {  	[sflag:s15] =	ssyncset.done $0x0  }
0x153: {  	s12 =	simm.s32 $0x280;
	[sflag:s15] =	ssyncadd.s32 $0xFFFFF800  }
0x154: {  	[tilespmem:s20], [sflag:$0x1] =	stream.indirect.gather [hbm4b:s5+s23], $0x80, s12, s23, $0xb8;
	[tilespmem:$0x18800] =	vst v63  }
0x155: {  	_ =	swait.ge [sflag:s17], $0x800  }
0x156: {  	[sflag:s17] =	ssyncset.done $0x0  }
0x157: {  	s14 =	simm.s32 $0x300;
	[sflag:s17] =	ssyncadd.s32 $0xFFFFF800  }
0x158: {  	[tilespmem:s25], [sflag:$0x2] =	stream.indirect.gather [hbm4b:s5+s23], $0x80, s14, s23, $0xb8;
	[tilespmem:$0x18800] =	vst v63  }
0x159: {  	_ =	swait.ge [sflag:s24], $0x800  }
0x15a: {  	[sflag:s24] =	ssyncset.done $0x0  }
0x15b: {  	s16 =	simm.s32 $0x380;
	[sflag:s24] =	ssyncadd.s32 $0xFFFFF800  }
0x15c: {  	[tilespmem:s28], [sflag:$0x3] =	stream.indirect.gather [hbm4b:s5+s23], $0x80, s16, s23, $0xb8;
	[tilespmem:$0x18800] =	vst v63  }
0x15d: {  	_ =	swait.ge [sflag:s29], $0x800  }
0x15e: {  	[sflag:s29] =	ssyncset.done $0x0  }
0x15f: {  	s26 =	simm.s32 $0x400;
	[sflag:s29] =	ssyncadd.s32 $0xFFFFF800  }
0x160: {  	[tilespmem:s30], [sflag:$0x4] =	stream.indirect.gather [hbm4b:s5+s23], $0x80, s26, s23, $0xb8;
	[tilespmem:$0x18800] =	vst v63  }
0x161: {  	_ =	swait.ge [sflag:s1], $0x800  }
0x162: {  	[sflag:s1] =	ssyncset.done $0x0  }
0x163: {  	s12 =	simm.s32 $0x480;
	[sflag:s1] =	ssyncadd.s32 $0xFFFFF800  }
0x164: {  	[tilespmem:s0], [sflag:$0x5] =	stream.indirect.gather [hbm4b:s5+s23], $0x80, s12, s23, $0xb8;
	[tilespmem:$0x18800] =	vst v63  }
0x165: {  	_ =	swait.ge [sflag:s6], $0x800  }
0x166: {  	[sflag:s6] =	ssyncset.done $0x0  }
0x167: {  	s14 =	simm.s32 $0x1280;
	[sflag:s6] =	ssyncadd.s32 $0xFFFFF800  }
0x168: {  	[spmem:s2] =	stream.indirect.scatter.add.f32 [tilespmem:s20], [sflag:$0x6], $0x80, s14, s23, $0xb8;
	[tilespmem:$0x18800] =	vst v63  }
0x169: {  	_ =	swait.ge [sflag:s8], $0x800  }
0x16a: {  	[sflag:s8] =	ssyncset.done $0x0  }
0x16b: {  	s16 =	simm.s32 $0x1300;
	[sflag:s8] =	ssyncadd.s32 $0xFFFFF800  }
0x16c: {  	[spmem:s2] =	stream.indirect.scatter.add.f32 [tilespmem:s25], [sflag:$0x7], $0x80, s16, s23, $0xb8;
	[tilespmem:$0x18800] =	vst v63  }
0x16d: {  	_ =	swait.ge [sflag:s9], $0x800  }
0x16e: {  	[sflag:s9] =	ssyncset.done $0x0  }
0x16f: {  	s26 =	simm.s32 $0x1380;
	[sflag:s9] =	ssyncadd.s32 $0xFFFFF800  }
0x170: {  	[spmem:s2] =	stream.indirect.scatter.add.f32 [tilespmem:s28], [sflag:$0x8], $0x80, s26, s23, $0xb8;
	[tilespmem:$0x18800] =	vst v63  }
0x171: {  	_ =	swait.ge [sflag:s11], $0x800  }
0x172: {  	[sflag:s11] =	ssyncset.done $0x0  }
0x173: {  	s12 =	simm.s32 $0x1400;
	[sflag:s11] =	ssyncadd.s32 $0xFFFFF800  }
0x174: {  	[spmem:s2] =	stream.indirect.scatter.add.f32 [tilespmem:s30], [sflag:$0x9], $0x80, s12, s23, $0xb8;
	[tilespmem:$0x18800] =	vst v63  }
0x175: {  	_ =	swait.ge [sflag:s13], $0x800  }
0x176: {  	[sflag:s13] =	ssyncset.done $0x0  }
0x177: {  	s14 =	simm.s32 $0x1480;
	[sflag:s13] =	ssyncadd.s32 $0xFFFFF800  }
0x178: {  	[spmem:s2] =	stream.indirect.scatter.add.f32 [tilespmem:s0], [sflag:$0xA], $0x80, s14, s23, $0xb8;
	[tilespmem:$0x18800] =	vst v63  }
0x179: {  	_ =	swait.ge [sflag:s15], $0x800  }
0x17a: {  	[sflag:s15] =	ssyncset.done $0x0  }
0x17b: {  	s16 =	simm.s32 $0x500;
	[sflag:s15] =	ssyncadd.s32 $0xFFFFF800  }
0x17c: {  	[tilespmem:s20], [sflag:$0x1] =	stream.indirect.gather [hbm4b:s5+s23], $0x80, s16, s23, $0xb8;
	[tilespmem:$0x18800] =	vst v63  }
0x17d: {  	_ =	swait.ge [sflag:s17], $0x800  }
0x17e: {  	[sflag:s17] =	ssyncset.done $0x0  }
0x17f: {  	s26 =	simm.s32 $0x580;
	[sflag:s17] =	ssyncadd.s32 $0xFFFFF800  }
0x180: {  	[tilespmem:s25], [sflag:$0x2] =	stream.indirect.gather [hbm4b:s5+s23], $0x80, s26, s23, $0xb8;
	[tilespmem:$0x18800] =	vst v63  }
0x181: {  	_ =	swait.ge [sflag:s24], $0x800  }
0x182: {  	[sflag:s24] =	ssyncset.done $0x0  }
0x183: {  	s12 =	simm.s32 $0x600;
	[sflag:s24] =	ssyncadd.s32 $0xFFFFF800  }
0x184: {  	[tilespmem:s28], [sflag:$0x3] =	stream.indirect.gather [hbm4b:s5+s23], $0x80, s12, s23, $0xb8;
	[tilespmem:$0x18800] =	vst v63  }
0x185: {  	_ =	swait.ge [sflag:s29], $0x800  }
0x186: {  	[sflag:s29] =	ssyncset.done $0x0  }
0x187: {  	s14 =	simm.s32 $0x680;
	[sflag:s29] =	ssyncadd.s32 $0xFFFFF800  }
0x188: {  	[tilespmem:s30], [sflag:$0x4] =	stream.indirect.gather [hbm4b:s5+s23], $0x80, s14, s23, $0xb8;
	[tilespmem:$0x18800] =	vst v63  }
0x189: {  	_ =	swait.ge [sflag:s1], $0x800  }
0x18a: {  	[sflag:s1] =	ssyncset.done $0x0  }
0x18b: {  	s16 =	simm.s32 $0x700;
	[sflag:s1] =	ssyncadd.s32 $0xFFFFF800  }
0x18c: {  	[tilespmem:s0], [sflag:$0x5] =	stream.indirect.gather [hbm4b:s5+s23], $0x80, s16, s23, $0xb8;
	[tilespmem:$0x18800] =	vst v63  }
0x18d: {  	_ =	swait.ge [sflag:s6], $0x800  }
0x18e: {  	[sflag:s6] =	ssyncset.done $0x0  }
0x18f: {  	s26 =	simm.s32 $0x1500;
	[sflag:s6] =	ssyncadd.s32 $0xFFFFF800  }
0x190: {  	[spmem:s2] =	stream.indirect.scatter.add.f32 [tilespmem:s20], [sflag:$0x6], $0x80, s26, s23, $0xb8;
	[tilespmem:$0x18800] =	vst v63  }
0x191: {  	_ =	swait.ge [sflag:s8], $0x800  }
0x192: {  	[sflag:s8] =	ssyncset.done $0x0  }
0x193: {  	s12 =	simm.s32 $0x1580;
	[sflag:s8] =	ssyncadd.s32 $0xFFFFF800  }
0x194: {  	[spmem:s2] =	stream.indirect.scatter.add.f32 [tilespmem:s25], [sflag:$0x7], $0x80, s12, s23, $0xb8;
	[tilespmem:$0x18800] =	vst v63  }
0x195: {  	_ =	swait.ge [sflag:s9], $0x800  }
0x196: {  	[sflag:s9] =	ssyncset.done $0x0  }
0x197: {  	s14 =	simm.s32 $0x1600;
	[sflag:s9] =	ssyncadd.s32 $0xFFFFF800  }
0x198: {  	[spmem:s2] =	stream.indirect.scatter.add.f32 [tilespmem:s28], [sflag:$0x8], $0x80, s14, s23, $0xb8;
	[tilespmem:$0x18800] =	vst v63  }
0x199: {  	_ =	swait.ge [sflag:s11], $0x800  }
0x19a: {  	[sflag:s11] =	ssyncset.done $0x0  }
0x19b: {  	s16 =	simm.s32 $0x1680;
	[sflag:s11] =	ssyncadd.s32 $0xFFFFF800  }
0x19c: {  	[spmem:s2] =	stream.indirect.scatter.add.f32 [tilespmem:s30], [sflag:$0x9], $0x80, s16, s23, $0xb8;
	[tilespmem:$0x18800] =	vst v63  }
0x19d: {  	_ =	swait.ge [sflag:s13], $0x800  }
0x19e: {  	[sflag:s13] =	ssyncset.done $0x0  }
0x19f: {  	s26 =	simm.s32 $0x1700;
	[sflag:s13] =	ssyncadd.s32 $0xFFFFF800  }
0x1a0: {  	[spmem:s2] =	stream.indirect.scatter.add.f32 [tilespmem:s0], [sflag:$0xA], $0x80, s26, s23, $0xb8;
	[tilespmem:$0x18800] =	vst v63  }
0x1a1: {  	_ =	swait.ge [sflag:s15], $0x800  }
0x1a2: {  	[sflag:s15] =	ssyncset.done $0x0  }
0x1a3: {  	s12 =	simm.s32 $0x780;
	[sflag:s15] =	ssyncadd.s32 $0xFFFFF800  }
0x1a4: {  	[tilespmem:s20], [sflag:$0x1] =	stream.indirect.gather [hbm4b:s5+s23], $0x80, s12, s23, $0xb8;
	[tilespmem:$0x18800] =	vst v63  }
0x1a5: {  	_ =	swait.ge [sflag:s17], $0x800  }
0x1a6: {  	[sflag:s17] =	ssyncset.done $0x0  }
0x1a7: {  	s14 =	simm.s32 $0x800;
	[sflag:s17] =	ssyncadd.s32 $0xFFFFF800  }
0x1a8: {  	[tilespmem:s25], [sflag:$0x2] =	stream.indirect.gather [hbm4b:s5+s23], $0x80, s14, s23, $0xb8;
	[tilespmem:$0x18800] =	vst v63  }
0x1a9: {  	_ =	swait.ge [sflag:s24], $0x800  }
0x1aa: {  	[sflag:s24] =	ssyncset.done $0x0  }
0x1ab: {  	s16 =	simm.s32 $0x880;
	[sflag:s24] =	ssyncadd.s32 $0xFFFFF800  }
0x1ac: {  	[tilespmem:s28], [sflag:$0x3] =	stream.indirect.gather [hbm4b:s5+s23], $0x80, s16, s23, $0xb8;
	[tilespmem:$0x18800] =	vst v63  }
0x1ad: {  	_ =	swait.ge [sflag:s29], $0x800  }
0x1ae: {  	[sflag:s29] =	ssyncset.done $0x0  }
0x1af: {  	s26 =	simm.s32 $0x900;
	[sflag:s29] =	ssyncadd.s32 $0xFFFFF800  }
0x1b0: {  	[tilespmem:s30], [sflag:$0x4] =	stream.indirect.gather [hbm4b:s5+s23], $0x80, s26, s23, $0xb8;
	[tilespmem:$0x18800] =	vst v63  }
0x1b1: {  	_ =	swait.ge [sflag:s1], $0x800  }
0x1b2: {  	[sflag:s1] =	ssyncset.done $0x0  }
0x1b3: {  	s12 =	simm.s32 $0x980;
	[sflag:s1] =	ssyncadd.s32 $0xFFFFF800  }
0x1b4: {  	[tilespmem:s0], [sflag:$0x5] =	stream.indirect.gather [hbm4b:s5+s23], $0x80, s12, s23, $0xb8;
	[tilespmem:$0x18800] =	vst v63  }
0x1b5: {  	_ =	swait.ge [sflag:s6], $0x800  }
0x1b6: {  	[sflag:s6] =	ssyncset.done $0x0  }
0x1b7: {  	s14 =	simm.s32 $0x1780;
	[sflag:s6] =	ssyncadd.s32 $0xFFFFF800  }
0x1b8: {  	[spmem:s2] =	stream.indirect.scatter.add.f32 [tilespmem:s20], [sflag:$0x6], $0x80, s14, s23, $0xb8;
	[tilespmem:$0x18800] =	vst v63  }
0x1b9: {  	_ =	swait.ge [sflag:s8], $0x800  }
0x1ba: {  	[sflag:s8] =	ssyncset.done $0x0  }
0x1bb: {  	s16 =	simm.s32 $0x1800;
	[sflag:s8] =	ssyncadd.s32 $0xFFFFF800  }
0x1bc: {  	[spmem:s2] =	stream.indirect.scatter.add.f32 [tilespmem:s25], [sflag:$0x7], $0x80, s16, s23, $0xb8;
	[tilespmem:$0x18800] =	vst v63  }
0x1bd: {  	_ =	swait.ge [sflag:s9], $0x800  }
0x1be: {  	[sflag:s9] =	ssyncset.done $0x0  }
0x1bf: {  	s26 =	simm.s32 $0x1880;
	[sflag:s9] =	ssyncadd.s32 $0xFFFFF800  }
0x1c0: {  	[spmem:s2] =	stream.indirect.scatter.add.f32 [tilespmem:s28], [sflag:$0x8], $0x80, s26, s23, $0xb8;
	[tilespmem:$0x18800] =	vst v63  }
0x1c1: {  	_ =	swait.ge [sflag:s11], $0x800  }
0x1c2: {  	[sflag:s11] =	ssyncset.done $0x0  }
0x1c3: {  	s12 =	simm.s32 $0x1900;
	[sflag:s11] =	ssyncadd.s32 $0xFFFFF800  }
0x1c4: {  	[spmem:s2] =	stream.indirect.scatter.add.f32 [tilespmem:s30], [sflag:$0x9], $0x80, s12, s23, $0xb8;
	[tilespmem:$0x18800] =	vst v63  }
0x1c5: {  	_ =	swait.ge [sflag:s13], $0x800  }
0x1c6: {  	[sflag:s13] =	ssyncset.done $0x0  }
0x1c7: {  	s14 =	simm.s32 $0x1980;
	[sflag:s13] =	ssyncadd.s32 $0xFFFFF800  }
0x1c8: {  	[spmem:s2] =	stream.indirect.scatter.add.f32 [tilespmem:s0], [sflag:$0xA], $0x80, s14, s23, $0xb8;
	[tilespmem:$0x18800] =	vst v63  }
0x1c9: {  	_ =	swait.ge [sflag:s15], $0x800  }
0x1ca: {  	[sflag:s15] =	ssyncset.done $0x0  }
0x1cb: {  	s16 =	simm.s32 $0xA00;
	[sflag:s15] =	ssyncadd.s32 $0xFFFFF800  }
0x1cc: {  	[tilespmem:s20], [sflag:$0x1] =	stream.indirect.gather [hbm4b:s5+s23], $0x80, s16, s23, $0xb8;
	[tilespmem:$0x18800] =	vst v63  }
0x1cd: {  	_ =	swait.ge [sflag:s17], $0x800  }
0x1ce: {  	[sflag:s17] =	ssyncset.done $0x0  }
0x1cf: {  	s26 =	simm.s32 $0xA80;
	[sflag:s17] =	ssyncadd.s32 $0xFFFFF800  }
0x1d0: {  	[tilespmem:s25], [sflag:$0x2] =	stream.indirect.gather [hbm4b:s5+s23], $0x80, s26, s23, $0xb8;
	[tilespmem:$0x18800] =	vst v63  }
0x1d1: {  	_ =	swait.ge [sflag:s24], $0x800  }
0x1d2: {  	[sflag:s24] =	ssyncset.done $0x0  }
0x1d3: {  	s12 =	simm.s32 $0xB00;
	[sflag:s24] =	ssyncadd.s32 $0xFFFFF800  }
0x1d4: {  	[tilespmem:s28], [sflag:$0x3] =	stream.indirect.gather [hbm4b:s5+s23], $0x80, s12, s23, $0xb8;
	[tilespmem:$0x18800] =	vst v63  }
0x1d5: {  	_ =	swait.ge [sflag:s29], $0x800  }
0x1d6: {  	[sflag:s29] =	ssyncset.done $0x0  }
0x1d7: {  	s14 =	simm.s32 $0xB80;
	[sflag:s29] =	ssyncadd.s32 $0xFFFFF800  }
0x1d8: {  	[tilespmem:s30], [sflag:$0x4] =	stream.indirect.gather [hbm4b:s5+s23], $0x80, s14, s23, $0xb8;
	[tilespmem:$0x18800] =	vst v63  }
0x1d9: {  	_ =	swait.ge [sflag:s1], $0x800  }
0x1da: {  	[sflag:s1] =	ssyncset.done $0x0  }
0x1db: {  	s16 =	simm.s32 $0xC00;
	[sflag:s1] =	ssyncadd.s32 $0xFFFFF800  }
0x1dc: {  	[tilespmem:s0], [sflag:$0x5] =	stream.indirect.gather [hbm4b:s5+s23], $0x80, s16, s23, $0xb8;
	[tilespmem:$0x18800] =	vst v63  }
0x1dd: {  	_ =	swait.ge [sflag:s6], $0x800  }
0x1de: {  	[sflag:s6] =	ssyncset.done $0x0  }
0x1df: {  	s26 =	simm.s32 $0x1A00;
	[sflag:s6] =	ssyncadd.s32 $0xFFFFF800  }
0x1e0: {  	[spmem:s2] =	stream.indirect.scatter.add.f32 [tilespmem:s20], [sflag:$0x6], $0x80, s26, s23, $0xb8;
	[tilespmem:$0x18800] =	vst v63  }
0x1e1: {  	_ =	swait.ge [sflag:s8], $0x800  }
0x1e2: {  	[sflag:s8] =	ssyncset.done $0x0  }
0x1e3: {  	s12 =	simm.s32 $0x1A80;
	[sflag:s8] =	ssyncadd.s32 $0xFFFFF800  }
0x1e4: {  	[spmem:s2] =	stream.indirect.scatter.add.f32 [tilespmem:s25], [sflag:$0x7], $0x80, s12, s23, $0xb8;
	[tilespmem:$0x18800] =	vst v63  }
0x1e5: {  	_ =	swait.ge [sflag:s9], $0x800  }
0x1e6: {  	[sflag:s9] =	ssyncset.done $0x0  }
0x1e7: {  	s14 =	simm.s32 $0x1B00;
	[sflag:s9] =	ssyncadd.s32 $0xFFFFF800  }
0x1e8: {  	[spmem:s2] =	stream.indirect.scatter.add.f32 [tilespmem:s28], [sflag:$0x8], $0x80, s14, s23, $0xb8;
	[tilespmem:$0x18800] =	vst v63  }
0x1e9: {  	_ =	swait.ge [sflag:s11], $0x800  }
0x1ea: {  	[sflag:s11] =	ssyncset.done $0x0  }
0x1eb: {  	s16 =	simm.s32 $0x1B80;
	[sflag:s11] =	ssyncadd.s32 $0xFFFFF800  }
0x1ec: {  	[spmem:s2] =	stream.indirect.scatter.add.f32 [tilespmem:s30], [sflag:$0x9], $0x80, s16, s23, $0xb8;
	[tilespmem:$0x18800] =	vst v63  }
0x1ed: {  	_ =	swait.ge [sflag:s13], $0x800  }
0x1ee: {  	[sflag:s13] =	ssyncset.done $0x0  }
0x1ef: {  	s26 =	simm.s32 $0x1C00;
	[sflag:s13] =	ssyncadd.s32 $0xFFFFF800  }
0x1f0: {  	[spmem:s2] =	stream.indirect.scatter.add.f32 [tilespmem:s0], [sflag:$0xA], $0x80, s26, s23, $0xb8;
	[tilespmem:$0x18800] =	vst v63  }
0x1f1: {  	_ =	swait.ge [sflag:s15], $0x800  }
0x1f2: {  	[sflag:s15] =	ssyncset.done $0x0  }
0x1f3: {  	[sflag:s15] =	ssyncadd.s32 $0xFFFFF800  }
0x1f4: {  	_ =	swait.ge [sflag:s17], $0x800  }
0x1f5: {  	[sflag:s17] =	ssyncset.done $0x0  }
0x1f6: {  	[sflag:s17] =	ssyncadd.s32 $0xFFFFF800  }
0x1f7: {  	_ =	swait.ge [sflag:s24], $0x800  }
0x1f8: {  	[sflag:s24] =	ssyncset.done $0x0  }
0x1f9: {  	[sflag:s24] =	ssyncadd.s32 $0xFFFFF800  }
0x1fa: {  	_ =	swait.ge [sflag:s29], $0x800  }
0x1fb: {  	[sflag:s29] =	ssyncset.done $0x0  }
0x1fc: {  	[sflag:s29] =	ssyncadd.s32 $0xFFFFF800  }
0x1fd: {  	s31 =	simm.s32 $0x100;
	s10 =	simm.s32 $0x200;
	_ =	swait.ge [sflag:s1], $0x800  }
0x1fe: {  	s12 =	simm.s32 $0x200;
	s16 =	simm.s32 $0x400;
	[sflag:s1] =	ssyncset.done $0x0  }
.LBB2_8:
0x1ff: {  	s7 =	sadd.s32 s12, s19  }
0x200: {  	[sflag:s1] =	ssyncadd.s32 $0xFFFFF800;
	s26 =	smov.u32 s16;
	s14 =	sadd.s32 $0x200, s16  }
0x201: {  	[tilespmem:s3], [sflag:$0xB] =	stream.linear.gather [hbm4b:s7+s3], $0xC80, $0x38;
	[tilespmem:$0x18800] =	vst v63  }
0x202: {  	p1 =	sne.s32 s16, $0x3000;
	_ =	swait.ge [sflag:s21], $0xC80  }
0x203: {  	s7 =	sadd.s32 s12, s18;
	[sflag:s21] =	ssyncset.done $0x0  }
0x204: {  	s12 =	smov.u32 s26;
	s26 =	simm.s32 $0x80;
	[sflag:s21] =	ssyncadd.s32 $0xFFFFF380  }
0x205: {  	[tilespmem:s22], [sflag:$0xB] =	stream.linear.gather [hbm4b:s7+s3], $0xC80, $0x38;
	[tilespmem:$0x18800] =	vst v63  }
0x206: {  	_ =	swait.ge [sflag:s21], $0xC80  }
0x207: {  	[sflag:s21] =	ssyncset.done $0x0  }
0x208: {  	[sflag:s21] =	ssyncadd.s32 $0xFFFFF380  }
0x209: {  	[tilespmem:s20], [sflag:$0x1] =	stream.indirect.gather [hbm4b:s5+s23], $0x80, s3, s23, $0xb8;
	[tilespmem:$0x18800] =	vst v63  }
0x20a: {  	_ = 	snop  }
0x20b: {  	[tilespmem:s25], [sflag:$0x2] =	stream.indirect.gather [hbm4b:s5+s23], $0x80, s26, s23, $0xb8;
	[tilespmem:$0x18800] =	vst v63  }
0x20c: {  	_ = 	snop  }
0x20d: {  	[tilespmem:s28], [sflag:$0x3] =	stream.indirect.gather [hbm4b:s5+s23], $0x80, s31, s23, $0xb8;
	[tilespmem:$0x18800] =	vst v63  }
0x20e: {  	s7 =	simm.s32 $0x180  }
0x20f: {  	[tilespmem:s30], [sflag:$0x4] =	stream.indirect.gather [hbm4b:s5+s23], $0x80, s7, s23, $0xb8;
	[tilespmem:$0x18800] =	vst v63  }
0x210: {  	_ = 	snop  }
0x211: {  	[tilespmem:s0], [sflag:$0x5] =	stream.indirect.gather [hbm4b:s5+s23], $0x80, s10, s23, $0xb8;
	[tilespmem:$0x18800] =	vst v63  }
0x212: {  	_ =	swait.ge [sflag:s6], $0x800  }
0x213: {  	[sflag:s6] =	ssyncset.done $0x0  }
0x214: {  	[sflag:s6] =	ssyncadd.s32 $0xFFFFF800  }
0x215: {  	[spmem:s2] =	stream.indirect.scatter.add.f32 [tilespmem:s20], [sflag:$0x6], $0x80, s22, s23, $0xb8;
	[tilespmem:$0x18800] =	vst v63  }
0x216: {  	_ =	swait.ge [sflag:s8], $0x800  }
0x217: {  	[sflag:s8] =	ssyncset.done $0x0  }
0x218: {  	s7 =	simm.s32 $0x1080;
	[sflag:s8] =	ssyncadd.s32 $0xFFFFF800  }
0x219: {  	[spmem:s2] =	stream.indirect.scatter.add.f32 [tilespmem:s25], [sflag:$0x7], $0x80, s7, s23, $0xb8;
	[tilespmem:$0x18800] =	vst v63  }
0x21a: {  	_ =	swait.ge [sflag:s9], $0x800  }
0x21b: {  	[sflag:s9] =	ssyncset.done $0x0  }
0x21c: {  	s7 =	simm.s32 $0x1100;
	[sflag:s9] =	ssyncadd.s32 $0xFFFFF800  }
0x21d: {  	[spmem:s2] =	stream.indirect.scatter.add.f32 [tilespmem:s28], [sflag:$0x8], $0x80, s7, s23, $0xb8;
	[tilespmem:$0x18800] =	vst v63  }
0x21e: {  	_ =	swait.ge [sflag:s11], $0x800  }
0x21f: {  	[sflag:s11] =	ssyncset.done $0x0  }
0x220: {  	s7 =	simm.s32 $0x1180;
	[sflag:s11] =	ssyncadd.s32 $0xFFFFF800  }
0x221: {  	[spmem:s2] =	stream.indirect.scatter.add.f32 [tilespmem:s30], [sflag:$0x9], $0x80, s7, s23, $0xb8;
	[tilespmem:$0x18800] =	vst v63  }
0x222: {  	_ =	swait.ge [sflag:s13], $0x800  }
0x223: {  	[sflag:s13] =	ssyncset.done $0x0  }
0x224: {  	s7 =	simm.s32 $0x1200;
	[sflag:s13] =	ssyncadd.s32 $0xFFFFF800  }
0x225: {  	[spmem:s2] =	stream.indirect.scatter.add.f32 [tilespmem:s0], [sflag:$0xA], $0x80, s7, s23, $0xb8;
	[tilespmem:$0x18800] =	vst v63  }
0x226: {  	_ =	swait.ge [sflag:s15], $0x800  }
0x227: {  	[sflag:s15] =	ssyncset.done $0x0  }
0x228: {  	s7 =	simm.s32 $0x280;
	[sflag:s15] =	ssyncadd.s32 $0xFFFFF800  }
0x229: {  	[tilespmem:s20], [sflag:$0x1] =	stream.indirect.gather [hbm4b:s5+s23], $0x80, s7, s23, $0xb8;
	[tilespmem:$0x18800] =	vst v63  }
0x22a: {  	_ =	swait.ge [sflag:s17], $0x800  }
0x22b: {  	[sflag:s17] =	ssyncset.done $0x0  }
0x22c: {  	s7 =	simm.s32 $0x300;
	[sflag:s17] =	ssyncadd.s32 $0xFFFFF800  }
0x22d: {  	[tilespmem:s25], [sflag:$0x2] =	stream.indirect.gather [hbm4b:s5+s23], $0x80, s7, s23, $0xb8;
	[tilespmem:$0x18800] =	vst v63  }
0x22e: {  	_ =	swait.ge [sflag:s24], $0x800  }
0x22f: {  	[sflag:s24] =	ssyncset.done $0x0  }
0x230: {  	s7 =	simm.s32 $0x380;
	[sflag:s24] =	ssyncadd.s32 $0xFFFFF800  }
0x231: {  	[tilespmem:s28], [sflag:$0x3] =	stream.indirect.gather [hbm4b:s5+s23], $0x80, s7, s23, $0xb8;
	[tilespmem:$0x18800] =	vst v63  }
0x232: {  	_ =	swait.ge [sflag:s29], $0x800  }
0x233: {  	[sflag:s29] =	ssyncset.done $0x0  }
0x234: {  	s7 =	simm.s32 $0x400;
	[sflag:s29] =	ssyncadd.s32 $0xFFFFF800  }
0x235: {  	[tilespmem:s30], [sflag:$0x4] =	stream.indirect.gather [hbm4b:s5+s23], $0x80, s7, s23, $0xb8;
	[tilespmem:$0x18800] =	vst v63  }
0x236: {  	_ =	swait.ge [sflag:s1], $0x800  }
0x237: {  	[sflag:s1] =	ssyncset.done $0x0  }
0x238: {  	s7 =	simm.s32 $0x480;
	[sflag:s1] =	ssyncadd.s32 $0xFFFFF800  }
0x239: {  	[tilespmem:s0], [sflag:$0x5] =	stream.indirect.gather [hbm4b:s5+s23], $0x80, s7, s23, $0xb8;
	[tilespmem:$0x18800] =	vst v63  }
0x23a: {  	_ =	swait.ge [sflag:s6], $0x800  }
0x23b: {  	[sflag:s6] =	ssyncset.done $0x0  }
0x23c: {  	s7 =	simm.s32 $0x1280;
	[sflag:s6] =	ssyncadd.s32 $0xFFFFF800  }
0x23d: {  	[spmem:s2] =	stream.indirect.scatter.add.f32 [tilespmem:s20], [sflag:$0x6], $0x80, s7, s23, $0xb8;
	[tilespmem:$0x18800] =	vst v63  }
0x23e: {  	_ =	swait.ge [sflag:s8], $0x800  }
0x23f: {  	[sflag:s8] =	ssyncset.done $0x0  }
0x240: {  	s7 =	simm.s32 $0x1300;
	[sflag:s8] =	ssyncadd.s32 $0xFFFFF800  }
0x241: {  	[spmem:s2] =	stream.indirect.scatter.add.f32 [tilespmem:s25], [sflag:$0x7], $0x80, s7, s23, $0xb8;
	[tilespmem:$0x18800] =	vst v63  }
0x242: {  	_ =	swait.ge [sflag:s9], $0x800  }
0x243: {  	[sflag:s9] =	ssyncset.done $0x0  }
0x244: {  	s7 =	simm.s32 $0x1380;
	[sflag:s9] =	ssyncadd.s32 $0xFFFFF800  }
0x245: {  	[spmem:s2] =	stream.indirect.scatter.add.f32 [tilespmem:s28], [sflag:$0x8], $0x80, s7, s23, $0xb8;
	[tilespmem:$0x18800] =	vst v63  }
0x246: {  	_ =	swait.ge [sflag:s11], $0x800  }
0x247: {  	[sflag:s11] =	ssyncset.done $0x0  }
0x248: {  	s7 =	simm.s32 $0x1400;
	[sflag:s11] =	ssyncadd.s32 $0xFFFFF800  }
0x249: {  	[spmem:s2] =	stream.indirect.scatter.add.f32 [tilespmem:s30], [sflag:$0x9], $0x80, s7, s23, $0xb8;
	[tilespmem:$0x18800] =	vst v63  }
0x24a: {  	_ =	swait.ge [sflag:s13], $0x800  }
0x24b: {  	[sflag:s13] =	ssyncset.done $0x0  }
0x24c: {  	s7 =	simm.s32 $0x1480;
	[sflag:s13] =	ssyncadd.s32 $0xFFFFF800  }
0x24d: {  	[spmem:s2] =	stream.indirect.scatter.add.f32 [tilespmem:s0], [sflag:$0xA], $0x80, s7, s23, $0xb8;
	[tilespmem:$0x18800] =	vst v63  }
0x24e: {  	_ =	swait.ge [sflag:s15], $0x800  }
0x24f: {  	[sflag:s15] =	ssyncset.done $0x0  }
0x250: {  	s7 =	simm.s32 $0x500;
	[sflag:s15] =	ssyncadd.s32 $0xFFFFF800  }
0x251: {  	[tilespmem:s20], [sflag:$0x1] =	stream.indirect.gather [hbm4b:s5+s23], $0x80, s7, s23, $0xb8;
	[tilespmem:$0x18800] =	vst v63  }
0x252: {  	_ =	swait.ge [sflag:s17], $0x800  }
0x253: {  	[sflag:s17] =	ssyncset.done $0x0  }
0x254: {  	s7 =	simm.s32 $0x580;
	[sflag:s17] =	ssyncadd.s32 $0xFFFFF800  }
0x255: {  	[tilespmem:s25], [sflag:$0x2] =	stream.indirect.gather [hbm4b:s5+s23], $0x80, s7, s23, $0xb8;
	[tilespmem:$0x18800] =	vst v63  }
0x256: {  	_ =	swait.ge [sflag:s24], $0x800  }
0x257: {  	[sflag:s24] =	ssyncset.done $0x0  }
0x258: {  	s7 =	simm.s32 $0x600;
	[sflag:s24] =	ssyncadd.s32 $0xFFFFF800  }
0x259: {  	[tilespmem:s28], [sflag:$0x3] =	stream.indirect.gather [hbm4b:s5+s23], $0x80, s7, s23, $0xb8;
	[tilespmem:$0x18800] =	vst v63  }
0x25a: {  	_ =	swait.ge [sflag:s29], $0x800  }
0x25b: {  	[sflag:s29] =	ssyncset.done $0x0  }
0x25c: {  	s7 =	simm.s32 $0x680;
	[sflag:s29] =	ssyncadd.s32 $0xFFFFF800  }
0x25d: {  	[tilespmem:s30], [sflag:$0x4] =	stream.indirect.gather [hbm4b:s5+s23], $0x80, s7, s23, $0xb8;
	[tilespmem:$0x18800] =	vst v63  }
0x25e: {  	_ =	swait.ge [sflag:s1], $0x800  }
0x25f: {  	[sflag:s1] =	ssyncset.done $0x0  }
0x260: {  	s7 =	simm.s32 $0x700;
	[sflag:s1] =	ssyncadd.s32 $0xFFFFF800  }
0x261: {  	[tilespmem:s0], [sflag:$0x5] =	stream.indirect.gather [hbm4b:s5+s23], $0x80, s7, s23, $0xb8;
	[tilespmem:$0x18800] =	vst v63  }
0x262: {  	_ =	swait.ge [sflag:s6], $0x800  }
0x263: {  	[sflag:s6] =	ssyncset.done $0x0  }
0x264: {  	s7 =	simm.s32 $0x1500;
	[sflag:s6] =	ssyncadd.s32 $0xFFFFF800  }
0x265: {  	[spmem:s2] =	stream.indirect.scatter.add.f32 [tilespmem:s20], [sflag:$0x6], $0x80, s7, s23, $0xb8;
	[tilespmem:$0x18800] =	vst v63  }
0x266: {  	_ =	swait.ge [sflag:s8], $0x800  }
0x267: {  	[sflag:s8] =	ssyncset.done $0x0  }
0x268: {  	s7 =	simm.s32 $0x1580;
	[sflag:s8] =	ssyncadd.s32 $0xFFFFF800  }
0x269: {  	[spmem:s2] =	stream.indirect.scatter.add.f32 [tilespmem:s25], [sflag:$0x7], $0x80, s7, s23, $0xb8;
	[tilespmem:$0x18800] =	vst v63  }
0x26a: {  	_ =	swait.ge [sflag:s9], $0x800  }
0x26b: {  	[sflag:s9] =	ssyncset.done $0x0  }
0x26c: {  	s7 =	simm.s32 $0x1600;
	[sflag:s9] =	ssyncadd.s32 $0xFFFFF800  }
0x26d: {  	[spmem:s2] =	stream.indirect.scatter.add.f32 [tilespmem:s28], [sflag:$0x8], $0x80, s7, s23, $0xb8;
	[tilespmem:$0x18800] =	vst v63  }
0x26e: {  	_ =	swait.ge [sflag:s11], $0x800  }
0x26f: {  	[sflag:s11] =	ssyncset.done $0x0  }
0x270: {  	s7 =	simm.s32 $0x1680;
	[sflag:s11] =	ssyncadd.s32 $0xFFFFF800  }
0x271: {  	[spmem:s2] =	stream.indirect.scatter.add.f32 [tilespmem:s30], [sflag:$0x9], $0x80, s7, s23, $0xb8;
	[tilespmem:$0x18800] =	vst v63  }
0x272: {  	_ =	swait.ge [sflag:s13], $0x800  }
0x273: {  	[sflag:s13] =	ssyncset.done $0x0  }
0x274: {  	s7 =	simm.s32 $0x1700;
	[sflag:s13] =	ssyncadd.s32 $0xFFFFF800  }
0x275: {  	[spmem:s2] =	stream.indirect.scatter.add.f32 [tilespmem:s0], [sflag:$0xA], $0x80, s7, s23, $0xb8;
	[tilespmem:$0x18800] =	vst v63  }
0x276: {  	_ =	swait.ge [sflag:s15], $0x800  }
0x277: {  	[sflag:s15] =	ssyncset.done $0x0  }
0x278: {  	s7 =	simm.s32 $0x780;
	[sflag:s15] =	ssyncadd.s32 $0xFFFFF800  }
0x279: {  	[tilespmem:s20], [sflag:$0x1] =	stream.indirect.gather [hbm4b:s5+s23], $0x80, s7, s23, $0xb8;
	[tilespmem:$0x18800] =	vst v63  }
0x27a: {  	_ =	swait.ge [sflag:s17], $0x800  }
0x27b: {  	[sflag:s17] =	ssyncset.done $0x0  }
0x27c: {  	s7 =	simm.s32 $0x800;
	[sflag:s17] =	ssyncadd.s32 $0xFFFFF800  }
0x27d: {  	[tilespmem:s25], [sflag:$0x2] =	stream.indirect.gather [hbm4b:s5+s23], $0x80, s7, s23, $0xb8;
	[tilespmem:$0x18800] =	vst v63  }
0x27e: {  	_ =	swait.ge [sflag:s24], $0x800  }
0x27f: {  	[sflag:s24] =	ssyncset.done $0x0  }
0x280: {  	s7 =	simm.s32 $0x880;
	[sflag:s24] =	ssyncadd.s32 $0xFFFFF800  }
0x281: {  	[tilespmem:s28], [sflag:$0x3] =	stream.indirect.gather [hbm4b:s5+s23], $0x80, s7, s23, $0xb8;
	[tilespmem:$0x18800] =	vst v63  }
0x282: {  	_ =	swait.ge [sflag:s29], $0x800  }
0x283: {  	[sflag:s29] =	ssyncset.done $0x0  }
0x284: {  	s7 =	simm.s32 $0x900;
	[sflag:s29] =	ssyncadd.s32 $0xFFFFF800  }
0x285: {  	[tilespmem:s30], [sflag:$0x4] =	stream.indirect.gather [hbm4b:s5+s23], $0x80, s7, s23, $0xb8;
	[tilespmem:$0x18800] =	vst v63  }
0x286: {  	_ =	swait.ge [sflag:s1], $0x800  }
0x287: {  	[sflag:s1] =	ssyncset.done $0x0  }
0x288: {  	s7 =	simm.s32 $0x980;
	[sflag:s1] =	ssyncadd.s32 $0xFFFFF800  }
0x289: {  	[tilespmem:s0], [sflag:$0x5] =	stream.indirect.gather [hbm4b:s5+s23], $0x80, s7, s23, $0xb8;
	[tilespmem:$0x18800] =	vst v63  }
0x28a: {  	_ =	swait.ge [sflag:s6], $0x800  }
0x28b: {  	[sflag:s6] =	ssyncset.done $0x0  }
0x28c: {  	s7 =	simm.s32 $0x1780;
	[sflag:s6] =	ssyncadd.s32 $0xFFFFF800  }
0x28d: {  	[spmem:s2] =	stream.indirect.scatter.add.f32 [tilespmem:s20], [sflag:$0x6], $0x80, s7, s23, $0xb8;
	[tilespmem:$0x18800] =	vst v63  }
0x28e: {  	_ =	swait.ge [sflag:s8], $0x800  }
0x28f: {  	[sflag:s8] =	ssyncset.done $0x0  }
0x290: {  	s7 =	simm.s32 $0x1800;
	[sflag:s8] =	ssyncadd.s32 $0xFFFFF800  }
0x291: {  	[spmem:s2] =	stream.indirect.scatter.add.f32 [tilespmem:s25], [sflag:$0x7], $0x80, s7, s23, $0xb8;
	[tilespmem:$0x18800] =	vst v63  }
0x292: {  	_ =	swait.ge [sflag:s9], $0x800  }
0x293: {  	[sflag:s9] =	ssyncset.done $0x0  }
0x294: {  	s7 =	simm.s32 $0x1880;
	[sflag:s9] =	ssyncadd.s32 $0xFFFFF800  }
0x295: {  	[spmem:s2] =	stream.indirect.scatter.add.f32 [tilespmem:s28], [sflag:$0x8], $0x80, s7, s23, $0xb8;
	[tilespmem:$0x18800] =	vst v63  }
0x296: {  	_ =	swait.ge [sflag:s11], $0x800  }
0x297: {  	[sflag:s11] =	ssyncset.done $0x0  }
0x298: {  	s7 =	simm.s32 $0x1900;
	[sflag:s11] =	ssyncadd.s32 $0xFFFFF800  }
0x299: {  	[spmem:s2] =	stream.indirect.scatter.add.f32 [tilespmem:s30], [sflag:$0x9], $0x80, s7, s23, $0xb8;
	[tilespmem:$0x18800] =	vst v63  }
0x29a: {  	_ =	swait.ge [sflag:s13], $0x800  }
0x29b: {  	[sflag:s13] =	ssyncset.done $0x0  }
0x29c: {  	s7 =	simm.s32 $0x1980;
	[sflag:s13] =	ssyncadd.s32 $0xFFFFF800  }
0x29d: {  	[spmem:s2] =	stream.indirect.scatter.add.f32 [tilespmem:s0], [sflag:$0xA], $0x80, s7, s23, $0xb8;
	[tilespmem:$0x18800] =	vst v63  }
0x29e: {  	_ =	swait.ge [sflag:s15], $0x800  }
0x29f: {  	[sflag:s15] =	ssyncset.done $0x0  }
0x2a0: {  	s7 =	simm.s32 $0xA00;
	[sflag:s15] =	ssyncadd.s32 $0xFFFFF800  }
0x2a1: {  	[tilespmem:s20], [sflag:$0x1] =	stream.indirect.gather [hbm4b:s5+s23], $0x80, s7, s23, $0xb8;
	[tilespmem:$0x18800] =	vst v63  }
0x2a2: {  	_ =	swait.ge [sflag:s17], $0x800  }
0x2a3: {  	[sflag:s17] =	ssyncset.done $0x0  }
0x2a4: {  	s7 =	simm.s32 $0xA80;
	[sflag:s17] =	ssyncadd.s32 $0xFFFFF800  }
0x2a5: {  	[tilespmem:s25], [sflag:$0x2] =	stream.indirect.gather [hbm4b:s5+s23], $0x80, s7, s23, $0xb8;
	[tilespmem:$0x18800] =	vst v63  }
0x2a6: {  	_ =	swait.ge [sflag:s24], $0x800  }
0x2a7: {  	[sflag:s24] =	ssyncset.done $0x0  }
0x2a8: {  	s7 =	simm.s32 $0xB00;
	[sflag:s24] =	ssyncadd.s32 $0xFFFFF800  }
0x2a9: {  	[tilespmem:s28], [sflag:$0x3] =	stream.indirect.gather [hbm4b:s5+s23], $0x80, s7, s23, $0xb8;
	[tilespmem:$0x18800] =	vst v63  }
0x2aa: {  	_ =	swait.ge [sflag:s29], $0x800  }
0x2ab: {  	[sflag:s29] =	ssyncset.done $0x0  }
0x2ac: {  	s7 =	simm.s32 $0xB80;
	[sflag:s29] =	ssyncadd.s32 $0xFFFFF800  }
0x2ad: {  	[tilespmem:s30], [sflag:$0x4] =	stream.indirect.gather [hbm4b:s5+s23], $0x80, s7, s23, $0xb8;
	[tilespmem:$0x18800] =	vst v63  }
0x2ae: {  	_ =	swait.ge [sflag:s1], $0x800  }
0x2af: {  	[sflag:s1] =	ssyncset.done $0x0  }
0x2b0: {  	s7 =	simm.s32 $0xC00;
	[sflag:s1] =	ssyncadd.s32 $0xFFFFF800  }
0x2b1: {  	[tilespmem:s0], [sflag:$0x5] =	stream.indirect.gather [hbm4b:s5+s23], $0x80, s7, s23, $0xb8;
	[tilespmem:$0x18800] =	vst v63  }
0x2b2: {  	_ =	swait.ge [sflag:s6], $0x800  }
0x2b3: {  	[sflag:s6] =	ssyncset.done $0x0  }
0x2b4: {  	s7 =	simm.s32 $0x1A00;
	[sflag:s6] =	ssyncadd.s32 $0xFFFFF800  }
0x2b5: {  	[spmem:s2] =	stream.indirect.scatter.add.f32 [tilespmem:s20], [sflag:$0x6], $0x80, s7, s23, $0xb8;
	[tilespmem:$0x18800] =	vst v63  }
0x2b6: {  	_ =	swait.ge [sflag:s8], $0x800  }
0x2b7: {  	[sflag:s8] =	ssyncset.done $0x0  }
0x2b8: {  	s7 =	simm.s32 $0x1A80;
	[sflag:s8] =	ssyncadd.s32 $0xFFFFF800  }
0x2b9: {  	[spmem:s2] =	stream.indirect.scatter.add.f32 [tilespmem:s25], [sflag:$0x7], $0x80, s7, s23, $0xb8;
	[tilespmem:$0x18800] =	vst v63  }
0x2ba: {  	_ =	swait.ge [sflag:s9], $0x800  }
0x2bb: {  	[sflag:s9] =	ssyncset.done $0x0  }
0x2bc: {  	s7 =	simm.s32 $0x1B00;
	[sflag:s9] =	ssyncadd.s32 $0xFFFFF800  }
0x2bd: {  	[spmem:s2] =	stream.indirect.scatter.add.f32 [tilespmem:s28], [sflag:$0x8], $0x80, s7, s23, $0xb8;
	[tilespmem:$0x18800] =	vst v63  }
0x2be: {  	_ =	swait.ge [sflag:s11], $0x800  }
0x2bf: {  	[sflag:s11] =	ssyncset.done $0x0  }
0x2c0: {  	s7 =	simm.s32 $0x1B80;
	[sflag:s11] =	ssyncadd.s32 $0xFFFFF800  }
0x2c1: {  	[spmem:s2] =	stream.indirect.scatter.add.f32 [tilespmem:s30], [sflag:$0x9], $0x80, s7, s23, $0xb8;
	[tilespmem:$0x18800] =	vst v63  }
0x2c2: {  	_ =	swait.ge [sflag:s13], $0x800  }
0x2c3: {  	[sflag:s13] =	ssyncset.done $0x0  }
0x2c4: {  	s7 =	simm.s32 $0x1C00;
	[sflag:s13] =	ssyncadd.s32 $0xFFFFF800  }
0x2c5: {  	[spmem:s2] =	stream.indirect.scatter.add.f32 [tilespmem:s0], [sflag:$0xA], $0x80, s7, s23, $0xb8;
	[tilespmem:$0x18800] =	vst v63  }
0x2c6: {  	_ =	swait.ge [sflag:s15], $0x800  }
0x2c7: {  	[sflag:s15] =	ssyncset.done $0x0  }
0x2c8: {  	[sflag:s15] =	ssyncadd.s32 $0xFFFFF800  }
0x2c9: {  	_ =	swait.ge [sflag:s17], $0x800  }
0x2ca: {  	[sflag:s17] =	ssyncset.done $0x0  }
0x2cb: {  	[sflag:s17] =	ssyncadd.s32 $0xFFFFF800  }
0x2cc: {  	_ =	swait.ge [sflag:s24], $0x800  }
0x2cd: {  	[sflag:s24] =	ssyncset.done $0x0  }
0x2ce: {  	[sflag:s24] =	ssyncadd.s32 $0xFFFFF800  }
.Ltmp4:
0x2cf: {  	_ =	swait.ge [sflag:s29], $0x800;
	(pc) =	sbr.rel @p1 .LBB2_8-.Ltmp4, $4  }
0x2d0: {  	[sflag:s29] =	ssyncset.done $0x0  }
0x2d1: {  	[sflag:s29] =	ssyncadd.s32 $0xFFFFF800  }
0x2d2: {  	_ =	swait.ge [sflag:s1], $0x800  }
0x2d3: {  	s16 =	smov.u32 s14;
	[sflag:s1] =	ssyncset.done $0x0  }
0x2d4: {  	s7 =	sadd.s32 s12, s19;
	[sflag:s1] =	ssyncadd.s32 $0xFFFFF800  }
0x2d5: {  	[tilespmem:s3], [sflag:$0xB] =	stream.linear.gather [hbm4b:s7+s3], $0xC80, $0x38;
	[tilespmem:$0x18800] =	vst v63  }
0x2d6: {  	_ =	swait.ge [sflag:s21], $0xC80  }
0x2d7: {  	[sflag:s21] =	ssyncset.done $0x0  }
0x2d8: {  	s16 =	sadd.s32 s12, s18;
	[sflag:s21] =	ssyncadd.s32 $0xFFFFF380  }
0x2d9: {  	[tilespmem:s22], [sflag:$0xB] =	stream.linear.gather [hbm4b:s16+s3], $0xC80, $0x38;
	[tilespmem:$0x18800] =	vst v63  }
0x2da: {  	_ =	swait.ge [sflag:s21], $0xC80  }
0x2db: {  	[sflag:s21] =	ssyncset.done $0x0  }
0x2dc: {  	[sflag:s21] =	ssyncadd.s32 $0xFFFFF380  }
0x2dd: {  	[tilespmem:s20], [sflag:$0x1] =	stream.indirect.gather [hbm4b:s5+s23], $0x80, s3, s23, $0xb8;
	[tilespmem:$0x18800] =	vst v63  }
0x2de: {  	_ = 	snop  }
0x2df: {  	[tilespmem:s25], [sflag:$0x2] =	stream.indirect.gather [hbm4b:s5+s23], $0x80, s26, s23, $0xb8;
	[tilespmem:$0x18800] =	vst v63  }
0x2e0: {  	_ = 	snop  }
0x2e1: {  	[tilespmem:s28], [sflag:$0x3] =	stream.indirect.gather [hbm4b:s5+s23], $0x80, s31, s23, $0xb8;
	[tilespmem:$0x18800] =	vst v63  }
0x2e2: {  	s31 =	simm.s32 $0x180  }
0x2e3: {  	[tilespmem:s30], [sflag:$0x4] =	stream.indirect.gather [hbm4b:s5+s23], $0x80, s31, s23, $0xb8;
	[tilespmem:$0x18800] =	vst v63  }
0x2e4: {  	_ = 	snop  }
0x2e5: {  	[tilespmem:s0], [sflag:$0x5] =	stream.indirect.gather [hbm4b:s5+s23], $0x80, s10, s23, $0xb8;
	[tilespmem:$0x18800] =	vst v63  }
0x2e6: {  	_ =	swait.ge [sflag:s6], $0x800  }
0x2e7: {  	[sflag:s6] =	ssyncset.done $0x0  }
0x2e8: {  	[sflag:s6] =	ssyncadd.s32 $0xFFFFF800  }
0x2e9: {  	[spmem:s2] =	stream.indirect.scatter.add.f32 [tilespmem:s20], [sflag:$0x6], $0x80, s22, s23, $0xb8;
	[tilespmem:$0x18800] =	vst v63  }
0x2ea: {  	_ =	swait.ge [sflag:s8], $0x800  }
0x2eb: {  	[sflag:s8] =	ssyncset.done $0x0  }
0x2ec: {  	s12 =	simm.s32 $0x1080;
	[sflag:s8] =	ssyncadd.s32 $0xFFFFF800  }
0x2ed: {  	[spmem:s2] =	stream.indirect.scatter.add.f32 [tilespmem:s25], [sflag:$0x7], $0x80, s12, s23, $0xb8;
	[tilespmem:$0x18800] =	vst v63  }
0x2ee: {  	_ =	swait.ge [sflag:s9], $0x800  }
0x2ef: {  	[sflag:s9] =	ssyncset.done $0x0  }
0x2f0: {  	s14 =	simm.s32 $0x1100;
	[sflag:s9] =	ssyncadd.s32 $0xFFFFF800  }
0x2f1: {  	[spmem:s2] =	stream.indirect.scatter.add.f32 [tilespmem:s28], [sflag:$0x8], $0x80, s14, s23, $0xb8;
	[tilespmem:$0x18800] =	vst v63  }
0x2f2: {  	_ =	swait.ge [sflag:s11], $0x800  }
0x2f3: {  	[sflag:s11] =	ssyncset.done $0x0  }
0x2f4: {  	s16 =	simm.s32 $0x1180;
	[sflag:s11] =	ssyncadd.s32 $0xFFFFF800  }
0x2f5: {  	[spmem:s2] =	stream.indirect.scatter.add.f32 [tilespmem:s30], [sflag:$0x9], $0x80, s16, s23, $0xb8;
	[tilespmem:$0x18800] =	vst v63  }
0x2f6: {  	_ =	swait.ge [sflag:s13], $0x800  }
0x2f7: {  	[sflag:s13] =	ssyncset.done $0x0  }
0x2f8: {  	s31 =	simm.s32 $0x1200;
	[sflag:s13] =	ssyncadd.s32 $0xFFFFF800  }
0x2f9: {  	[spmem:s2] =	stream.indirect.scatter.add.f32 [tilespmem:s0], [sflag:$0xA], $0x80, s31, s23, $0xb8;
	[tilespmem:$0x18800] =	vst v63  }
0x2fa: {  	_ =	swait.ge [sflag:s15], $0x800  }
0x2fb: {  	[sflag:s15] =	ssyncset.done $0x0  }
0x2fc: {  	s10 =	simm.s32 $0x280;
	[sflag:s15] =	ssyncadd.s32 $0xFFFFF800  }
0x2fd: {  	[tilespmem:s20], [sflag:$0x1] =	stream.indirect.gather [hbm4b:s5+s23], $0x80, s10, s23, $0xb8;
	[tilespmem:$0x18800] =	vst v63  }
0x2fe: {  	_ =	swait.ge [sflag:s17], $0x800  }
0x2ff: {  	[sflag:s17] =	ssyncset.done $0x0  }
0x300: {  	s12 =	simm.s32 $0x300;
	[sflag:s17] =	ssyncadd.s32 $0xFFFFF800  }
0x301: {  	[tilespmem:s25], [sflag:$0x2] =	stream.indirect.gather [hbm4b:s5+s23], $0x80, s12, s23, $0xb8;
	[tilespmem:$0x18800] =	vst v63  }
0x302: {  	_ =	swait.ge [sflag:s24], $0x800  }
0x303: {  	[sflag:s24] =	ssyncset.done $0x0  }
0x304: {  	s14 =	simm.s32 $0x380;
	[sflag:s24] =	ssyncadd.s32 $0xFFFFF800  }
0x305: {  	[tilespmem:s28], [sflag:$0x3] =	stream.indirect.gather [hbm4b:s5+s23], $0x80, s14, s23, $0xb8;
	[tilespmem:$0x18800] =	vst v63  }
0x306: {  	_ =	swait.ge [sflag:s29], $0x800  }
0x307: {  	[sflag:s29] =	ssyncset.done $0x0  }
0x308: {  	s16 =	simm.s32 $0x400;
	[sflag:s29] =	ssyncadd.s32 $0xFFFFF800  }
0x309: {  	[tilespmem:s30], [sflag:$0x4] =	stream.indirect.gather [hbm4b:s5+s23], $0x80, s16, s23, $0xb8;
	[tilespmem:$0x18800] =	vst v63  }
0x30a: {  	_ =	swait.ge [sflag:s1], $0x800  }
0x30b: {  	[sflag:s1] =	ssyncset.done $0x0  }
0x30c: {  	s31 =	simm.s32 $0x480;
	[sflag:s1] =	ssyncadd.s32 $0xFFFFF800  }
0x30d: {  	[tilespmem:s0], [sflag:$0x5] =	stream.indirect.gather [hbm4b:s5+s23], $0x80, s31, s23, $0xb8;
	[tilespmem:$0x18800] =	vst v63  }
0x30e: {  	_ =	swait.ge [sflag:s6], $0x800  }
0x30f: {  	[sflag:s6] =	ssyncset.done $0x0  }
0x310: {  	s10 =	simm.s32 $0x1280;
	[sflag:s6] =	ssyncadd.s32 $0xFFFFF800  }
0x311: {  	[spmem:s2] =	stream.indirect.scatter.add.f32 [tilespmem:s20], [sflag:$0x6], $0x80, s10, s23, $0xb8;
	[tilespmem:$0x18800] =	vst v63  }
0x312: {  	_ =	swait.ge [sflag:s8], $0x800  }
0x313: {  	[sflag:s8] =	ssyncset.done $0x0  }
0x314: {  	s12 =	simm.s32 $0x1300;
	[sflag:s8] =	ssyncadd.s32 $0xFFFFF800  }
0x315: {  	[spmem:s2] =	stream.indirect.scatter.add.f32 [tilespmem:s25], [sflag:$0x7], $0x80, s12, s23, $0xb8;
	[tilespmem:$0x18800] =	vst v63  }
0x316: {  	_ =	swait.ge [sflag:s9], $0x800  }
0x317: {  	[sflag:s9] =	ssyncset.done $0x0  }
0x318: {  	s14 =	simm.s32 $0x1380;
	[sflag:s9] =	ssyncadd.s32 $0xFFFFF800  }
0x319: {  	[spmem:s2] =	stream.indirect.scatter.add.f32 [tilespmem:s28], [sflag:$0x8], $0x80, s14, s23, $0xb8;
	[tilespmem:$0x18800] =	vst v63  }
0x31a: {  	_ =	swait.ge [sflag:s11], $0x800  }
0x31b: {  	[sflag:s11] =	ssyncset.done $0x0  }
0x31c: {  	s16 =	simm.s32 $0x1400;
	[sflag:s11] =	ssyncadd.s32 $0xFFFFF800  }
0x31d: {  	[spmem:s2] =	stream.indirect.scatter.add.f32 [tilespmem:s30], [sflag:$0x9], $0x80, s16, s23, $0xb8;
	[tilespmem:$0x18800] =	vst v63  }
0x31e: {  	_ =	swait.ge [sflag:s13], $0x800  }
0x31f: {  	[sflag:s13] =	ssyncset.done $0x0  }
0x320: {  	s31 =	simm.s32 $0x1480;
	[sflag:s13] =	ssyncadd.s32 $0xFFFFF800  }
0x321: {  	[spmem:s2] =	stream.indirect.scatter.add.f32 [tilespmem:s0], [sflag:$0xA], $0x80, s31, s23, $0xb8;
	[tilespmem:$0x18800] =	vst v63  }
0x322: {  	_ =	swait.ge [sflag:s15], $0x800  }
0x323: {  	[sflag:s15] =	ssyncset.done $0x0  }
0x324: {  	s10 =	simm.s32 $0x500;
	[sflag:s15] =	ssyncadd.s32 $0xFFFFF800  }
0x325: {  	[tilespmem:s20], [sflag:$0x1] =	stream.indirect.gather [hbm4b:s5+s23], $0x80, s10, s23, $0xb8;
	[tilespmem:$0x18800] =	vst v63  }
0x326: {  	_ =	swait.ge [sflag:s17], $0x800  }
0x327: {  	[sflag:s17] =	ssyncset.done $0x0  }
0x328: {  	s12 =	simm.s32 $0x580;
	[sflag:s17] =	ssyncadd.s32 $0xFFFFF800  }
0x329: {  	[tilespmem:s25], [sflag:$0x2] =	stream.indirect.gather [hbm4b:s5+s23], $0x80, s12, s23, $0xb8;
	[tilespmem:$0x18800] =	vst v63  }
0x32a: {  	_ =	swait.ge [sflag:s24], $0x800  }
0x32b: {  	[sflag:s24] =	ssyncset.done $0x0  }
0x32c: {  	s14 =	simm.s32 $0x600;
	[sflag:s24] =	ssyncadd.s32 $0xFFFFF800  }
0x32d: {  	[tilespmem:s28], [sflag:$0x3] =	stream.indirect.gather [hbm4b:s5+s23], $0x80, s14, s23, $0xb8;
	[tilespmem:$0x18800] =	vst v63  }
0x32e: {  	_ =	swait.ge [sflag:s29], $0x800  }
0x32f: {  	[sflag:s29] =	ssyncset.done $0x0  }
0x330: {  	s16 =	simm.s32 $0x680;
	[sflag:s29] =	ssyncadd.s32 $0xFFFFF800  }
0x331: {  	[tilespmem:s30], [sflag:$0x4] =	stream.indirect.gather [hbm4b:s5+s23], $0x80, s16, s23, $0xb8;
	[tilespmem:$0x18800] =	vst v63  }
0x332: {  	_ =	swait.ge [sflag:s1], $0x800  }
0x333: {  	[sflag:s1] =	ssyncset.done $0x0  }
0x334: {  	s31 =	simm.s32 $0x700;
	[sflag:s1] =	ssyncadd.s32 $0xFFFFF800  }
0x335: {  	[tilespmem:s0], [sflag:$0x5] =	stream.indirect.gather [hbm4b:s5+s23], $0x80, s31, s23, $0xb8;
	[tilespmem:$0x18800] =	vst v63  }
0x336: {  	_ =	swait.ge [sflag:s6], $0x800  }
0x337: {  	[sflag:s6] =	ssyncset.done $0x0  }
0x338: {  	s10 =	simm.s32 $0x1500;
	[sflag:s6] =	ssyncadd.s32 $0xFFFFF800  }
0x339: {  	[spmem:s2] =	stream.indirect.scatter.add.f32 [tilespmem:s20], [sflag:$0x6], $0x80, s10, s23, $0xb8;
	[tilespmem:$0x18800] =	vst v63  }
0x33a: {  	_ =	swait.ge [sflag:s8], $0x800  }
0x33b: {  	[sflag:s8] =	ssyncset.done $0x0  }
0x33c: {  	s12 =	simm.s32 $0x1580;
	[sflag:s8] =	ssyncadd.s32 $0xFFFFF800  }
0x33d: {  	[spmem:s2] =	stream.indirect.scatter.add.f32 [tilespmem:s25], [sflag:$0x7], $0x80, s12, s23, $0xb8;
	[tilespmem:$0x18800] =	vst v63  }
0x33e: {  	_ =	swait.ge [sflag:s9], $0x800  }
0x33f: {  	[sflag:s9] =	ssyncset.done $0x0  }
0x340: {  	s14 =	simm.s32 $0x1600;
	[sflag:s9] =	ssyncadd.s32 $0xFFFFF800  }
0x341: {  	[spmem:s2] =	stream.indirect.scatter.add.f32 [tilespmem:s28], [sflag:$0x8], $0x80, s14, s23, $0xb8;
	[tilespmem:$0x18800] =	vst v63  }
0x342: {  	_ =	swait.ge [sflag:s11], $0x800  }
0x343: {  	[sflag:s11] =	ssyncset.done $0x0  }
0x344: {  	s16 =	simm.s32 $0x1680;
	[sflag:s11] =	ssyncadd.s32 $0xFFFFF800  }
0x345: {  	[spmem:s2] =	stream.indirect.scatter.add.f32 [tilespmem:s30], [sflag:$0x9], $0x80, s16, s23, $0xb8;
	[tilespmem:$0x18800] =	vst v63  }
0x346: {  	_ =	swait.ge [sflag:s13], $0x800  }
0x347: {  	[sflag:s13] =	ssyncset.done $0x0  }
0x348: {  	s31 =	simm.s32 $0x1700;
	[sflag:s13] =	ssyncadd.s32 $0xFFFFF800  }
0x349: {  	[spmem:s2] =	stream.indirect.scatter.add.f32 [tilespmem:s0], [sflag:$0xA], $0x80, s31, s23, $0xb8;
	[tilespmem:$0x18800] =	vst v63  }
0x34a: {  	_ =	swait.ge [sflag:s15], $0x800  }
0x34b: {  	[sflag:s15] =	ssyncset.done $0x0  }
0x34c: {  	s10 =	simm.s32 $0x780;
	[sflag:s15] =	ssyncadd.s32 $0xFFFFF800  }
0x34d: {  	[tilespmem:s20], [sflag:$0x1] =	stream.indirect.gather [hbm4b:s5+s23], $0x80, s10, s23, $0xb8;
	[tilespmem:$0x18800] =	vst v63  }
0x34e: {  	_ =	swait.ge [sflag:s17], $0x800  }
0x34f: {  	[sflag:s17] =	ssyncset.done $0x0  }
0x350: {  	s12 =	simm.s32 $0x800;
	[sflag:s17] =	ssyncadd.s32 $0xFFFFF800  }
0x351: {  	[tilespmem:s25], [sflag:$0x2] =	stream.indirect.gather [hbm4b:s5+s23], $0x80, s12, s23, $0xb8;
	[tilespmem:$0x18800] =	vst v63  }
0x352: {  	_ =	swait.ge [sflag:s24], $0x800  }
0x353: {  	[sflag:s24] =	ssyncset.done $0x0  }
0x354: {  	s14 =	simm.s32 $0x880;
	[sflag:s24] =	ssyncadd.s32 $0xFFFFF800  }
0x355: {  	[tilespmem:s28], [sflag:$0x3] =	stream.indirect.gather [hbm4b:s5+s23], $0x80, s14, s23, $0xb8;
	[tilespmem:$0x18800] =	vst v63  }
0x356: {  	_ =	swait.ge [sflag:s29], $0x800  }
0x357: {  	[sflag:s29] =	ssyncset.done $0x0  }
0x358: {  	s16 =	simm.s32 $0x900;
	[sflag:s29] =	ssyncadd.s32 $0xFFFFF800  }
0x359: {  	[tilespmem:s30], [sflag:$0x4] =	stream.indirect.gather [hbm4b:s5+s23], $0x80, s16, s23, $0xb8;
	[tilespmem:$0x18800] =	vst v63  }
0x35a: {  	_ =	swait.ge [sflag:s1], $0x800  }
0x35b: {  	[sflag:s1] =	ssyncset.done $0x0  }
0x35c: {  	s31 =	simm.s32 $0x980;
	[sflag:s1] =	ssyncadd.s32 $0xFFFFF800  }
0x35d: {  	[tilespmem:s0], [sflag:$0x5] =	stream.indirect.gather [hbm4b:s5+s23], $0x80, s31, s23, $0xb8;
	[tilespmem:$0x18800] =	vst v63  }
0x35e: {  	_ =	swait.ge [sflag:s6], $0x800  }
0x35f: {  	[sflag:s6] =	ssyncset.done $0x0  }
0x360: {  	s10 =	simm.s32 $0x1780;
	[sflag:s6] =	ssyncadd.s32 $0xFFFFF800  }
0x361: {  	[spmem:s2] =	stream.indirect.scatter.add.f32 [tilespmem:s20], [sflag:$0x6], $0x80, s10, s23, $0xb8;
	[tilespmem:$0x18800] =	vst v63  }
0x362: {  	_ =	swait.ge [sflag:s8], $0x800  }
0x363: {  	[sflag:s8] =	ssyncset.done $0x0  }
0x364: {  	s12 =	simm.s32 $0x1800;
	[sflag:s8] =	ssyncadd.s32 $0xFFFFF800  }
0x365: {  	[spmem:s2] =	stream.indirect.scatter.add.f32 [tilespmem:s25], [sflag:$0x7], $0x80, s12, s23, $0xb8;
	[tilespmem:$0x18800] =	vst v63  }
0x366: {  	_ =	swait.ge [sflag:s9], $0x800  }
0x367: {  	[sflag:s9] =	ssyncset.done $0x0  }
0x368: {  	s14 =	simm.s32 $0x1880;
	[sflag:s9] =	ssyncadd.s32 $0xFFFFF800  }
0x369: {  	[spmem:s2] =	stream.indirect.scatter.add.f32 [tilespmem:s28], [sflag:$0x8], $0x80, s14, s23, $0xb8;
	[tilespmem:$0x18800] =	vst v63  }
0x36a: {  	_ =	swait.ge [sflag:s11], $0x800  }
0x36b: {  	[sflag:s11] =	ssyncset.done $0x0  }
0x36c: {  	s16 =	simm.s32 $0x1900;
	[sflag:s11] =	ssyncadd.s32 $0xFFFFF800  }
0x36d: {  	[spmem:s2] =	stream.indirect.scatter.add.f32 [tilespmem:s30], [sflag:$0x9], $0x80, s16, s23, $0xb8;
	[tilespmem:$0x18800] =	vst v63  }
0x36e: {  	_ =	swait.ge [sflag:s13], $0x800  }
0x36f: {  	[sflag:s13] =	ssyncset.done $0x0  }
0x370: {  	s31 =	simm.s32 $0x1980;
	[sflag:s13] =	ssyncadd.s32 $0xFFFFF800  }
0x371: {  	[spmem:s2] =	stream.indirect.scatter.add.f32 [tilespmem:s0], [sflag:$0xA], $0x80, s31, s23, $0xb8;
	[tilespmem:$0x18800] =	vst v63  }
0x372: {  	_ =	swait.ge [sflag:s15], $0x800  }
0x373: {  	[sflag:s15] =	ssyncset.done $0x0  }
0x374: {  	s10 =	simm.s32 $0xA00;
	[sflag:s15] =	ssyncadd.s32 $0xFFFFF800  }
0x375: {  	[tilespmem:s20], [sflag:$0x1] =	stream.indirect.gather [hbm4b:s5+s23], $0x80, s10, s23, $0xb8;
	[tilespmem:$0x18800] =	vst v63  }
0x376: {  	_ =	swait.ge [sflag:s17], $0x800  }
0x377: {  	[sflag:s17] =	ssyncset.done $0x0  }
0x378: {  	s12 =	simm.s32 $0xA80;
	[sflag:s17] =	ssyncadd.s32 $0xFFFFF800  }
0x379: {  	[tilespmem:s25], [sflag:$0x2] =	stream.indirect.gather [hbm4b:s5+s23], $0x80, s12, s23, $0xb8;
	[tilespmem:$0x18800] =	vst v63  }
0x37a: {  	_ =	swait.ge [sflag:s24], $0x800  }
0x37b: {  	[sflag:s24] =	ssyncset.done $0x0  }
0x37c: {  	s14 =	simm.s32 $0xB00;
	[sflag:s24] =	ssyncadd.s32 $0xFFFFF800  }
0x37d: {  	[tilespmem:s28], [sflag:$0x3] =	stream.indirect.gather [hbm4b:s5+s23], $0x80, s14, s23, $0xb8;
	[tilespmem:$0x18800] =	vst v63  }
0x37e: {  	_ =	swait.ge [sflag:s29], $0x800  }
0x37f: {  	[sflag:s29] =	ssyncset.done $0x0  }
0x380: {  	s16 =	simm.s32 $0xB80;
	[sflag:s29] =	ssyncadd.s32 $0xFFFFF800  }
0x381: {  	[tilespmem:s30], [sflag:$0x4] =	stream.indirect.gather [hbm4b:s5+s23], $0x80, s16, s23, $0xb8;
	[tilespmem:$0x18800] =	vst v63  }
0x382: {  	_ =	swait.ge [sflag:s1], $0x800  }
0x383: {  	[sflag:s1] =	ssyncset.done $0x0  }
0x384: {  	s31 =	simm.s32 $0xC00;
	[sflag:s1] =	ssyncadd.s32 $0xFFFFF800  }
0x385: {  	[tilespmem:s0], [sflag:$0x5] =	stream.indirect.gather [hbm4b:s5+s23], $0x80, s31, s23, $0xb8;
	[tilespmem:$0x18800] =	vst v63  }
0x386: {  	_ =	swait.ge [sflag:s6], $0x800  }
0x387: {  	[sflag:s6] =	ssyncset.done $0x0  }
0x388: {  	s10 =	simm.s32 $0x1A00;
	[sflag:s6] =	ssyncadd.s32 $0xFFFFF800  }
0x389: {  	[spmem:s2] =	stream.indirect.scatter.add.f32 [tilespmem:s20], [sflag:$0x6], $0x80, s10, s23, $0xb8;
	[tilespmem:$0x18800] =	vst v63  }
0x38a: {  	_ =	swait.ge [sflag:s8], $0x800  }
0x38b: {  	[sflag:s8] =	ssyncset.done $0x0  }
0x38c: {  	s12 =	simm.s32 $0x1A80;
	[sflag:s8] =	ssyncadd.s32 $0xFFFFF800  }
0x38d: {  	[spmem:s2] =	stream.indirect.scatter.add.f32 [tilespmem:s25], [sflag:$0x7], $0x80, s12, s23, $0xb8;
	[tilespmem:$0x18800] =	vst v63  }
0x38e: {  	_ =	swait.ge [sflag:s9], $0x800  }
0x38f: {  	[sflag:s9] =	ssyncset.done $0x0  }
0x390: {  	s14 =	simm.s32 $0x1B00;
	[sflag:s9] =	ssyncadd.s32 $0xFFFFF800  }
0x391: {  	[spmem:s2] =	stream.indirect.scatter.add.f32 [tilespmem:s28], [sflag:$0x8], $0x80, s14, s23, $0xb8;
	[tilespmem:$0x18800] =	vst v63  }
0x392: {  	_ =	swait.ge [sflag:s11], $0x800  }
0x393: {  	[sflag:s11] =	ssyncset.done $0x0  }
0x394: {  	s16 =	simm.s32 $0x1B80;
	[sflag:s11] =	ssyncadd.s32 $0xFFFFF800  }
0x395: {  	[spmem:s2] =	stream.indirect.scatter.add.f32 [tilespmem:s30], [sflag:$0x9], $0x80, s16, s23, $0xb8;
	[tilespmem:$0x18800] =	vst v63  }
0x396: {  	_ =	swait.ge [sflag:s13], $0x800  }
0x397: {  	[sflag:s13] =	ssyncset.done $0x0  }
0x398: {  	s31 =	simm.s32 $0x1C00;
	[sflag:s13] =	ssyncadd.s32 $0xFFFFF800  }
0x399: {  	[spmem:s2] =	stream.indirect.scatter.add.f32 [tilespmem:s0], [sflag:$0xA], $0x80, s31, s23, $0xb8;
	[tilespmem:$0x18800] =	vst v63  }
0x39a: {  	_ =	swait.ge [sflag:s15], $0x800  }
0x39b: {  	[sflag:s15] =	ssyncset.done $0x0  }
0x39c: {  	[sflag:s15] =	ssyncadd.s32 $0xFFFFF800  }
0x39d: {  	_ =	swait.ge [sflag:s17], $0x800  }
0x39e: {  	[sflag:s17] =	ssyncset.done $0x0  }
0x39f: {  	[sflag:s17] =	ssyncadd.s32 $0xFFFFF800  }
0x3a0: {  	_ =	swait.ge [sflag:s24], $0x800  }
0x3a1: {  	[sflag:s24] =	ssyncset.done $0x0  }
0x3a2: {  	[sflag:s24] =	ssyncadd.s32 $0xFFFFF800  }
0x3a3: {  	_ =	swait.ge [sflag:s29], $0x800  }
.Ltmp5:
0x3a4: {  	[sflag:s29] =	ssyncset.done $0x0;
	(pc) =	sbr.rel .LBB2_10-.Ltmp5, $4  }
0x3a5: {  	[sflag:s29] =	ssyncadd.s32 $0xFFFFF800  }
0x3a6: {  	_ =	swait.ge [sflag:s1], $0x800  }
0x3a7: {  	[sflag:s1] =	ssyncset.done $0x0;
	s12 =	rddreg [dreg:$0x6]  }
0x3a8: {  	s10 =	rddreg [dreg:$0x10];
	[sflag:s1] =	ssyncadd.s32 $0xFFFFF800  }
.LBB2_4:
0x3a9: {  	s12 =	sadd.s32 $0x0, s19  }
0x3aa: {  	[tilespmem:s3], [sflag:$0xB] =	stream.linear.gather [hbm4b:s12+s3], $0xC80, $0x38;
	[tilespmem:$0x18800] =	vst v63  }
0x3ab: {  	_ =	swait.ge [sflag:s21], $0xC80  }
0x3ac: {  	[sflag:s21] =	ssyncset.done $0x0  }
0x3ad: {  	s10 =	sadd.s32 $0x0, s18;
	[sflag:s21] =	ssyncadd.s32 $0xFFFFF380  }
0x3ae: {  	[tilespmem:s22], [sflag:$0xB] =	stream.linear.gather [hbm4b:s10+s3], $0xC80, $0x38;
	[tilespmem:$0x18800] =	vst v63  }
0x3af: {  	_ =	swait.ge [sflag:s21], $0xC80  }
0x3b0: {  	[sflag:s21] =	ssyncset.done $0x0  }
0x3b1: {  	[sflag:s21] =	ssyncadd.s32 $0xFFFFF380  }
0x3b2: {  	[tilespmem:s20], [sflag:$0x1] =	stream.indirect.gather [hbm4b:s4+s23], $0x80, s3, s23, $0xb8;
	[tilespmem:$0x18800] =	vst v63  }
0x3b3: {  	_ = 	snop  }
0x3b4: {  	[tilespmem:s25], [sflag:$0x2] =	stream.indirect.gather [hbm4b:s4+s23], $0x80, s26, s23, $0xb8;
	[tilespmem:$0x18800] =	vst v63  }
0x3b5: {  	s31 =	simm.s32 $0x100  }
0x3b6: {  	[tilespmem:s28], [sflag:$0x3] =	stream.indirect.gather [hbm4b:s4+s23], $0x80, s31, s23, $0xb8;
	[tilespmem:$0x18800] =	vst v63  }
0x3b7: {  	s10 =	simm.s32 $0x180  }
0x3b8: {  	[tilespmem:s30], [sflag:$0x4] =	stream.indirect.gather [hbm4b:s4+s23], $0x80, s10, s23, $0xb8;
	[tilespmem:$0x18800] =	vst v63  }
0x3b9: {  	s7 =	simm.s32 $0x200  }
0x3ba: {  	[tilespmem:s0], [sflag:$0x5] =	stream.indirect.gather [hbm4b:s4+s23], $0x80, s7, s23, $0xb8;
	[tilespmem:$0x18800] =	vst v63  }
0x3bb: {  	_ =	swait.ge [sflag:s6], $0x800  }
0x3bc: {  	[sflag:s6] =	ssyncset.done $0x0  }
0x3bd: {  	[sflag:s6] =	ssyncadd.s32 $0xFFFFF800  }
0x3be: {  	[spmem:s2] =	stream.indirect.scatter.add.f32 [tilespmem:s20], [sflag:$0x6], $0x80, s22, s23, $0xb8;
	[tilespmem:$0x18800] =	vst v63  }
0x3bf: {  	_ =	swait.ge [sflag:s8], $0x800  }
0x3c0: {  	[sflag:s8] =	ssyncset.done $0x0  }
0x3c1: {  	s12 =	simm.s32 $0x1080;
	[sflag:s8] =	ssyncadd.s32 $0xFFFFF800  }
0x3c2: {  	[spmem:s2] =	stream.indirect.scatter.add.f32 [tilespmem:s25], [sflag:$0x7], $0x80, s12, s23, $0xb8;
	[tilespmem:$0x18800] =	vst v63  }
0x3c3: {  	_ =	swait.ge [sflag:s9], $0x800  }
0x3c4: {  	[sflag:s9] =	ssyncset.done $0x0  }
0x3c5: {  	s14 =	simm.s32 $0x1100;
	[sflag:s9] =	ssyncadd.s32 $0xFFFFF800  }
0x3c6: {  	[spmem:s2] =	stream.indirect.scatter.add.f32 [tilespmem:s28], [sflag:$0x8], $0x80, s14, s23, $0xb8;
	[tilespmem:$0x18800] =	vst v63  }
0x3c7: {  	_ =	swait.ge [sflag:s11], $0x800  }
0x3c8: {  	[sflag:s11] =	ssyncset.done $0x0  }
0x3c9: {  	s16 =	simm.s32 $0x1180;
	[sflag:s11] =	ssyncadd.s32 $0xFFFFF800  }
0x3ca: {  	[spmem:s2] =	stream.indirect.scatter.add.f32 [tilespmem:s30], [sflag:$0x9], $0x80, s16, s23, $0xb8;
	[tilespmem:$0x18800] =	vst v63  }
0x3cb: {  	_ =	swait.ge [sflag:s13], $0x800  }
0x3cc: {  	[sflag:s13] =	ssyncset.done $0x0  }
0x3cd: {  	s26 =	simm.s32 $0x1200;
	[sflag:s13] =	ssyncadd.s32 $0xFFFFF800  }
0x3ce: {  	[spmem:s2] =	stream.indirect.scatter.add.f32 [tilespmem:s0], [sflag:$0xA], $0x80, s26, s23, $0xb8;
	[tilespmem:$0x18800] =	vst v63  }
0x3cf: {  	_ =	swait.ge [sflag:s15], $0x800  }
0x3d0: {  	[sflag:s15] =	ssyncset.done $0x0  }
0x3d1: {  	s12 =	simm.s32 $0x280;
	[sflag:s15] =	ssyncadd.s32 $0xFFFFF800  }
0x3d2: {  	[tilespmem:s20], [sflag:$0x1] =	stream.indirect.gather [hbm4b:s4+s23], $0x80, s12, s23, $0xb8;
	[tilespmem:$0x18800] =	vst v63  }
0x3d3: {  	_ =	swait.ge [sflag:s17], $0x800  }
0x3d4: {  	[sflag:s17] =	ssyncset.done $0x0  }
0x3d5: {  	s14 =	simm.s32 $0x300;
	[sflag:s17] =	ssyncadd.s32 $0xFFFFF800  }
0x3d6: {  	[tilespmem:s25], [sflag:$0x2] =	stream.indirect.gather [hbm4b:s4+s23], $0x80, s14, s23, $0xb8;
	[tilespmem:$0x18800] =	vst v63  }
0x3d7: {  	_ =	swait.ge [sflag:s24], $0x800  }
0x3d8: {  	[sflag:s24] =	ssyncset.done $0x0  }
0x3d9: {  	s16 =	simm.s32 $0x380;
	[sflag:s24] =	ssyncadd.s32 $0xFFFFF800  }
0x3da: {  	[tilespmem:s28], [sflag:$0x3] =	stream.indirect.gather [hbm4b:s4+s23], $0x80, s16, s23, $0xb8;
	[tilespmem:$0x18800] =	vst v63  }
0x3db: {  	_ =	swait.ge [sflag:s29], $0x800  }
0x3dc: {  	[sflag:s29] =	ssyncset.done $0x0  }
0x3dd: {  	s26 =	simm.s32 $0x400;
	[sflag:s29] =	ssyncadd.s32 $0xFFFFF800  }
0x3de: {  	[tilespmem:s30], [sflag:$0x4] =	stream.indirect.gather [hbm4b:s4+s23], $0x80, s26, s23, $0xb8;
	[tilespmem:$0x18800] =	vst v63  }
0x3df: {  	_ =	swait.ge [sflag:s1], $0x800  }
0x3e0: {  	[sflag:s1] =	ssyncset.done $0x0  }
0x3e1: {  	s12 =	simm.s32 $0x480;
	[sflag:s1] =	ssyncadd.s32 $0xFFFFF800  }
0x3e2: {  	[tilespmem:s0], [sflag:$0x5] =	stream.indirect.gather [hbm4b:s4+s23], $0x80, s12, s23, $0xb8;
	[tilespmem:$0x18800] =	vst v63  }
0x3e3: {  	_ =	swait.ge [sflag:s6], $0x800  }
0x3e4: {  	[sflag:s6] =	ssyncset.done $0x0  }
0x3e5: {  	s14 =	simm.s32 $0x1280;
	[sflag:s6] =	ssyncadd.s32 $0xFFFFF800  }
0x3e6: {  	[spmem:s2] =	stream.indirect.scatter.add.f32 [tilespmem:s20], [sflag:$0x6], $0x80, s14, s23, $0xb8;
	[tilespmem:$0x18800] =	vst v63  }
0x3e7: {  	_ =	swait.ge [sflag:s8], $0x800  }
0x3e8: {  	[sflag:s8] =	ssyncset.done $0x0  }
0x3e9: {  	s16 =	simm.s32 $0x1300;
	[sflag:s8] =	ssyncadd.s32 $0xFFFFF800  }
0x3ea: {  	[spmem:s2] =	stream.indirect.scatter.add.f32 [tilespmem:s25], [sflag:$0x7], $0x80, s16, s23, $0xb8;
	[tilespmem:$0x18800] =	vst v63  }
0x3eb: {  	_ =	swait.ge [sflag:s9], $0x800  }
0x3ec: {  	[sflag:s9] =	ssyncset.done $0x0  }
0x3ed: {  	s26 =	simm.s32 $0x1380;
	[sflag:s9] =	ssyncadd.s32 $0xFFFFF800  }
0x3ee: {  	[spmem:s2] =	stream.indirect.scatter.add.f32 [tilespmem:s28], [sflag:$0x8], $0x80, s26, s23, $0xb8;
	[tilespmem:$0x18800] =	vst v63  }
0x3ef: {  	_ =	swait.ge [sflag:s11], $0x800  }
0x3f0: {  	[sflag:s11] =	ssyncset.done $0x0  }
0x3f1: {  	s12 =	simm.s32 $0x1400;
	[sflag:s11] =	ssyncadd.s32 $0xFFFFF800  }
0x3f2: {  	[spmem:s2] =	stream.indirect.scatter.add.f32 [tilespmem:s30], [sflag:$0x9], $0x80, s12, s23, $0xb8;
	[tilespmem:$0x18800] =	vst v63  }
0x3f3: {  	_ =	swait.ge [sflag:s13], $0x800  }
0x3f4: {  	[sflag:s13] =	ssyncset.done $0x0  }
0x3f5: {  	s14 =	simm.s32 $0x1480;
	[sflag:s13] =	ssyncadd.s32 $0xFFFFF800  }
0x3f6: {  	[spmem:s2] =	stream.indirect.scatter.add.f32 [tilespmem:s0], [sflag:$0xA], $0x80, s14, s23, $0xb8;
	[tilespmem:$0x18800] =	vst v63  }
0x3f7: {  	_ =	swait.ge [sflag:s15], $0x800  }
0x3f8: {  	[sflag:s15] =	ssyncset.done $0x0  }
0x3f9: {  	s16 =	simm.s32 $0x500;
	[sflag:s15] =	ssyncadd.s32 $0xFFFFF800  }
0x3fa: {  	[tilespmem:s20], [sflag:$0x1] =	stream.indirect.gather [hbm4b:s4+s23], $0x80, s16, s23, $0xb8;
	[tilespmem:$0x18800] =	vst v63  }
0x3fb: {  	_ =	swait.ge [sflag:s17], $0x800  }
0x3fc: {  	[sflag:s17] =	ssyncset.done $0x0  }
0x3fd: {  	s26 =	simm.s32 $0x580;
	[sflag:s17] =	ssyncadd.s32 $0xFFFFF800  }
0x3fe: {  	[tilespmem:s25], [sflag:$0x2] =	stream.indirect.gather [hbm4b:s4+s23], $0x80, s26, s23, $0xb8;
	[tilespmem:$0x18800] =	vst v63  }
0x3ff: {  	_ =	swait.ge [sflag:s24], $0x800  }
0x400: {  	[sflag:s24] =	ssyncset.done $0x0  }
0x401: {  	s12 =	simm.s32 $0x600;
	[sflag:s24] =	ssyncadd.s32 $0xFFFFF800  }
0x402: {  	[tilespmem:s28], [sflag:$0x3] =	stream.indirect.gather [hbm4b:s4+s23], $0x80, s12, s23, $0xb8;
	[tilespmem:$0x18800] =	vst v63  }
0x403: {  	_ =	swait.ge [sflag:s29], $0x800  }
0x404: {  	[sflag:s29] =	ssyncset.done $0x0  }
0x405: {  	s14 =	simm.s32 $0x680;
	[sflag:s29] =	ssyncadd.s32 $0xFFFFF800  }
0x406: {  	[tilespmem:s30], [sflag:$0x4] =	stream.indirect.gather [hbm4b:s4+s23], $0x80, s14, s23, $0xb8;
	[tilespmem:$0x18800] =	vst v63  }
0x407: {  	_ =	swait.ge [sflag:s1], $0x800  }
0x408: {  	[sflag:s1] =	ssyncset.done $0x0  }
0x409: {  	s16 =	simm.s32 $0x700;
	[sflag:s1] =	ssyncadd.s32 $0xFFFFF800  }
0x40a: {  	[tilespmem:s0], [sflag:$0x5] =	stream.indirect.gather [hbm4b:s4+s23], $0x80, s16, s23, $0xb8;
	[tilespmem:$0x18800] =	vst v63  }
0x40b: {  	_ =	swait.ge [sflag:s6], $0x800  }
0x40c: {  	[sflag:s6] =	ssyncset.done $0x0  }
0x40d: {  	s26 =	simm.s32 $0x1500;
	[sflag:s6] =	ssyncadd.s32 $0xFFFFF800  }
0x40e: {  	[spmem:s2] =	stream.indirect.scatter.add.f32 [tilespmem:s20], [sflag:$0x6], $0x80, s26, s23, $0xb8;
	[tilespmem:$0x18800] =	vst v63  }
0x40f: {  	_ =	swait.ge [sflag:s8], $0x800  }
0x410: {  	[sflag:s8] =	ssyncset.done $0x0  }
0x411: {  	s12 =	simm.s32 $0x1580;
	[sflag:s8] =	ssyncadd.s32 $0xFFFFF800  }
0x412: {  	[spmem:s2] =	stream.indirect.scatter.add.f32 [tilespmem:s25], [sflag:$0x7], $0x80, s12, s23, $0xb8;
	[tilespmem:$0x18800] =	vst v63  }
0x413: {  	_ =	swait.ge [sflag:s9], $0x800  }
0x414: {  	[sflag:s9] =	ssyncset.done $0x0  }
0x415: {  	s14 =	simm.s32 $0x1600;
	[sflag:s9] =	ssyncadd.s32 $0xFFFFF800  }
0x416: {  	[spmem:s2] =	stream.indirect.scatter.add.f32 [tilespmem:s28], [sflag:$0x8], $0x80, s14, s23, $0xb8;
	[tilespmem:$0x18800] =	vst v63  }
0x417: {  	_ =	swait.ge [sflag:s11], $0x800  }
0x418: {  	[sflag:s11] =	ssyncset.done $0x0  }
0x419: {  	s16 =	simm.s32 $0x1680;
	[sflag:s11] =	ssyncadd.s32 $0xFFFFF800  }
0x41a: {  	[spmem:s2] =	stream.indirect.scatter.add.f32 [tilespmem:s30], [sflag:$0x9], $0x80, s16, s23, $0xb8;
	[tilespmem:$0x18800] =	vst v63  }
0x41b: {  	_ =	swait.ge [sflag:s13], $0x800  }
0x41c: {  	[sflag:s13] =	ssyncset.done $0x0  }
0x41d: {  	s26 =	simm.s32 $0x1700;
	[sflag:s13] =	ssyncadd.s32 $0xFFFFF800  }
0x41e: {  	[spmem:s2] =	stream.indirect.scatter.add.f32 [tilespmem:s0], [sflag:$0xA], $0x80, s26, s23, $0xb8;
	[tilespmem:$0x18800] =	vst v63  }
0x41f: {  	_ =	swait.ge [sflag:s15], $0x800  }
0x420: {  	[sflag:s15] =	ssyncset.done $0x0  }
0x421: {  	s12 =	simm.s32 $0x780;
	[sflag:s15] =	ssyncadd.s32 $0xFFFFF800  }
0x422: {  	[tilespmem:s20], [sflag:$0x1] =	stream.indirect.gather [hbm4b:s4+s23], $0x80, s12, s23, $0xb8;
	[tilespmem:$0x18800] =	vst v63  }
0x423: {  	_ =	swait.ge [sflag:s17], $0x800  }
0x424: {  	[sflag:s17] =	ssyncset.done $0x0  }
0x425: {  	s14 =	simm.s32 $0x800;
	[sflag:s17] =	ssyncadd.s32 $0xFFFFF800  }
0x426: {  	[tilespmem:s25], [sflag:$0x2] =	stream.indirect.gather [hbm4b:s4+s23], $0x80, s14, s23, $0xb8;
	[tilespmem:$0x18800] =	vst v63  }
0x427: {  	_ =	swait.ge [sflag:s24], $0x800  }
0x428: {  	[sflag:s24] =	ssyncset.done $0x0  }
0x429: {  	s16 =	simm.s32 $0x880;
	[sflag:s24] =	ssyncadd.s32 $0xFFFFF800  }
0x42a: {  	[tilespmem:s28], [sflag:$0x3] =	stream.indirect.gather [hbm4b:s4+s23], $0x80, s16, s23, $0xb8;
	[tilespmem:$0x18800] =	vst v63  }
0x42b: {  	_ =	swait.ge [sflag:s29], $0x800  }
0x42c: {  	[sflag:s29] =	ssyncset.done $0x0  }
0x42d: {  	s26 =	simm.s32 $0x900;
	[sflag:s29] =	ssyncadd.s32 $0xFFFFF800  }
0x42e: {  	[tilespmem:s30], [sflag:$0x4] =	stream.indirect.gather [hbm4b:s4+s23], $0x80, s26, s23, $0xb8;
	[tilespmem:$0x18800] =	vst v63  }
0x42f: {  	_ =	swait.ge [sflag:s1], $0x800  }
0x430: {  	[sflag:s1] =	ssyncset.done $0x0  }
0x431: {  	s12 =	simm.s32 $0x980;
	[sflag:s1] =	ssyncadd.s32 $0xFFFFF800  }
0x432: {  	[tilespmem:s0], [sflag:$0x5] =	stream.indirect.gather [hbm4b:s4+s23], $0x80, s12, s23, $0xb8;
	[tilespmem:$0x18800] =	vst v63  }
0x433: {  	_ =	swait.ge [sflag:s6], $0x800  }
0x434: {  	[sflag:s6] =	ssyncset.done $0x0  }
0x435: {  	s14 =	simm.s32 $0x1780;
	[sflag:s6] =	ssyncadd.s32 $0xFFFFF800  }
0x436: {  	[spmem:s2] =	stream.indirect.scatter.add.f32 [tilespmem:s20], [sflag:$0x6], $0x80, s14, s23, $0xb8;
	[tilespmem:$0x18800] =	vst v63  }
0x437: {  	_ =	swait.ge [sflag:s8], $0x800  }
0x438: {  	[sflag:s8] =	ssyncset.done $0x0  }
0x439: {  	s16 =	simm.s32 $0x1800;
	[sflag:s8] =	ssyncadd.s32 $0xFFFFF800  }
0x43a: {  	[spmem:s2] =	stream.indirect.scatter.add.f32 [tilespmem:s25], [sflag:$0x7], $0x80, s16, s23, $0xb8;
	[tilespmem:$0x18800] =	vst v63  }
0x43b: {  	_ =	swait.ge [sflag:s9], $0x800  }
0x43c: {  	[sflag:s9] =	ssyncset.done $0x0  }
0x43d: {  	s26 =	simm.s32 $0x1880;
	[sflag:s9] =	ssyncadd.s32 $0xFFFFF800  }
0x43e: {  	[spmem:s2] =	stream.indirect.scatter.add.f32 [tilespmem:s28], [sflag:$0x8], $0x80, s26, s23, $0xb8;
	[tilespmem:$0x18800] =	vst v63  }
0x43f: {  	_ =	swait.ge [sflag:s11], $0x800  }
0x440: {  	[sflag:s11] =	ssyncset.done $0x0  }
0x441: {  	s12 =	simm.s32 $0x1900;
	[sflag:s11] =	ssyncadd.s32 $0xFFFFF800  }
0x442: {  	[spmem:s2] =	stream.indirect.scatter.add.f32 [tilespmem:s30], [sflag:$0x9], $0x80, s12, s23, $0xb8;
	[tilespmem:$0x18800] =	vst v63  }
0x443: {  	_ =	swait.ge [sflag:s13], $0x800  }
0x444: {  	[sflag:s13] =	ssyncset.done $0x0  }
0x445: {  	s14 =	simm.s32 $0x1980;
	[sflag:s13] =	ssyncadd.s32 $0xFFFFF800  }
0x446: {  	[spmem:s2] =	stream.indirect.scatter.add.f32 [tilespmem:s0], [sflag:$0xA], $0x80, s14, s23, $0xb8;
	[tilespmem:$0x18800] =	vst v63  }
0x447: {  	_ =	swait.ge [sflag:s15], $0x800  }
0x448: {  	[sflag:s15] =	ssyncset.done $0x0  }
0x449: {  	s16 =	simm.s32 $0xA00;
	[sflag:s15] =	ssyncadd.s32 $0xFFFFF800  }
0x44a: {  	[tilespmem:s20], [sflag:$0x1] =	stream.indirect.gather [hbm4b:s4+s23], $0x80, s16, s23, $0xb8;
	[tilespmem:$0x18800] =	vst v63  }
0x44b: {  	_ =	swait.ge [sflag:s17], $0x800  }
0x44c: {  	[sflag:s17] =	ssyncset.done $0x0  }
0x44d: {  	s26 =	simm.s32 $0xA80;
	[sflag:s17] =	ssyncadd.s32 $0xFFFFF800  }
0x44e: {  	[tilespmem:s25], [sflag:$0x2] =	stream.indirect.gather [hbm4b:s4+s23], $0x80, s26, s23, $0xb8;
	[tilespmem:$0x18800] =	vst v63  }
0x44f: {  	_ =	swait.ge [sflag:s24], $0x800  }
0x450: {  	[sflag:s24] =	ssyncset.done $0x0  }
0x451: {  	s12 =	simm.s32 $0xB00;
	[sflag:s24] =	ssyncadd.s32 $0xFFFFF800  }
0x452: {  	[tilespmem:s28], [sflag:$0x3] =	stream.indirect.gather [hbm4b:s4+s23], $0x80, s12, s23, $0xb8;
	[tilespmem:$0x18800] =	vst v63  }
0x453: {  	_ =	swait.ge [sflag:s29], $0x800  }
0x454: {  	[sflag:s29] =	ssyncset.done $0x0  }
0x455: {  	s14 =	simm.s32 $0xB80;
	[sflag:s29] =	ssyncadd.s32 $0xFFFFF800  }
0x456: {  	[tilespmem:s30], [sflag:$0x4] =	stream.indirect.gather [hbm4b:s4+s23], $0x80, s14, s23, $0xb8;
	[tilespmem:$0x18800] =	vst v63  }
0x457: {  	_ =	swait.ge [sflag:s1], $0x800  }
0x458: {  	[sflag:s1] =	ssyncset.done $0x0  }
0x459: {  	s16 =	simm.s32 $0xC00;
	[sflag:s1] =	ssyncadd.s32 $0xFFFFF800  }
0x45a: {  	[tilespmem:s0], [sflag:$0x5] =	stream.indirect.gather [hbm4b:s4+s23], $0x80, s16, s23, $0xb8;
	[tilespmem:$0x18800] =	vst v63  }
0x45b: {  	_ =	swait.ge [sflag:s6], $0x800  }
0x45c: {  	[sflag:s6] =	ssyncset.done $0x0  }
0x45d: {  	s26 =	simm.s32 $0x1A00;
	[sflag:s6] =	ssyncadd.s32 $0xFFFFF800  }
0x45e: {  	[spmem:s2] =	stream.indirect.scatter.add.f32 [tilespmem:s20], [sflag:$0x6], $0x80, s26, s23, $0xb8;
	[tilespmem:$0x18800] =	vst v63  }
0x45f: {  	_ =	swait.ge [sflag:s8], $0x800  }
0x460: {  	[sflag:s8] =	ssyncset.done $0x0  }
0x461: {  	s12 =	simm.s32 $0x1A80;
	[sflag:s8] =	ssyncadd.s32 $0xFFFFF800  }
0x462: {  	[spmem:s2] =	stream.indirect.scatter.add.f32 [tilespmem:s25], [sflag:$0x7], $0x80, s12, s23, $0xb8;
	[tilespmem:$0x18800] =	vst v63  }
0x463: {  	_ =	swait.ge [sflag:s9], $0x800  }
0x464: {  	[sflag:s9] =	ssyncset.done $0x0  }
0x465: {  	s14 =	simm.s32 $0x1B00;
	[sflag:s9] =	ssyncadd.s32 $0xFFFFF800  }
0x466: {  	[spmem:s2] =	stream.indirect.scatter.add.f32 [tilespmem:s28], [sflag:$0x8], $0x80, s14, s23, $0xb8;
	[tilespmem:$0x18800] =	vst v63  }
0x467: {  	_ =	swait.ge [sflag:s11], $0x800  }
0x468: {  	[sflag:s11] =	ssyncset.done $0x0  }
0x469: {  	s16 =	simm.s32 $0x1B80;
	[sflag:s11] =	ssyncadd.s32 $0xFFFFF800  }
0x46a: {  	[spmem:s2] =	stream.indirect.scatter.add.f32 [tilespmem:s30], [sflag:$0x9], $0x80, s16, s23, $0xb8;
	[tilespmem:$0x18800] =	vst v63  }
0x46b: {  	_ =	swait.ge [sflag:s13], $0x800  }
0x46c: {  	[sflag:s13] =	ssyncset.done $0x0  }
0x46d: {  	s26 =	simm.s32 $0x1C00;
	[sflag:s13] =	ssyncadd.s32 $0xFFFFF800  }
0x46e: {  	[spmem:s2] =	stream.indirect.scatter.add.f32 [tilespmem:s0], [sflag:$0xA], $0x80, s26, s23, $0xb8;
	[tilespmem:$0x18800] =	vst v63  }
0x46f: {  	_ =	swait.ge [sflag:s15], $0x800  }
0x470: {  	[sflag:s15] =	ssyncset.done $0x0  }
0x471: {  	[sflag:s15] =	ssyncadd.s32 $0xFFFFF800  }
0x472: {  	_ =	swait.ge [sflag:s17], $0x800  }
0x473: {  	[sflag:s17] =	ssyncset.done $0x0  }
0x474: {  	[sflag:s17] =	ssyncadd.s32 $0xFFFFF800  }
0x475: {  	_ =	swait.ge [sflag:s24], $0x800  }
0x476: {  	[sflag:s24] =	ssyncset.done $0x0  }
0x477: {  	[sflag:s24] =	ssyncadd.s32 $0xFFFFF800  }
0x478: {  	_ =	swait.ge [sflag:s29], $0x800  }
0x479: {  	[sflag:s29] =	ssyncset.done $0x0  }
0x47a: {  	[sflag:s29] =	ssyncadd.s32 $0xFFFFF800  }
0x47b: {  	_ =	swait.ge [sflag:s1], $0x800  }
0x47c: {  	s12 =	simm.s32 $0x200;
	s14 =	simm.s32 $0x400;
	[sflag:s1] =	ssyncset.done $0x0  }
.LBB2_5:
0x47d: {  	s7 =	sadd.s32 s12, s19  }
0x47e: {  	[sflag:s1] =	ssyncadd.s32 $0xFFFFF800;
	s26 =	smov.u32 s14;
	s16 =	sadd.s32 $0x200, s14  }
0x47f: {  	[tilespmem:s3], [sflag:$0xB] =	stream.linear.gather [hbm4b:s7+s3], $0xC80, $0x38;
	[tilespmem:$0x18800] =	vst v63  }
0x480: {  	p1 =	seq.s32 s14, $0x3000;
	_ =	swait.ge [sflag:s21], $0xC80  }
0x481: {  	s7 =	sadd.s32 s12, s18;
	[sflag:s21] =	ssyncset.done $0x0  }
0x482: {  	s12 =	smov.u32 s26;
	s26 =	simm.s32 $0x80;
	[sflag:s21] =	ssyncadd.s32 $0xFFFFF380  }
0x483: {  	[tilespmem:s22], [sflag:$0xB] =	stream.linear.gather [hbm4b:s7+s3], $0xC80, $0x38;
	[tilespmem:$0x18800] =	vst v63  }
0x484: {  	_ =	swait.ge [sflag:s21], $0xC80  }
0x485: {  	[sflag:s21] =	ssyncset.done $0x0  }
0x486: {  	[sflag:s21] =	ssyncadd.s32 $0xFFFFF380  }
0x487: {  	[tilespmem:s20], [sflag:$0x1] =	stream.indirect.gather [hbm4b:s4+s23], $0x80, s3, s23, $0xb8;
	[tilespmem:$0x18800] =	vst v63  }
0x488: {  	_ = 	snop  }
0x489: {  	[tilespmem:s25], [sflag:$0x2] =	stream.indirect.gather [hbm4b:s4+s23], $0x80, s26, s23, $0xb8;
	[tilespmem:$0x18800] =	vst v63  }
0x48a: {  	_ = 	snop  }
0x48b: {  	[tilespmem:s28], [sflag:$0x3] =	stream.indirect.gather [hbm4b:s4+s23], $0x80, s31, s23, $0xb8;
	[tilespmem:$0x18800] =	vst v63  }
0x48c: {  	_ = 	snop  }
0x48d: {  	[tilespmem:s30], [sflag:$0x4] =	stream.indirect.gather [hbm4b:s4+s23], $0x80, s10, s23, $0xb8;
	[tilespmem:$0x18800] =	vst v63  }
0x48e: {  	s7 =	simm.s32 $0x200  }
0x48f: {  	[tilespmem:s0], [sflag:$0x5] =	stream.indirect.gather [hbm4b:s4+s23], $0x80, s7, s23, $0xb8;
	[tilespmem:$0x18800] =	vst v63  }
0x490: {  	_ =	swait.ge [sflag:s6], $0x800  }
0x491: {  	[sflag:s6] =	ssyncset.done $0x0  }
0x492: {  	[sflag:s6] =	ssyncadd.s32 $0xFFFFF800  }
0x493: {  	[spmem:s2] =	stream.indirect.scatter.add.f32 [tilespmem:s20], [sflag:$0x6], $0x80, s22, s23, $0xb8;
	[tilespmem:$0x18800] =	vst v63  }
0x494: {  	_ =	swait.ge [sflag:s8], $0x800  }
0x495: {  	[sflag:s8] =	ssyncset.done $0x0  }
0x496: {  	s7 =	simm.s32 $0x1080;
	[sflag:s8] =	ssyncadd.s32 $0xFFFFF800  }
0x497: {  	[spmem:s2] =	stream.indirect.scatter.add.f32 [tilespmem:s25], [sflag:$0x7], $0x80, s7, s23, $0xb8;
	[tilespmem:$0x18800] =	vst v63  }
0x498: {  	_ =	swait.ge [sflag:s9], $0x800  }
0x499: {  	[sflag:s9] =	ssyncset.done $0x0  }
0x49a: {  	s7 =	simm.s32 $0x1100;
	[sflag:s9] =	ssyncadd.s32 $0xFFFFF800  }
0x49b: {  	[spmem:s2] =	stream.indirect.scatter.add.f32 [tilespmem:s28], [sflag:$0x8], $0x80, s7, s23, $0xb8;
	[tilespmem:$0x18800] =	vst v63  }
0x49c: {  	_ =	swait.ge [sflag:s11], $0x800  }
0x49d: {  	[sflag:s11] =	ssyncset.done $0x0  }
0x49e: {  	s7 =	simm.s32 $0x1180;
	[sflag:s11] =	ssyncadd.s32 $0xFFFFF800  }
0x49f: {  	[spmem:s2] =	stream.indirect.scatter.add.f32 [tilespmem:s30], [sflag:$0x9], $0x80, s7, s23, $0xb8;
	[tilespmem:$0x18800] =	vst v63  }
0x4a0: {  	_ =	swait.ge [sflag:s13], $0x800  }
0x4a1: {  	[sflag:s13] =	ssyncset.done $0x0  }
0x4a2: {  	s7 =	simm.s32 $0x1200;
	[sflag:s13] =	ssyncadd.s32 $0xFFFFF800  }
0x4a3: {  	[spmem:s2] =	stream.indirect.scatter.add.f32 [tilespmem:s0], [sflag:$0xA], $0x80, s7, s23, $0xb8;
	[tilespmem:$0x18800] =	vst v63  }
0x4a4: {  	_ =	swait.ge [sflag:s15], $0x800  }
0x4a5: {  	[sflag:s15] =	ssyncset.done $0x0  }
0x4a6: {  	s7 =	simm.s32 $0x280;
	[sflag:s15] =	ssyncadd.s32 $0xFFFFF800  }
0x4a7: {  	[tilespmem:s20], [sflag:$0x1] =	stream.indirect.gather [hbm4b:s4+s23], $0x80, s7, s23, $0xb8;
	[tilespmem:$0x18800] =	vst v63  }
0x4a8: {  	_ =	swait.ge [sflag:s17], $0x800  }
0x4a9: {  	[sflag:s17] =	ssyncset.done $0x0  }
0x4aa: {  	s7 =	simm.s32 $0x300;
	[sflag:s17] =	ssyncadd.s32 $0xFFFFF800  }
0x4ab: {  	[tilespmem:s25], [sflag:$0x2] =	stream.indirect.gather [hbm4b:s4+s23], $0x80, s7, s23, $0xb8;
	[tilespmem:$0x18800] =	vst v63  }
0x4ac: {  	_ =	swait.ge [sflag:s24], $0x800  }
0x4ad: {  	[sflag:s24] =	ssyncset.done $0x0  }
0x4ae: {  	s7 =	simm.s32 $0x380;
	[sflag:s24] =	ssyncadd.s32 $0xFFFFF800  }
0x4af: {  	[tilespmem:s28], [sflag:$0x3] =	stream.indirect.gather [hbm4b:s4+s23], $0x80, s7, s23, $0xb8;
	[tilespmem:$0x18800] =	vst v63  }
0x4b0: {  	_ =	swait.ge [sflag:s29], $0x800  }
0x4b1: {  	[sflag:s29] =	ssyncset.done $0x0  }
0x4b2: {  	s7 =	simm.s32 $0x400;
	[sflag:s29] =	ssyncadd.s32 $0xFFFFF800  }
0x4b3: {  	[tilespmem:s30], [sflag:$0x4] =	stream.indirect.gather [hbm4b:s4+s23], $0x80, s7, s23, $0xb8;
	[tilespmem:$0x18800] =	vst v63  }
0x4b4: {  	_ =	swait.ge [sflag:s1], $0x800  }
0x4b5: {  	[sflag:s1] =	ssyncset.done $0x0  }
0x4b6: {  	s7 =	simm.s32 $0x480;
	[sflag:s1] =	ssyncadd.s32 $0xFFFFF800  }
0x4b7: {  	[tilespmem:s0], [sflag:$0x5] =	stream.indirect.gather [hbm4b:s4+s23], $0x80, s7, s23, $0xb8;
	[tilespmem:$0x18800] =	vst v63  }
0x4b8: {  	_ =	swait.ge [sflag:s6], $0x800  }
0x4b9: {  	[sflag:s6] =	ssyncset.done $0x0  }
0x4ba: {  	s7 =	simm.s32 $0x1280;
	[sflag:s6] =	ssyncadd.s32 $0xFFFFF800  }
0x4bb: {  	[spmem:s2] =	stream.indirect.scatter.add.f32 [tilespmem:s20], [sflag:$0x6], $0x80, s7, s23, $0xb8;
	[tilespmem:$0x18800] =	vst v63  }
0x4bc: {  	_ =	swait.ge [sflag:s8], $0x800  }
0x4bd: {  	[sflag:s8] =	ssyncset.done $0x0  }
0x4be: {  	s7 =	simm.s32 $0x1300;
	[sflag:s8] =	ssyncadd.s32 $0xFFFFF800  }
0x4bf: {  	[spmem:s2] =	stream.indirect.scatter.add.f32 [tilespmem:s25], [sflag:$0x7], $0x80, s7, s23, $0xb8;
	[tilespmem:$0x18800] =	vst v63  }
0x4c0: {  	_ =	swait.ge [sflag:s9], $0x800  }
0x4c1: {  	[sflag:s9] =	ssyncset.done $0x0  }
0x4c2: {  	s7 =	simm.s32 $0x1380;
	[sflag:s9] =	ssyncadd.s32 $0xFFFFF800  }
0x4c3: {  	[spmem:s2] =	stream.indirect.scatter.add.f32 [tilespmem:s28], [sflag:$0x8], $0x80, s7, s23, $0xb8;
	[tilespmem:$0x18800] =	vst v63  }
0x4c4: {  	_ =	swait.ge [sflag:s11], $0x800  }
0x4c5: {  	[sflag:s11] =	ssyncset.done $0x0  }
0x4c6: {  	s7 =	simm.s32 $0x1400;
	[sflag:s11] =	ssyncadd.s32 $0xFFFFF800  }
0x4c7: {  	[spmem:s2] =	stream.indirect.scatter.add.f32 [tilespmem:s30], [sflag:$0x9], $0x80, s7, s23, $0xb8;
	[tilespmem:$0x18800] =	vst v63  }
0x4c8: {  	_ =	swait.ge [sflag:s13], $0x800  }
0x4c9: {  	[sflag:s13] =	ssyncset.done $0x0  }
0x4ca: {  	s7 =	simm.s32 $0x1480;
	[sflag:s13] =	ssyncadd.s32 $0xFFFFF800  }
0x4cb: {  	[spmem:s2] =	stream.indirect.scatter.add.f32 [tilespmem:s0], [sflag:$0xA], $0x80, s7, s23, $0xb8;
	[tilespmem:$0x18800] =	vst v63  }
0x4cc: {  	_ =	swait.ge [sflag:s15], $0x800  }
0x4cd: {  	[sflag:s15] =	ssyncset.done $0x0  }
0x4ce: {  	s7 =	simm.s32 $0x500;
	[sflag:s15] =	ssyncadd.s32 $0xFFFFF800  }
0x4cf: {  	[tilespmem:s20], [sflag:$0x1] =	stream.indirect.gather [hbm4b:s4+s23], $0x80, s7, s23, $0xb8;
	[tilespmem:$0x18800] =	vst v63  }
0x4d0: {  	_ =	swait.ge [sflag:s17], $0x800  }
0x4d1: {  	[sflag:s17] =	ssyncset.done $0x0  }
0x4d2: {  	s7 =	simm.s32 $0x580;
	[sflag:s17] =	ssyncadd.s32 $0xFFFFF800  }
0x4d3: {  	[tilespmem:s25], [sflag:$0x2] =	stream.indirect.gather [hbm4b:s4+s23], $0x80, s7, s23, $0xb8;
	[tilespmem:$0x18800] =	vst v63  }
0x4d4: {  	_ =	swait.ge [sflag:s24], $0x800  }
0x4d5: {  	[sflag:s24] =	ssyncset.done $0x0  }
0x4d6: {  	s7 =	simm.s32 $0x600;
	[sflag:s24] =	ssyncadd.s32 $0xFFFFF800  }
0x4d7: {  	[tilespmem:s28], [sflag:$0x3] =	stream.indirect.gather [hbm4b:s4+s23], $0x80, s7, s23, $0xb8;
	[tilespmem:$0x18800] =	vst v63  }
0x4d8: {  	_ =	swait.ge [sflag:s29], $0x800  }
0x4d9: {  	[sflag:s29] =	ssyncset.done $0x0  }
0x4da: {  	s7 =	simm.s32 $0x680;
	[sflag:s29] =	ssyncadd.s32 $0xFFFFF800  }
0x4db: {  	[tilespmem:s30], [sflag:$0x4] =	stream.indirect.gather [hbm4b:s4+s23], $0x80, s7, s23, $0xb8;
	[tilespmem:$0x18800] =	vst v63  }
0x4dc: {  	_ =	swait.ge [sflag:s1], $0x800  }
0x4dd: {  	[sflag:s1] =	ssyncset.done $0x0  }
0x4de: {  	s7 =	simm.s32 $0x700;
	[sflag:s1] =	ssyncadd.s32 $0xFFFFF800  }
0x4df: {  	[tilespmem:s0], [sflag:$0x5] =	stream.indirect.gather [hbm4b:s4+s23], $0x80, s7, s23, $0xb8;
	[tilespmem:$0x18800] =	vst v63  }
0x4e0: {  	_ =	swait.ge [sflag:s6], $0x800  }
0x4e1: {  	[sflag:s6] =	ssyncset.done $0x0  }
0x4e2: {  	s7 =	simm.s32 $0x1500;
	[sflag:s6] =	ssyncadd.s32 $0xFFFFF800  }
0x4e3: {  	[spmem:s2] =	stream.indirect.scatter.add.f32 [tilespmem:s20], [sflag:$0x6], $0x80, s7, s23, $0xb8;
	[tilespmem:$0x18800] =	vst v63  }
0x4e4: {  	_ =	swait.ge [sflag:s8], $0x800  }
0x4e5: {  	[sflag:s8] =	ssyncset.done $0x0  }
0x4e6: {  	s7 =	simm.s32 $0x1580;
	[sflag:s8] =	ssyncadd.s32 $0xFFFFF800  }
0x4e7: {  	[spmem:s2] =	stream.indirect.scatter.add.f32 [tilespmem:s25], [sflag:$0x7], $0x80, s7, s23, $0xb8;
	[tilespmem:$0x18800] =	vst v63  }
0x4e8: {  	_ =	swait.ge [sflag:s9], $0x800  }
0x4e9: {  	[sflag:s9] =	ssyncset.done $0x0  }
0x4ea: {  	s7 =	simm.s32 $0x1600;
	[sflag:s9] =	ssyncadd.s32 $0xFFFFF800  }
0x4eb: {  	[spmem:s2] =	stream.indirect.scatter.add.f32 [tilespmem:s28], [sflag:$0x8], $0x80, s7, s23, $0xb8;
	[tilespmem:$0x18800] =	vst v63  }
0x4ec: {  	_ =	swait.ge [sflag:s11], $0x800  }
0x4ed: {  	[sflag:s11] =	ssyncset.done $0x0  }
0x4ee: {  	s7 =	simm.s32 $0x1680;
	[sflag:s11] =	ssyncadd.s32 $0xFFFFF800  }
0x4ef: {  	[spmem:s2] =	stream.indirect.scatter.add.f32 [tilespmem:s30], [sflag:$0x9], $0x80, s7, s23, $0xb8;
	[tilespmem:$0x18800] =	vst v63  }
0x4f0: {  	_ =	swait.ge [sflag:s13], $0x800  }
0x4f1: {  	[sflag:s13] =	ssyncset.done $0x0  }
0x4f2: {  	s7 =	simm.s32 $0x1700;
	[sflag:s13] =	ssyncadd.s32 $0xFFFFF800  }
0x4f3: {  	[spmem:s2] =	stream.indirect.scatter.add.f32 [tilespmem:s0], [sflag:$0xA], $0x80, s7, s23, $0xb8;
	[tilespmem:$0x18800] =	vst v63  }
0x4f4: {  	_ =	swait.ge [sflag:s15], $0x800  }
0x4f5: {  	[sflag:s15] =	ssyncset.done $0x0  }
0x4f6: {  	s7 =	simm.s32 $0x780;
	[sflag:s15] =	ssyncadd.s32 $0xFFFFF800  }
0x4f7: {  	[tilespmem:s20], [sflag:$0x1] =	stream.indirect.gather [hbm4b:s4+s23], $0x80, s7, s23, $0xb8;
	[tilespmem:$0x18800] =	vst v63  }
0x4f8: {  	_ =	swait.ge [sflag:s17], $0x800  }
0x4f9: {  	[sflag:s17] =	ssyncset.done $0x0  }
0x4fa: {  	s7 =	simm.s32 $0x800;
	[sflag:s17] =	ssyncadd.s32 $0xFFFFF800  }
0x4fb: {  	[tilespmem:s25], [sflag:$0x2] =	stream.indirect.gather [hbm4b:s4+s23], $0x80, s7, s23, $0xb8;
	[tilespmem:$0x18800] =	vst v63  }
0x4fc: {  	_ =	swait.ge [sflag:s24], $0x800  }
0x4fd: {  	[sflag:s24] =	ssyncset.done $0x0  }
0x4fe: {  	s7 =	simm.s32 $0x880;
	[sflag:s24] =	ssyncadd.s32 $0xFFFFF800  }
0x4ff: {  	[tilespmem:s28], [sflag:$0x3] =	stream.indirect.gather [hbm4b:s4+s23], $0x80, s7, s23, $0xb8;
	[tilespmem:$0x18800] =	vst v63  }
0x500: {  	_ =	swait.ge [sflag:s29], $0x800  }
0x501: {  	[sflag:s29] =	ssyncset.done $0x0  }
0x502: {  	s7 =	simm.s32 $0x900;
	[sflag:s29] =	ssyncadd.s32 $0xFFFFF800  }
0x503: {  	[tilespmem:s30], [sflag:$0x4] =	stream.indirect.gather [hbm4b:s4+s23], $0x80, s7, s23, $0xb8;
	[tilespmem:$0x18800] =	vst v63  }
0x504: {  	_ =	swait.ge [sflag:s1], $0x800  }
0x505: {  	[sflag:s1] =	ssyncset.done $0x0  }
0x506: {  	s7 =	simm.s32 $0x980;
	[sflag:s1] =	ssyncadd.s32 $0xFFFFF800  }
0x507: {  	[tilespmem:s0], [sflag:$0x5] =	stream.indirect.gather [hbm4b:s4+s23], $0x80, s7, s23, $0xb8;
	[tilespmem:$0x18800] =	vst v63  }
0x508: {  	_ =	swait.ge [sflag:s6], $0x800  }
0x509: {  	[sflag:s6] =	ssyncset.done $0x0  }
0x50a: {  	s7 =	simm.s32 $0x1780;
	[sflag:s6] =	ssyncadd.s32 $0xFFFFF800  }
0x50b: {  	[spmem:s2] =	stream.indirect.scatter.add.f32 [tilespmem:s20], [sflag:$0x6], $0x80, s7, s23, $0xb8;
	[tilespmem:$0x18800] =	vst v63  }
0x50c: {  	_ =	swait.ge [sflag:s8], $0x800  }
0x50d: {  	[sflag:s8] =	ssyncset.done $0x0  }
0x50e: {  	s7 =	simm.s32 $0x1800;
	[sflag:s8] =	ssyncadd.s32 $0xFFFFF800  }
0x50f: {  	[spmem:s2] =	stream.indirect.scatter.add.f32 [tilespmem:s25], [sflag:$0x7], $0x80, s7, s23, $0xb8;
	[tilespmem:$0x18800] =	vst v63  }
0x510: {  	_ =	swait.ge [sflag:s9], $0x800  }
0x511: {  	[sflag:s9] =	ssyncset.done $0x0  }
0x512: {  	s7 =	simm.s32 $0x1880;
	[sflag:s9] =	ssyncadd.s32 $0xFFFFF800  }
0x513: {  	[spmem:s2] =	stream.indirect.scatter.add.f32 [tilespmem:s28], [sflag:$0x8], $0x80, s7, s23, $0xb8;
	[tilespmem:$0x18800] =	vst v63  }
0x514: {  	_ =	swait.ge [sflag:s11], $0x800  }
0x515: {  	[sflag:s11] =	ssyncset.done $0x0  }
0x516: {  	s7 =	simm.s32 $0x1900;
	[sflag:s11] =	ssyncadd.s32 $0xFFFFF800  }
0x517: {  	[spmem:s2] =	stream.indirect.scatter.add.f32 [tilespmem:s30], [sflag:$0x9], $0x80, s7, s23, $0xb8;
	[tilespmem:$0x18800] =	vst v63  }
0x518: {  	_ =	swait.ge [sflag:s13], $0x800  }
0x519: {  	[sflag:s13] =	ssyncset.done $0x0  }
0x51a: {  	s7 =	simm.s32 $0x1980;
	[sflag:s13] =	ssyncadd.s32 $0xFFFFF800  }
0x51b: {  	[spmem:s2] =	stream.indirect.scatter.add.f32 [tilespmem:s0], [sflag:$0xA], $0x80, s7, s23, $0xb8;
	[tilespmem:$0x18800] =	vst v63  }
0x51c: {  	_ =	swait.ge [sflag:s15], $0x800  }
0x51d: {  	[sflag:s15] =	ssyncset.done $0x0  }
0x51e: {  	s7 =	simm.s32 $0xA00;
	[sflag:s15] =	ssyncadd.s32 $0xFFFFF800  }
0x51f: {  	[tilespmem:s20], [sflag:$0x1] =	stream.indirect.gather [hbm4b:s4+s23], $0x80, s7, s23, $0xb8;
	[tilespmem:$0x18800] =	vst v63  }
0x520: {  	_ =	swait.ge [sflag:s17], $0x800  }
0x521: {  	[sflag:s17] =	ssyncset.done $0x0  }
0x522: {  	s7 =	simm.s32 $0xA80;
	[sflag:s17] =	ssyncadd.s32 $0xFFFFF800  }
0x523: {  	[tilespmem:s25], [sflag:$0x2] =	stream.indirect.gather [hbm4b:s4+s23], $0x80, s7, s23, $0xb8;
	[tilespmem:$0x18800] =	vst v63  }
0x524: {  	_ =	swait.ge [sflag:s24], $0x800  }
0x525: {  	[sflag:s24] =	ssyncset.done $0x0  }
0x526: {  	s7 =	simm.s32 $0xB00;
	[sflag:s24] =	ssyncadd.s32 $0xFFFFF800  }
0x527: {  	[tilespmem:s28], [sflag:$0x3] =	stream.indirect.gather [hbm4b:s4+s23], $0x80, s7, s23, $0xb8;
	[tilespmem:$0x18800] =	vst v63  }
0x528: {  	_ =	swait.ge [sflag:s29], $0x800  }
0x529: {  	[sflag:s29] =	ssyncset.done $0x0  }
0x52a: {  	s7 =	simm.s32 $0xB80;
	[sflag:s29] =	ssyncadd.s32 $0xFFFFF800  }
0x52b: {  	[tilespmem:s30], [sflag:$0x4] =	stream.indirect.gather [hbm4b:s4+s23], $0x80, s7, s23, $0xb8;
	[tilespmem:$0x18800] =	vst v63  }
0x52c: {  	_ =	swait.ge [sflag:s1], $0x800  }
0x52d: {  	[sflag:s1] =	ssyncset.done $0x0  }
0x52e: {  	s7 =	simm.s32 $0xC00;
	[sflag:s1] =	ssyncadd.s32 $0xFFFFF800  }
0x52f: {  	[tilespmem:s0], [sflag:$0x5] =	stream.indirect.gather [hbm4b:s4+s23], $0x80, s7, s23, $0xb8;
	[tilespmem:$0x18800] =	vst v63  }
0x530: {  	_ =	swait.ge [sflag:s6], $0x800  }
0x531: {  	[sflag:s6] =	ssyncset.done $0x0  }
0x532: {  	s7 =	simm.s32 $0x1A00;
	[sflag:s6] =	ssyncadd.s32 $0xFFFFF800  }
0x533: {  	[spmem:s2] =	stream.indirect.scatter.add.f32 [tilespmem:s20], [sflag:$0x6], $0x80, s7, s23, $0xb8;
	[tilespmem:$0x18800] =	vst v63  }
0x534: {  	_ =	swait.ge [sflag:s8], $0x800  }
0x535: {  	[sflag:s8] =	ssyncset.done $0x0  }
0x536: {  	s7 =	simm.s32 $0x1A80;
	[sflag:s8] =	ssyncadd.s32 $0xFFFFF800  }
0x537: {  	[spmem:s2] =	stream.indirect.scatter.add.f32 [tilespmem:s25], [sflag:$0x7], $0x80, s7, s23, $0xb8;
	[tilespmem:$0x18800] =	vst v63  }
0x538: {  	_ =	swait.ge [sflag:s9], $0x800  }
0x539: {  	[sflag:s9] =	ssyncset.done $0x0  }
0x53a: {  	s7 =	simm.s32 $0x1B00;
	[sflag:s9] =	ssyncadd.s32 $0xFFFFF800  }
0x53b: {  	[spmem:s2] =	stream.indirect.scatter.add.f32 [tilespmem:s28], [sflag:$0x8], $0x80, s7, s23, $0xb8;
	[tilespmem:$0x18800] =	vst v63  }
0x53c: {  	_ =	swait.ge [sflag:s11], $0x800  }
0x53d: {  	[sflag:s11] =	ssyncset.done $0x0  }
0x53e: {  	s7 =	simm.s32 $0x1B80;
	[sflag:s11] =	ssyncadd.s32 $0xFFFFF800  }
0x53f: {  	[spmem:s2] =	stream.indirect.scatter.add.f32 [tilespmem:s30], [sflag:$0x9], $0x80, s7, s23, $0xb8;
	[tilespmem:$0x18800] =	vst v63  }
0x540: {  	_ =	swait.ge [sflag:s13], $0x800  }
0x541: {  	[sflag:s13] =	ssyncset.done $0x0  }
0x542: {  	s7 =	simm.s32 $0x1C00;
	[sflag:s13] =	ssyncadd.s32 $0xFFFFF800  }
0x543: {  	[spmem:s2] =	stream.indirect.scatter.add.f32 [tilespmem:s0], [sflag:$0xA], $0x80, s7, s23, $0xb8;
	[tilespmem:$0x18800] =	vst v63  }
0x544: {  	_ =	swait.ge [sflag:s15], $0x800  }
0x545: {  	[sflag:s15] =	ssyncset.done $0x0  }
0x546: {  	[sflag:s15] =	ssyncadd.s32 $0xFFFFF800  }
0x547: {  	_ =	swait.ge [sflag:s17], $0x800  }
0x548: {  	[sflag:s17] =	ssyncset.done $0x0  }
0x549: {  	[sflag:s17] =	ssyncadd.s32 $0xFFFFF800  }
0x54a: {  	_ =	swait.ge [sflag:s24], $0x800  }
0x54b: {  	[sflag:s24] =	ssyncset.done $0x0  }
0x54c: {  	[sflag:s24] =	ssyncadd.s32 $0xFFFFF800  }
.Ltmp6:
0x54d: {  	_ =	swait.ge [sflag:s29], $0x800;
	(pc) =	sbr.rel @!p1 .LBB2_5-.Ltmp6, $4  }
0x54e: {  	[sflag:s29] =	ssyncset.done $0x0  }
0x54f: {  	[sflag:s29] =	ssyncadd.s32 $0xFFFFF800  }
0x550: {  	_ =	swait.ge [sflag:s1], $0x800  }
0x551: {  	s14 =	smov.u32 s16;
	[sflag:s1] =	ssyncset.done $0x0  }
.Ltmp7:
0x552: {  	_ = 	snop;
	(pc) =	sbr.rel .LBB2_6-.Ltmp7, $1  }
0x553: {  	_ =	sdelay $0x3  }
.LBB2_11:
0x554: {  	_ =	sfence.sel $0x180000  }
0x555: {  	[bflag:$0x0] =	sbarrier.arrive $0xFFFF  }
0x556: {  	_ =	strace $0x90000047  }
0x557: {  	s0 =	stileid.u32;
	[bflag:$0x2] =	sbarrier.arrive $0xFFFF  }
0x558: {  	p0 =	sne.s32 s0, $0x0;
	s0 =	rddreg [dreg:$0x3]  }
0x559: {  	s0 =	sadd.s32 @!p0 $0x100000, s0  }
0x55a: {  	[sflag:s0] =	ssyncadd.tile.s32 @!p0 $0x1;
	_ =	shalt  }
.Lfunc_end2:
_tile_overlayer_lowered:
.L_overlay_start_2:
0x55b: {  	(tag) =	ssettag $0x2  }
0x55c: {  	s0 =	rddreg [dreg:$0x0];
	s2 =	stileid.u32  }
0x55d: {  	s1 =	rddreg [dreg:$0x1];
	p0 =	sne.s32 s2, $0x0  }
0x55e: {  	s3 =	rddreg [dreg:$0x2];
	[bflag:$0x3] =	sbarrier.arrive $0xFFFF;
	s2 =	simm.s32 @!p0 $0x1C0B  }
0x55f: {  	[timem:s3], [sflag:s2] =	dma.local @!p0 [hbm:s0], s1  }
0x560: {  	s0 =	simm.s32 @!p0 $0xB  }
0x561: {  	_ =	swait.ge @!p0 [sflag:s0], s1  }
0x562: {  	s1 =	ssub.s32 @!p0 $0x0, s1;
	[sflag:s0] =	ssyncset.done @!p0 $0x0  }
0x563: {  	[sflag:s0] =	ssyncadd.s32 @!p0 s1  }
0x564: {  	[bflag:$0x3] =	sbarrier.arrive $0xFFFF  }
0x565: {  	_ =	shalt  }

</sc_bundles>
